<compile_context>
chip_gen: v7x
topology: tpu7x:2x2x1
jax: 0.10.2.dev20260603
libtpu: 0.0.44.dev20260713+nightly
codegen_flags: <defaults>
</compile_context>

<pallas_src>
import functools

import jax
import jax.numpy as jnp
from jax import lax
from jax.experimental import pallas as pl
from jax.experimental.pallas import tpu as pltpu
from jax.experimental.pallas import tpu_sc as plsc

B = 1024
L = 50
LP = 64
C = 32
BT = B * L

def _dp_body(x_ref, y_ref, m_ref, acc_ref):
    srow = lax.broadcasted_iota(jnp.int32, (LP, B), 0)
    x = x_ref[...]
    m_ref[...] = jnp.zeros((LP, B), jnp.int32)
    acc_ref[...] = jnp.full((LP, B), -1, jnp.int32)

    def step(i, carry):
        M = m_ref[...]
        xi = jnp.sum(jnp.where(srow == i, x, 0), axis=0, keepdims=True)
        eq = x == xi
        shifted = jnp.where(srow == 0, 0, pltpu.roll(M, 1, 0))
        mcur = jnp.where(eq, shifted + 1, 0)
        mm = jnp.where(srow < i, mcur, 0)
        lmax = jnp.max(mm, axis=0, keepdims=True)
        jb = jnp.max(jnp.where(mm == lmax, srow, -1), axis=0, keepdims=True)
        nxt = jnp.sum(jnp.where(srow == jb + 1, x, 0), axis=0, keepdims=True)
        yi = jnp.where(lmax > 0, nxt, -1)
        m_ref[...] = mcur
        acc_ref[...] = jnp.where(srow == i, yi, acc_ref[...])
        return carry

    lax.fori_loop(0, L, step, 0)
    yt = acc_ref[...].T
    y_ref[...] = jnp.concatenate([yt[:512], yt[512:]], axis=1)


def _run_dp(x_pad):
    return pl.pallas_call(
        _dp_body,
        out_shape=jax.ShapeDtypeStruct((512, 128), jnp.int32),
        scratch_shapes=[pltpu.VMEM((LP, B), jnp.int32),
                        pltpu.VMEM((LP, B), jnp.int32)],
    )(x_pad)


_NW = 32
_BPW = BT // _NW
_RPW = B // _NW
_CHUNK = 80
_NCH = _BPW // _CHUNK
_ZR = 80
_CAP = _BPW + _CHUNK + 16


def _bcast_lane(v, lane_idx):
    return lax.gather(
        v, lane_idx[:, None],
        lax.GatherDimensionNumbers(
            offset_dims=(), collapsed_slice_dims=(0,), start_index_map=(0,)),
        (1,), mode=lax.GatherScatterMode.PROMISE_IN_BOUNDS)


def _bcast0(v):
    return _bcast_lane(v, jnp.zeros((16,), jnp.int32))


def _prefix_incl(v, lanes):
    x = v
    for d in (1, 2, 4, 8):
        sh = _bcast_lane(x, jnp.maximum(lanes - d, 0))
        x = x + jnp.where(lanes >= d, sh, 0)
    return x


def _sc_body(table_hbm, t_hbm, out_hbm, t_v, cidx, cdst, grp, lsl, gsem, osem):
    wid = lax.axis_index("s") * 2 + lax.axis_index("c")
    pltpu.sync_copy(t_hbm.at[pl.ds(wid * 16, 16)], t_v)

    def zstore(j, carry):
        lsl[j >> 3, pl.ds((j & 7) * 16, 16)] = jnp.zeros((16,), jnp.float32)
        return carry
    lax.fori_loop(0, 400 * 8, zstore, 0)

    def cgroup(k, n):
        r = k >> 3
        kc = k & 7
        tv = t_v[r, pl.ds(kc * 16, 16)]
        ldbase = (kc >> 2) * 800 + r * L + (kc & 3) * 16
        for j in range(16):
            e = tv[j]
            act = e >= 0

            @pl.when(act)
            def _():
                cidx[pl.ds(n, 16)] = jnp.full((16,), e >> 2, jnp.int32)
                cdst[pl.ds(n, 16)] = jnp.full(
                    (16,), ((e & 3) << 16) | (ldbase + j), jnp.int32)

            n = jnp.where(act, n + 1, n)
        return n

    n = lax.fori_loop(0, 128, cgroup, jnp.int32(0))

    c0 = _bcast0(cidx[pl.ds(0, 16)])
    d0 = _bcast0(cdst[pl.ds(0, 16)])
    for mm in range(_CHUNK // 16):
        cidx[pl.ds(n + mm * 16, 16)] = c0
        cdst[pl.ds(n + mm * 16, 16)] = d0

    nch = (n + (_CHUNK - 1)) // _CHUNK

    def chunk(q, carry):
        g = pltpu.make_async_copy(
            table_hbm.at[cidx.at[pl.ds(q * _CHUNK, _CHUNK)]], grp, gsem)
        g.start()
        g.wait()

        def place(v, carry2):
            dv = cdst[pl.ds(q * _CHUNK + v * 16, 16)]
            for j in range(16):
                d = dv[j]
                sub = (d >> 16) * 32
                slot = d & 0xFFFF
                row = slot >> 2
                col = (slot & 3) * 32
                lsl[row, pl.ds(col, 16)] = grp[v * 16 + j, pl.ds(sub, 16)]
                lsl[row, pl.ds(col + 16, 16)] = grp[v * 16 + j,
                                                    pl.ds(sub + 16, 16)]
            return carry2

        lax.fori_loop(0, _CHUNK // 16, place, 0)
        return carry

    lax.fori_loop(0, nch, chunk, 0)

    o0 = pltpu.make_async_copy(
        lsl.at[pl.ds(0, 200)], out_hbm.at[pl.ds(wid * 200, 200)], osem)
    o1 = pltpu.make_async_copy(
        lsl.at[pl.ds(200, 200)], out_hbm.at[pl.ds(6400 + wid * 200, 200)], osem)
    o0.start()
    o1.start()
    o0.wait()
    o1.wait()


def _run_lookup(emb_weight, t_lin):
    mesh = plsc.VectorSubcoreMesh(core_axis_name="c", subcore_axis_name="s")
    k = functools.partial(
        pl.kernel,
        out_type=jax.ShapeDtypeStruct((12800, 128), jnp.float32),
        mesh=mesh,
        scratch_types=[
            pltpu.VMEM((16, 128), jnp.int32),
            pltpu.VMEM((_CAP,), jnp.int32),
            pltpu.VMEM((_CAP,), jnp.int32),
            pltpu.VMEM((_CHUNK, 128), jnp.float32),
            pltpu.VMEM((400, 128), jnp.float32),
            pltpu.SemaphoreType.DMA,
            pltpu.SemaphoreType.DMA,
        ],
        compiler_params=pltpu.CompilerParams(use_tc_tiling_on_sc=True),
    )(_sc_body)
    return k(emb_weight.reshape(250000, 128), t_lin)


def kernel(idx, emb_weight):
    xt = jnp.pad(idx.T, ((0, LP - L), (0, 0)), constant_values=-1)
    y = _run_dp(xt)
    out = _run_lookup(emb_weight, y)
    return out.reshape(BT, C).reshape(B, L, C)

# --- scband reference (transcript-rebuilt; emitter-appended) ---
"""Pipeline reference for scband-emb-rosa-47665547051799 (READ-ONLY COPY).

The authoritative reference and input builder live on the scoring server;
editing this copy changes nothing except your own understanding.
"""

import jax, jax.numpy as jnp
import numpy as np

def rosa(x):
    n = len(x)
    y = [-1] * n
    s = 2 * n + 1
    b = [None] * s
    c = [-1] * s
    d = [0] * s
    e = [-1] * s
    b[0] = {}
    g = 0
    z = 1
    for i, t in enumerate(x):
        r = z
        z += 1
        b[r] = {}
        d[r] = d[g] + 1
        p = g
        while p != -1 and t not in b[p]:
            b[p][t] = r
            p = c[p]
        if p == -1:
            c[r] = 0
        else:
            q = b[p][t]
            if d[p] + 1 == d[q]:
                c[r] = q
            else:
                u = z
                z += 1
                b[u] = b[q].copy()
                d[u] = d[p] + 1
                c[u] = c[q]
                e[u] = e[q]
                while p != -1 and b[p][t] == q:
                    b[p][t] = u
                    p = c[p]
                c[q] = c[r] = u
        v = g = r
        a = -1
        while v != -1:
            if d[v] > 0 and e[v] >= 0:
                a = x[e[v] + 1]
                break
            v = c[v]
        y[i] = a
        v = g
        while v != -1 and e[v] < i:
            e[v] = i
            v = c[v]
    return y

def rosa_np(z):
    z = np.asarray(z)
    return np.stack([np.asarray(rosa([int(t) for t in row]), dtype=np.int64) for row in z])

V = 1000000
C = 32
B = 1024
L = 50

def setup_inputs(seed: int = 0):
    key = jax.random.key(seed)
    k1, k2 = jax.random.split(key)
    idx = jax.random.randint(k1, (B, L), 0, V, dtype=jnp.int32)
    emb_weight = jax.random.normal(k2, (V, C), dtype=jnp.float32)
    return {"idx": idx, "emb_weight": emb_weight}

def reference(idx, emb_weight):
    x = idx
    Ln = x.shape[1]
    jidx = jnp.arange(Ln)

    def step(Mprev, i):
        xi = jnp.take(x, i, axis=1)
        eq = xi[:, None] == x
        shifted = jnp.pad(Mprev, ((0, 0), (1, 0)))[:, :Ln]
        Mcur = jnp.where(eq, shifted + 1, 0)
        valid = jidx < i
        Mm = jnp.where(valid[None, :], Mcur, 0)
        lmax = jnp.max(Mm, axis=1)
        jbest = (Ln - 1) - jnp.argmax(Mm[:, ::-1], axis=1)
        gather_ix = jnp.clip(jbest + 1, 0, Ln - 1)
        nxt = jnp.take_along_axis(x, gather_ix[:, None], axis=1)[:, 0]
        yi = jnp.where(lmax > 0, nxt, jnp.full_like(nxt, -1))
        return Mcur, yi

    M0 = jnp.zeros_like(x)
    _, yT = jax.lax.scan(step, M0, jnp.arange(Ln))
    t = yT.T
    out = jnp.take(emb_weight, jnp.clip(t, 0, None), axis=0)
    out = jnp.where((t == -1)[..., None], jnp.zeros_like(out), out)
    return out

if __name__ == "__main__":
    import jax
    _d = setup_inputs()
    print(jax.jit(kernel)(*tuple(_d.values())))

</pallas_src>

<mosaic_0001>
#map = affine_map<(d0, d1) -> (0, 0)>
module attributes {stable_mosaic.version = 14 : i64} {
  func.func @_sc_body(%arg0: i32, %arg1: i32, %arg2: memref<250000x128xf32, #tpu.memory_space<hbm>>, %arg3: memref<512x128xi32, #tpu.memory_space<hbm>>, %arg4: memref<12800x128xf32, #tpu.memory_space<hbm>>, %arg5: memref<16x128xi32, #tpu.memory_space<vmem>>, %arg6: memref<1696xi32, #tpu.memory_space<vmem>>, %arg7: memref<1696xi32, #tpu.memory_space<vmem>>, %arg8: memref<80x128xf32, #tpu.memory_space<vmem>>, %arg9: memref<400x128xf32, #tpu.memory_space<vmem>>, %arg10: memref<!tpu.dma_semaphore, #tpu.memory_space<semaphore_mem>>, %arg11: memref<!tpu.dma_semaphore, #tpu.memory_space<semaphore_mem>>) attributes {dimension_semantics = [#tpu.dimension_semantics<core_parallel>, #tpu.dimension_semantics<subcore_parallel>], iteration_bounds = array<i64: 2, 16>, scalar_prefetch = 0 : i64, scratch_operands = 7 : i64, tpu.core_type = #tpu.core_type<sc_vector_subcore>, window_params = [{transform_indices = #map}, {transform_indices = #map}, {transform_indices = #map}]} {
    %mul3A = arith.constant 2 : i32
    %mul3A_0 = arith.muli %arg1, %mul3A : i32
    %add3A = arith.addi %mul3A_0, %arg0 : i32
    %mul3A_1 = arith.constant 16 : i32
    %mul3A_2 = arith.muli %add3A, %mul3A_1 : i32
    "tpu.region"() ({
      %run_scoped3A = tpu.sem_alloc : memref<!tpu.dma_semaphore, #tpu.memory_space<semaphore_mem>>
      %dma_start3A_158 = arith.constant 0 : i32
      %dma_start3A_159 = tpu.memref_slice %arg3[%mul3A_2, %dma_start3A_158] : memref<512x128xi32, #tpu.memory_space<hbm>> -> memref<16x128xi32, #tpu.memory_space<hbm>>
      %dma_start3A_160 = arith.constant 0 : i32
      %dma_start3A_161 = tpu.memref_slice %arg3[%mul3A_2, %dma_start3A_160] : memref<512x128xi32, #tpu.memory_space<hbm>> -> memref<16x128xi32, #tpu.memory_space<hbm>>
      tpu.enqueue_dma source(%dma_start3A_161 : memref<16x128xi32, #tpu.memory_space<hbm>>) target(%arg5 : memref<16x128xi32, #tpu.memory_space<vmem>>) target_semaphore(%run_scoped3A : memref<!tpu.dma_semaphore, #tpu.memory_space<semaphore_mem>>)
      %dma_wait3A_162 = arith.constant 0 : i32
      %dma_wait3A_163 = tpu.memref_slice %arg3[%mul3A_2, %dma_wait3A_162] : memref<512x128xi32, #tpu.memory_space<hbm>> -> memref<16x128xi32, #tpu.memory_space<hbm>>
      %dma_wait3A_164 = arith.constant 0 : i32
      %dma_wait3A_165 = tpu.memref_slice %arg3[%mul3A_2, %dma_wait3A_164] : memref<512x128xi32, #tpu.memory_space<hbm>> -> memref<16x128xi32, #tpu.memory_space<hbm>>
      tpu.wait_dma2 semaphore(%run_scoped3A : memref<!tpu.dma_semaphore, #tpu.memory_space<semaphore_mem>>) src(%dma_wait3A_165 : memref<16x128xi32, #tpu.memory_space<hbm>>) dst(%arg5 : memref<16x128xi32, #tpu.memory_space<vmem>>)
      tpu.yield
    }) : () -> ()
    %scan3A = arith.constant 0 : i32
    %scan3A_3 = arith.constant 0 : i32
    %scan3A_4 = arith.constant 3200 : i32
    %scan3A_5 = arith.addi %scan3A_3, %scan3A_4 : i32
    %scan3A_6 = arith.constant 1 : i32
    scf.for %scan3A_158 = %scan3A_3 to %scan3A_5 step %scan3A_6  : i32 {
      %broadcast_in_dim3A_159 = arith.constant 0.000000e+00 : f32
      %broadcast_in_dim3A_160 = vector.broadcast %broadcast_in_dim3A_159 : f32 to vector<16xf32>
      %shift_right_arithmetic3A = arith.constant 3 : i32
      %shift_right_arithmetic3A_161 = arith.shrsi %scan3A_158, %shift_right_arithmetic3A : i32
      %and3A_162 = arith.constant 7 : i32
      %and3A_163 = arith.andi %scan3A_158, %and3A_162 : i32
      %mul3A_164 = arith.constant 16 : i32
      %mul3A_165 = arith.muli %and3A_163, %mul3A_164 : i32
      %swap3A_166 = arith.index_cast %shift_right_arithmetic3A_161 : i32 to index
      %swap3A_167 = arith.index_cast %mul3A_165 : i32 to index
      %swap3A_168 = tpu.vector_load %arg9[%swap3A_166, %swap3A_167] {strides = array<i32>} : memref<400x128xf32, #tpu.memory_space<vmem>>, vector<1x16xf32>,
      %swap3A_169 = vector.shape_cast %swap3A_168 : vector<1x16xf32> to vector<16xf32>
      %swap3A_170 = vector.shape_cast %broadcast_in_dim3A_160 : vector<16xf32> to vector<1x16xf32>
      tpu.vector_store %arg9[%swap3A_166, %swap3A_167], %swap3A_170 {strides = array<i32>} : memref<400x128xf32, #tpu.memory_space<vmem>>, vector<1x16xf32>,
    }
    %scan3A_7 = arith.constant 3200 : i32
    %scan3A_8 = arith.constant 0 : i32
    %scan3A_9 = arith.constant 0 : i32
    %scan3A_10 = arith.constant 128 : i32
    %scan3A_11 = arith.addi %scan3A_9, %scan3A_10 : i32
    %scan3A_12 = arith.constant 1 : i32
    %scan3A_13 = scf.for %scan3A_158 = %scan3A_9 to %scan3A_11 step %scan3A_12 iter_args(%scan3A_159 = %scan3A_8) -> (i32)  : i32 {
      %shift_right_arithmetic3A = arith.constant 3 : i32
      %shift_right_arithmetic3A_160 = arith.shrsi %scan3A_158, %shift_right_arithmetic3A : i32
      %and3A_161 = arith.constant 7 : i32
      %and3A_162 = arith.andi %scan3A_158, %and3A_161 : i32
      %mul3A_163 = arith.constant 16 : i32
      %mul3A_164 = arith.muli %and3A_162, %mul3A_163 : i32
      %get3A_165 = arith.index_cast %shift_right_arithmetic3A_160 : i32 to index
      %get3A_166 = arith.index_cast %mul3A_164 : i32 to index
      %get3A_167 = tpu.vector_load %arg5[%get3A_165, %get3A_166] {strides = array<i32>} : memref<16x128xi32, #tpu.memory_space<vmem>>, vector<1x16xi32>,
      %get3A_168 = vector.shape_cast %get3A_167 : vector<1x16xi32> to vector<16xi32>
      %shift_right_arithmetic3A_169 = arith.constant 2 : i32
      %shift_right_arithmetic3A_170 = arith.shrsi %and3A_162, %shift_right_arithmetic3A_169 : i32
      %mul3A_171 = arith.constant 800 : i32
      %mul3A_172 = arith.muli %shift_right_arithmetic3A_170, %mul3A_171 : i32
      %mul3A_173 = arith.constant 50 : i32
      %mul3A_174 = arith.muli %shift_right_arithmetic3A_160, %mul3A_173 : i32
      %add3A_175 = arith.addi %mul3A_172, %mul3A_174 : i32
      %and3A_176 = arith.constant 3 : i32
      %and3A_177 = arith.andi %and3A_162, %and3A_176 : i32
      %mul3A_178 = arith.constant 16 : i32
      %mul3A_179 = arith.muli %and3A_177, %mul3A_178 : i32
      %add3A_180 = arith.addi %add3A_175, %mul3A_179 : i32
      %slice3A = vector.extract_strided_slice %get3A_168 {offsets = [0], sizes = [1], strides = [1]} : vector<16xi32> to vector<1xi32>
      %squeeze3A = vector.extract %slice3A[0] : i32 from vector<1xi32>
      %ge3A = arith.constant 0 : i32
      %ge3A_181 = arith.cmpi sge, %squeeze3A, %ge3A : i32
      %convert_element_type3A = arith.extui %ge3A_181 : i1 to i32
      %cond3A = arith.constant 0 : i32
      %cond3A_182 = arith.cmpi ne, %convert_element_type3A, %cond3A : i32
      scf.if %cond3A_182 {
        %shift_right_arithmetic3A_336 = arith.constant 2 : i32
        %shift_right_arithmetic3A_337 = arith.shrsi %squeeze3A, %shift_right_arithmetic3A_336 : i32
        %broadcast_in_dim3A_338 = vector.broadcast %shift_right_arithmetic3A_337 : i32 to vector<16xi32>
        %swap3A_339 = arith.index_cast %scan3A_159 : i32 to index
        %swap3A_340 = tpu.vector_load %arg6[%swap3A_339] {strides = array<i32>} : memref<1696xi32, #tpu.memory_space<vmem>>, vector<16xi32>,
        %swap3A_341 = vector.shape_cast %swap3A_340 : vector<16xi32> to vector<16xi32>
        %swap3A_342 = vector.shape_cast %broadcast_in_dim3A_338 : vector<16xi32> to vector<16xi32>
        tpu.vector_store %arg6[%swap3A_339], %swap3A_342 {strides = array<i32>} : memref<1696xi32, #tpu.memory_space<vmem>>, vector<16xi32>,
        %and3A_343 = arith.constant 3 : i32
        %and3A_344 = arith.andi %squeeze3A, %and3A_343 : i32
        %shift_left3A = arith.constant 16 : i32
        %shift_left3A_345 = arith.shli %and3A_344, %shift_left3A : i32
        %add3A_346 = arith.constant 0 : i32
        %add3A_347 = arith.addi %add3A_180, %add3A_346 : i32
        %or3A = arith.ori %shift_left3A_345, %add3A_347 : i32
        %broadcast_in_dim3A_348 = vector.broadcast %or3A : i32 to vector<16xi32>
        %swap3A_349 = arith.index_cast %scan3A_159 : i32 to index
        %swap3A_350 = tpu.vector_load %arg7[%swap3A_349] {strides = array<i32>} : memref<1696xi32, #tpu.memory_space<vmem>>, vector<16xi32>,
        %swap3A_351 = vector.shape_cast %swap3A_350 : vector<16xi32> to vector<16xi32>
        %swap3A_352 = vector.shape_cast %broadcast_in_dim3A_348 : vector<16xi32> to vector<16xi32>
        tpu.vector_store %arg7[%swap3A_349], %swap3A_352 {strides = array<i32>} : memref<1696xi32, #tpu.memory_space<vmem>>, vector<16xi32>,
      } else {
      }
      %add3A_183 = arith.constant 1 : i32
      %add3A_184 = arith.addi %scan3A_159, %add3A_183 : i32
      %select_n3A_185 = arith.select %ge3A_181, %add3A_184, %scan3A_159 : i32
      %slice3A_186 = vector.extract_strided_slice %get3A_168 {offsets = [1], sizes = [1], strides = [1]} : vector<16xi32> to vector<1xi32>
      %squeeze3A_187 = vector.extract %slice3A_186[0] : i32 from vector<1xi32>
      %ge3A_188 = arith.constant 0 : i32
      %ge3A_189 = arith.cmpi sge, %squeeze3A_187, %ge3A_188 : i32
      %convert_element_type3A_190 = arith.extui %ge3A_189 : i1 to i32
      %cond3A_191 = arith.constant 0 : i32
      %cond3A_192 = arith.cmpi ne, %convert_element_type3A_190, %cond3A_191 : i32
      scf.if %cond3A_192 {
        %shift_right_arithmetic3A_336 = arith.constant 2 : i32
        %shift_right_arithmetic3A_337 = arith.shrsi %squeeze3A_187, %shift_right_arithmetic3A_336 : i32
        %broadcast_in_dim3A_338 = vector.broadcast %shift_right_arithmetic3A_337 : i32 to vector<16xi32>
        %swap3A_339 = arith.index_cast %select_n3A_185 : i32 to index
        %swap3A_340 = tpu.vector_load %arg6[%swap3A_339] {strides = array<i32>} : memref<1696xi32, #tpu.memory_space<vmem>>, vector<16xi32>,
        %swap3A_341 = vector.shape_cast %swap3A_340 : vector<16xi32> to vector<16xi32>
        %swap3A_342 = vector.shape_cast %broadcast_in_dim3A_338 : vector<16xi32> to vector<16xi32>
        tpu.vector_store %arg6[%swap3A_339], %swap3A_342 {strides = array<i32>} : memref<1696xi32, #tpu.memory_space<vmem>>, vector<16xi32>,
        %and3A_343 = arith.constant 3 : i32
        %and3A_344 = arith.andi %squeeze3A_187, %and3A_343 : i32
        %shift_left3A = arith.constant 16 : i32
        %shift_left3A_345 = arith.shli %and3A_344, %shift_left3A : i32
        %add3A_346 = arith.constant 1 : i32
        %add3A_347 = arith.addi %add3A_180, %add3A_346 : i32
        %or3A = arith.ori %shift_left3A_345, %add3A_347 : i32
        %broadcast_in_dim3A_348 = vector.broadcast %or3A : i32 to vector<16xi32>
        %swap3A_349 = arith.index_cast %select_n3A_185 : i32 to index
        %swap3A_350 = tpu.vector_load %arg7[%swap3A_349] {strides = array<i32>} : memref<1696xi32, #tpu.memory_space<vmem>>, vector<16xi32>,
        %swap3A_351 = vector.shape_cast %swap3A_350 : vector<16xi32> to vector<16xi32>
        %swap3A_352 = vector.shape_cast %broadcast_in_dim3A_348 : vector<16xi32> to vector<16xi32>
        tpu.vector_store %arg7[%swap3A_349], %swap3A_352 {strides = array<i32>} : memref<1696xi32, #tpu.memory_space<vmem>>, vector<16xi32>,
      } else {
      }
      %add3A_193 = arith.constant 1 : i32
      %add3A_194 = arith.addi %select_n3A_185, %add3A_193 : i32
      %select_n3A_195 = arith.select %ge3A_189, %add3A_194, %select_n3A_185 : i32
      %slice3A_196 = vector.extract_strided_slice %get3A_168 {offsets = [2], sizes = [1], strides = [1]} : vector<16xi32> to vector<1xi32>
      %squeeze3A_197 = vector.extract %slice3A_196[0] : i32 from vector<1xi32>
      %ge3A_198 = arith.constant 0 : i32
      %ge3A_199 = arith.cmpi sge, %squeeze3A_197, %ge3A_198 : i32
      %convert_element_type3A_200 = arith.extui %ge3A_199 : i1 to i32
      %cond3A_201 = arith.constant 0 : i32
      %cond3A_202 = arith.cmpi ne, %convert_element_type3A_200, %cond3A_201 : i32
      scf.if %cond3A_202 {
        %shift_right_arithmetic3A_336 = arith.constant 2 : i32
        %shift_right_arithmetic3A_337 = arith.shrsi %squeeze3A_197, %shift_right_arithmetic3A_336 : i32
        %broadcast_in_dim3A_338 = vector.broadcast %shift_right_arithmetic3A_337 : i32 to vector<16xi32>
        %swap3A_339 = arith.index_cast %select_n3A_195 : i32 to index
        %swap3A_340 = tpu.vector_load %arg6[%swap3A_339] {strides = array<i32>} : memref<1696xi32, #tpu.memory_space<vmem>>, vector<16xi32>,
        %swap3A_341 = vector.shape_cast %swap3A_340 : vector<16xi32> to vector<16xi32>
        %swap3A_342 = vector.shape_cast %broadcast_in_dim3A_338 : vector<16xi32> to vector<16xi32>
        tpu.vector_store %arg6[%swap3A_339], %swap3A_342 {strides = array<i32>} : memref<1696xi32, #tpu.memory_space<vmem>>, vector<16xi32>,
        %and3A_343 = arith.constant 3 : i32
        %and3A_344 = arith.andi %squeeze3A_197, %and3A_343 : i32
        %shift_left3A = arith.constant 16 : i32
        %shift_left3A_345 = arith.shli %and3A_344, %shift_left3A : i32
        %add3A_346 = arith.constant 2 : i32
        %add3A_347 = arith.addi %add3A_180, %add3A_346 : i32
        %or3A = arith.ori %shift_left3A_345, %add3A_347 : i32
        %broadcast_in_dim3A_348 = vector.broadcast %or3A : i32 to vector<16xi32>
        %swap3A_349 = arith.index_cast %select_n3A_195 : i32 to index
        %swap3A_350 = tpu.vector_load %arg7[%swap3A_349] {strides = array<i32>} : memref<1696xi32, #tpu.memory_space<vmem>>, vector<16xi32>,
        %swap3A_351 = vector.shape_cast %swap3A_350 : vector<16xi32> to vector<16xi32>
        %swap3A_352 = vector.shape_cast %broadcast_in_dim3A_348 : vector<16xi32> to vector<16xi32>
        tpu.vector_store %arg7[%swap3A_349], %swap3A_352 {strides = array<i32>} : memref<1696xi32, #tpu.memory_space<vmem>>, vector<16xi32>,
      } else {
      }
      %add3A_203 = arith.constant 1 : i32
      %add3A_204 = arith.addi %select_n3A_195, %add3A_203 : i32
      %select_n3A_205 = arith.select %ge3A_199, %add3A_204, %select_n3A_195 : i32
      %slice3A_206 = vector.extract_strided_slice %get3A_168 {offsets = [3], sizes = [1], strides = [1]} : vector<16xi32> to vector<1xi32>
      %squeeze3A_207 = vector.extract %slice3A_206[0] : i32 from vector<1xi32>
      %ge3A_208 = arith.constant 0 : i32
      %ge3A_209 = arith.cmpi sge, %squeeze3A_207, %ge3A_208 : i32
      %convert_element_type3A_210 = arith.extui %ge3A_209 : i1 to i32
      %cond3A_211 = arith.constant 0 : i32
      %cond3A_212 = arith.cmpi ne, %convert_element_type3A_210, %cond3A_211 : i32
      scf.if %cond3A_212 {
        %shift_right_arithmetic3A_336 = arith.constant 2 : i32
        %shift_right_arithmetic3A_337 = arith.shrsi %squeeze3A_207, %shift_right_arithmetic3A_336 : i32
        %broadcast_in_dim3A_338 = vector.broadcast %shift_right_arithmetic3A_337 : i32 to vector<16xi32>
        %swap3A_339 = arith.index_cast %select_n3A_205 : i32 to index
        %swap3A_340 = tpu.vector_load %arg6[%swap3A_339] {strides = array<i32>} : memref<1696xi32, #tpu.memory_space<vmem>>, vector<16xi32>,
        %swap3A_341 = vector.shape_cast %swap3A_340 : vector<16xi32> to vector<16xi32>
        %swap3A_342 = vector.shape_cast %broadcast_in_dim3A_338 : vector<16xi32> to vector<16xi32>
        tpu.vector_store %arg6[%swap3A_339], %swap3A_342 {strides = array<i32>} : memref<1696xi32, #tpu.memory_space<vmem>>, vector<16xi32>,
        %and3A_343 = arith.constant 3 : i32
        %and3A_344 = arith.andi %squeeze3A_207, %and3A_343 : i32
        %shift_left3A = arith.constant 16 : i32
        %shift_left3A_345 = arith.shli %and3A_344, %shift_left3A : i32
        %add3A_346 = arith.constant 3 : i32
        %add3A_347 = arith.addi %add3A_180, %add3A_346 : i32
        %or3A = arith.ori %shift_left3A_345, %add3A_347 : i32
        %broadcast_in_dim3A_348 = vector.broadcast %or3A : i32 to vector<16xi32>
        %swap3A_349 = arith.index_cast %select_n3A_205 : i32 to index
        %swap3A_350 = tpu.vector_load %arg7[%swap3A_349] {strides = array<i32>} : memref<1696xi32, #tpu.memory_space<vmem>>, vector<16xi32>,
        %swap3A_351 = vector.shape_cast %swap3A_350 : vector<16xi32> to vector<16xi32>
        %swap3A_352 = vector.shape_cast %broadcast_in_dim3A_348 : vector<16xi32> to vector<16xi32>
        tpu.vector_store %arg7[%swap3A_349], %swap3A_352 {strides = array<i32>} : memref<1696xi32, #tpu.memory_space<vmem>>, vector<16xi32>,
      } else {
      }
      %add3A_213 = arith.constant 1 : i32
      %add3A_214 = arith.addi %select_n3A_205, %add3A_213 : i32
      %select_n3A_215 = arith.select %ge3A_209, %add3A_214, %select_n3A_205 : i32
      %slice3A_216 = vector.extract_strided_slice %get3A_168 {offsets = [4], sizes = [1], strides = [1]} : vector<16xi32> to vector<1xi32>
      %squeeze3A_217 = vector.extract %slice3A_216[0] : i32 from vector<1xi32>
      %ge3A_218 = arith.constant 0 : i32
      %ge3A_219 = arith.cmpi sge, %squeeze3A_217, %ge3A_218 : i32
      %convert_element_type3A_220 = arith.extui %ge3A_219 : i1 to i32
      %cond3A_221 = arith.constant 0 : i32
      %cond3A_222 = arith.cmpi ne, %convert_element_type3A_220, %cond3A_221 : i32
      scf.if %cond3A_222 {
        %shift_right_arithmetic3A_336 = arith.constant 2 : i32
        %shift_right_arithmetic3A_337 = arith.shrsi %squeeze3A_217, %shift_right_arithmetic3A_336 : i32
        %broadcast_in_dim3A_338 = vector.broadcast %shift_right_arithmetic3A_337 : i32 to vector<16xi32>
        %swap3A_339 = arith.index_cast %select_n3A_215 : i32 to index
        %swap3A_340 = tpu.vector_load %arg6[%swap3A_339] {strides = array<i32>} : memref<1696xi32, #tpu.memory_space<vmem>>, vector<16xi32>,
        %swap3A_341 = vector.shape_cast %swap3A_340 : vector<16xi32> to vector<16xi32>
        %swap3A_342 = vector.shape_cast %broadcast_in_dim3A_338 : vector<16xi32> to vector<16xi32>
        tpu.vector_store %arg6[%swap3A_339], %swap3A_342 {strides = array<i32>} : memref<1696xi32, #tpu.memory_space<vmem>>, vector<16xi32>,
        %and3A_343 = arith.constant 3 : i32
        %and3A_344 = arith.andi %squeeze3A_217, %and3A_343 : i32
        %shift_left3A = arith.constant 16 : i32
        %shift_left3A_345 = arith.shli %and3A_344, %shift_left3A : i32
        %add3A_346 = arith.constant 4 : i32
        %add3A_347 = arith.addi %add3A_180, %add3A_346 : i32
        %or3A = arith.ori %shift_left3A_345, %add3A_347 : i32
        %broadcast_in_dim3A_348 = vector.broadcast %or3A : i32 to vector<16xi32>
        %swap3A_349 = arith.index_cast %select_n3A_215 : i32 to index
        %swap3A_350 = tpu.vector_load %arg7[%swap3A_349] {strides = array<i32>} : memref<1696xi32, #tpu.memory_space<vmem>>, vector<16xi32>,
        %swap3A_351 = vector.shape_cast %swap3A_350 : vector<16xi32> to vector<16xi32>
        %swap3A_352 = vector.shape_cast %broadcast_in_dim3A_348 : vector<16xi32> to vector<16xi32>
        tpu.vector_store %arg7[%swap3A_349], %swap3A_352 {strides = array<i32>} : memref<1696xi32, #tpu.memory_space<vmem>>, vector<16xi32>,
      } else {
      }
      %add3A_223 = arith.constant 1 : i32
      %add3A_224 = arith.addi %select_n3A_215, %add3A_223 : i32
      %select_n3A_225 = arith.select %ge3A_219, %add3A_224, %select_n3A_215 : i32
      %slice3A_226 = vector.extract_strided_slice %get3A_168 {offsets = [5], sizes = [1], strides = [1]} : vector<16xi32> to vector<1xi32>
      %squeeze3A_227 = vector.extract %slice3A_226[0] : i32 from vector<1xi32>
      %ge3A_228 = arith.constant 0 : i32
      %ge3A_229 = arith.cmpi sge, %squeeze3A_227, %ge3A_228 : i32
      %convert_element_type3A_230 = arith.extui %ge3A_229 : i1 to i32
      %cond3A_231 = arith.constant 0 : i32
      %cond3A_232 = arith.cmpi ne, %convert_element_type3A_230, %cond3A_231 : i32
      scf.if %cond3A_232 {
        %shift_right_arithmetic3A_336 = arith.constant 2 : i32
        %shift_right_arithmetic3A_337 = arith.shrsi %squeeze3A_227, %shift_right_arithmetic3A_336 : i32
        %broadcast_in_dim3A_338 = vector.broadcast %shift_right_arithmetic3A_337 : i32 to vector<16xi32>
        %swap3A_339 = arith.index_cast %select_n3A_225 : i32 to index
        %swap3A_340 = tpu.vector_load %arg6[%swap3A_339] {strides = array<i32>} : memref<1696xi32, #tpu.memory_space<vmem>>, vector<16xi32>,
        %swap3A_341 = vector.shape_cast %swap3A_340 : vector<16xi32> to vector<16xi32>
        %swap3A_342 = vector.shape_cast %broadcast_in_dim3A_338 : vector<16xi32> to vector<16xi32>
        tpu.vector_store %arg6[%swap3A_339], %swap3A_342 {strides = array<i32>} : memref<1696xi32, #tpu.memory_space<vmem>>, vector<16xi32>,
        %and3A_343 = arith.constant 3 : i32
        %and3A_344 = arith.andi %squeeze3A_227, %and3A_343 : i32
        %shift_left3A = arith.constant 16 : i32
        %shift_left3A_345 = arith.shli %and3A_344, %shift_left3A : i32
        %add3A_346 = arith.constant 5 : i32
        %add3A_347 = arith.addi %add3A_180, %add3A_346 : i32
        %or3A = arith.ori %shift_left3A_345, %add3A_347 : i32
        %broadcast_in_dim3A_348 = vector.broadcast %or3A : i32 to vector<16xi32>
        %swap3A_349 = arith.index_cast %select_n3A_225 : i32 to index
        %swap3A_350 = tpu.vector_load %arg7[%swap3A_349] {strides = array<i32>} : memref<1696xi32, #tpu.memory_space<vmem>>, vector<16xi32>,
        %swap3A_351 = vector.shape_cast %swap3A_350 : vector<16xi32> to vector<16xi32>
        %swap3A_352 = vector.shape_cast %broadcast_in_dim3A_348 : vector<16xi32> to vector<16xi32>
        tpu.vector_store %arg7[%swap3A_349], %swap3A_352 {strides = array<i32>} : memref<1696xi32, #tpu.memory_space<vmem>>, vector<16xi32>,
      } else {
      }
      %add3A_233 = arith.constant 1 : i32
      %add3A_234 = arith.addi %select_n3A_225, %add3A_233 : i32
      %select_n3A_235 = arith.select %ge3A_229, %add3A_234, %select_n3A_225 : i32
      %slice3A_236 = vector.extract_strided_slice %get3A_168 {offsets = [6], sizes = [1], strides = [1]} : vector<16xi32> to vector<1xi32>
      %squeeze3A_237 = vector.extract %slice3A_236[0] : i32 from vector<1xi32>
      %ge3A_238 = arith.constant 0 : i32
      %ge3A_239 = arith.cmpi sge, %squeeze3A_237, %ge3A_238 : i32
      %convert_element_type3A_240 = arith.extui %ge3A_239 : i1 to i32
      %cond3A_241 = arith.constant 0 : i32
      %cond3A_242 = arith.cmpi ne, %convert_element_type3A_240, %cond3A_241 : i32
      scf.if %cond3A_242 {
        %shift_right_arithmetic3A_336 = arith.constant 2 : i32
        %shift_right_arithmetic3A_337 = arith.shrsi %squeeze3A_237, %shift_right_arithmetic3A_336 : i32
        %broadcast_in_dim3A_338 = vector.broadcast %shift_right_arithmetic3A_337 : i32 to vector<16xi32>
        %swap3A_339 = arith.index_cast %select_n3A_235 : i32 to index
        %swap3A_340 = tpu.vector_load %arg6[%swap3A_339] {strides = array<i32>} : memref<1696xi32, #tpu.memory_space<vmem>>, vector<16xi32>,
        %swap3A_341 = vector.shape_cast %swap3A_340 : vector<16xi32> to vector<16xi32>
        %swap3A_342 = vector.shape_cast %broadcast_in_dim3A_338 : vector<16xi32> to vector<16xi32>
        tpu.vector_store %arg6[%swap3A_339], %swap3A_342 {strides = array<i32>} : memref<1696xi32, #tpu.memory_space<vmem>>, vector<16xi32>,
        %and3A_343 = arith.constant 3 : i32
        %and3A_344 = arith.andi %squeeze3A_237, %and3A_343 : i32
        %shift_left3A = arith.constant 16 : i32
        %shift_left3A_345 = arith.shli %and3A_344, %shift_left3A : i32
        %add3A_346 = arith.constant 6 : i32
        %add3A_347 = arith.addi %add3A_180, %add3A_346 : i32
        %or3A = arith.ori %shift_left3A_345, %add3A_347 : i32
        %broadcast_in_dim3A_348 = vector.broadcast %or3A : i32 to vector<16xi32>
        %swap3A_349 = arith.index_cast %select_n3A_235 : i32 to index
        %swap3A_350 = tpu.vector_load %arg7[%swap3A_349] {strides = array<i32>} : memref<1696xi32, #tpu.memory_space<vmem>>, vector<16xi32>,
        %swap3A_351 = vector.shape_cast %swap3A_350 : vector<16xi32> to vector<16xi32>
        %swap3A_352 = vector.shape_cast %broadcast_in_dim3A_348 : vector<16xi32> to vector<16xi32>
        tpu.vector_store %arg7[%swap3A_349], %swap3A_352 {strides = array<i32>} : memref<1696xi32, #tpu.memory_space<vmem>>, vector<16xi32>,
      } else {
      }
      %add3A_243 = arith.constant 1 : i32
      %add3A_244 = arith.addi %select_n3A_235, %add3A_243 : i32
      %select_n3A_245 = arith.select %ge3A_239, %add3A_244, %select_n3A_235 : i32
      %slice3A_246 = vector.extract_strided_slice %get3A_168 {offsets = [7], sizes = [1], strides = [1]} : vector<16xi32> to vector<1xi32>
      %squeeze3A_247 = vector.extract %slice3A_246[0] : i32 from vector<1xi32>
      %ge3A_248 = arith.constant 0 : i32
      %ge3A_249 = arith.cmpi sge, %squeeze3A_247, %ge3A_248 : i32
      %convert_element_type3A_250 = arith.extui %ge3A_249 : i1 to i32
      %cond3A_251 = arith.constant 0 : i32
      %cond3A_252 = arith.cmpi ne, %convert_element_type3A_250, %cond3A_251 : i32
      scf.if %cond3A_252 {
        %shift_right_arithmetic3A_336 = arith.constant 2 : i32
        %shift_right_arithmetic3A_337 = arith.shrsi %squeeze3A_247, %shift_right_arithmetic3A_336 : i32
        %broadcast_in_dim3A_338 = vector.broadcast %shift_right_arithmetic3A_337 : i32 to vector<16xi32>
        %swap3A_339 = arith.index_cast %select_n3A_245 : i32 to index
        %swap3A_340 = tpu.vector_load %arg6[%swap3A_339] {strides = array<i32>} : memref<1696xi32, #tpu.memory_space<vmem>>, vector<16xi32>,
        %swap3A_341 = vector.shape_cast %swap3A_340 : vector<16xi32> to vector<16xi32>
        %swap3A_342 = vector.shape_cast %broadcast_in_dim3A_338 : vector<16xi32> to vector<16xi32>
        tpu.vector_store %arg6[%swap3A_339], %swap3A_342 {strides = array<i32>} : memref<1696xi32, #tpu.memory_space<vmem>>, vector<16xi32>,
        %and3A_343 = arith.constant 3 : i32
        %and3A_344 = arith.andi %squeeze3A_247, %and3A_343 : i32
        %shift_left3A = arith.constant 16 : i32
        %shift_left3A_345 = arith.shli %and3A_344, %shift_left3A : i32
        %add3A_346 = arith.constant 7 : i32
        %add3A_347 = arith.addi %add3A_180, %add3A_346 : i32
        %or3A = arith.ori %shift_left3A_345, %add3A_347 : i32
        %broadcast_in_dim3A_348 = vector.broadcast %or3A : i32 to vector<16xi32>
        %swap3A_349 = arith.index_cast %select_n3A_245 : i32 to index
        %swap3A_350 = tpu.vector_load %arg7[%swap3A_349] {strides = array<i32>} : memref<1696xi32, #tpu.memory_space<vmem>>, vector<16xi32>,
        %swap3A_351 = vector.shape_cast %swap3A_350 : vector<16xi32> to vector<16xi32>
        %swap3A_352 = vector.shape_cast %broadcast_in_dim3A_348 : vector<16xi32> to vector<16xi32>
        tpu.vector_store %arg7[%swap3A_349], %swap3A_352 {strides = array<i32>} : memref<1696xi32, #tpu.memory_space<vmem>>, vector<16xi32>,
      } else {
      }
      %add3A_253 = arith.constant 1 : i32
      %add3A_254 = arith.addi %select_n3A_245, %add3A_253 : i32
      %select_n3A_255 = arith.select %ge3A_249, %add3A_254, %select_n3A_245 : i32
      %slice3A_256 = vector.extract_strided_slice %get3A_168 {offsets = [8], sizes = [1], strides = [1]} : vector<16xi32> to vector<1xi32>
      %squeeze3A_257 = vector.extract %slice3A_256[0] : i32 from vector<1xi32>
      %ge3A_258 = arith.constant 0 : i32
      %ge3A_259 = arith.cmpi sge, %squeeze3A_257, %ge3A_258 : i32
      %convert_element_type3A_260 = arith.extui %ge3A_259 : i1 to i32
      %cond3A_261 = arith.constant 0 : i32
      %cond3A_262 = arith.cmpi ne, %convert_element_type3A_260, %cond3A_261 : i32
      scf.if %cond3A_262 {
        %shift_right_arithmetic3A_336 = arith.constant 2 : i32
        %shift_right_arithmetic3A_337 = arith.shrsi %squeeze3A_257, %shift_right_arithmetic3A_336 : i32
        %broadcast_in_dim3A_338 = vector.broadcast %shift_right_arithmetic3A_337 : i32 to vector<16xi32>
        %swap3A_339 = arith.index_cast %select_n3A_255 : i32 to index
        %swap3A_340 = tpu.vector_load %arg6[%swap3A_339] {strides = array<i32>} : memref<1696xi32, #tpu.memory_space<vmem>>, vector<16xi32>,
        %swap3A_341 = vector.shape_cast %swap3A_340 : vector<16xi32> to vector<16xi32>
        %swap3A_342 = vector.shape_cast %broadcast_in_dim3A_338 : vector<16xi32> to vector<16xi32>
        tpu.vector_store %arg6[%swap3A_339], %swap3A_342 {strides = array<i32>} : memref<1696xi32, #tpu.memory_space<vmem>>, vector<16xi32>,
        %and3A_343 = arith.constant 3 : i32
        %and3A_344 = arith.andi %squeeze3A_257, %and3A_343 : i32
        %shift_left3A = arith.constant 16 : i32
        %shift_left3A_345 = arith.shli %and3A_344, %shift_left3A : i32
        %add3A_346 = arith.constant 8 : i32
        %add3A_347 = arith.addi %add3A_180, %add3A_346 : i32
        %or3A = arith.ori %shift_left3A_345, %add3A_347 : i32
        %broadcast_in_dim3A_348 = vector.broadcast %or3A : i32 to vector<16xi32>
        %swap3A_349 = arith.index_cast %select_n3A_255 : i32 to index
        %swap3A_350 = tpu.vector_load %arg7[%swap3A_349] {strides = array<i32>} : memref<1696xi32, #tpu.memory_space<vmem>>, vector<16xi32>,
        %swap3A_351 = vector.shape_cast %swap3A_350 : vector<16xi32> to vector<16xi32>
        %swap3A_352 = vector.shape_cast %broadcast_in_dim3A_348 : vector<16xi32> to vector<16xi32>
        tpu.vector_store %arg7[%swap3A_349], %swap3A_352 {strides = array<i32>} : memref<1696xi32, #tpu.memory_space<vmem>>, vector<16xi32>,
      } else {
      }
      %add3A_263 = arith.constant 1 : i32
      %add3A_264 = arith.addi %select_n3A_255, %add3A_263 : i32
      %select_n3A_265 = arith.select %ge3A_259, %add3A_264, %select_n3A_255 : i32
      %slice3A_266 = vector.extract_strided_slice %get3A_168 {offsets = [9], sizes = [1], strides = [1]} : vector<16xi32> to vector<1xi32>
      %squeeze3A_267 = vector.extract %slice3A_266[0] : i32 from vector<1xi32>
      %ge3A_268 = arith.constant 0 : i32
      %ge3A_269 = arith.cmpi sge, %squeeze3A_267, %ge3A_268 : i32
      %convert_element_type3A_270 = arith.extui %ge3A_269 : i1 to i32
      %cond3A_271 = arith.constant 0 : i32
      %cond3A_272 = arith.cmpi ne, %convert_element_type3A_270, %cond3A_271 : i32
      scf.if %cond3A_272 {
        %shift_right_arithmetic3A_336 = arith.constant 2 : i32
        %shift_right_arithmetic3A_337 = arith.shrsi %squeeze3A_267, %shift_right_arithmetic3A_336 : i32
        %broadcast_in_dim3A_338 = vector.broadcast %shift_right_arithmetic3A_337 : i32 to vector<16xi32>
        %swap3A_339 = arith.index_cast %select_n3A_265 : i32 to index
        %swap3A_340 = tpu.vector_load %arg6[%swap3A_339] {strides = array<i32>} : memref<1696xi32, #tpu.memory_space<vmem>>, vector<16xi32>,
        %swap3A_341 = vector.shape_cast %swap3A_340 : vector<16xi32> to vector<16xi32>
        %swap3A_342 = vector.shape_cast %broadcast_in_dim3A_338 : vector<16xi32> to vector<16xi32>
        tpu.vector_store %arg6[%swap3A_339], %swap3A_342 {strides = array<i32>} : memref<1696xi32, #tpu.memory_space<vmem>>, vector<16xi32>,
        %and3A_343 = arith.constant 3 : i32
        %and3A_344 = arith.andi %squeeze3A_267, %and3A_343 : i32
        %shift_left3A = arith.constant 16 : i32
        %shift_left3A_345 = arith.shli %and3A_344, %shift_left3A : i32
        %add3A_346 = arith.constant 9 : i32
        %add3A_347 = arith.addi %add3A_180, %add3A_346 : i32
        %or3A = arith.ori %shift_left3A_345, %add3A_347 : i32
        %broadcast_in_dim3A_348 = vector.broadcast %or3A : i32 to vector<16xi32>
        %swap3A_349 = arith.index_cast %select_n3A_265 : i32 to index
        %swap3A_350 = tpu.vector_load %arg7[%swap3A_349] {strides = array<i32>} : memref<1696xi32, #tpu.memory_space<vmem>>, vector<16xi32>,
        %swap3A_351 = vector.shape_cast %swap3A_350 : vector<16xi32> to vector<16xi32>
        %swap3A_352 = vector.shape_cast %broadcast_in_dim3A_348 : vector<16xi32> to vector<16xi32>
        tpu.vector_store %arg7[%swap3A_349], %swap3A_352 {strides = array<i32>} : memref<1696xi32, #tpu.memory_space<vmem>>, vector<16xi32>,
      } else {
      }
      %add3A_273 = arith.constant 1 : i32
      %add3A_274 = arith.addi %select_n3A_265, %add3A_273 : i32
      %select_n3A_275 = arith.select %ge3A_269, %add3A_274, %select_n3A_265 : i32
      %slice3A_276 = vector.extract_strided_slice %get3A_168 {offsets = [10], sizes = [1], strides = [1]} : vector<16xi32> to vector<1xi32>
      %squeeze3A_277 = vector.extract %slice3A_276[0] : i32 from vector<1xi32>
      %ge3A_278 = arith.constant 0 : i32
      %ge3A_279 = arith.cmpi sge, %squeeze3A_277, %ge3A_278 : i32
      %convert_element_type3A_280 = arith.extui %ge3A_279 : i1 to i32
      %cond3A_281 = arith.constant 0 : i32
      %cond3A_282 = arith.cmpi ne, %convert_element_type3A_280, %cond3A_281 : i32
      scf.if %cond3A_282 {
        %shift_right_arithmetic3A_336 = arith.constant 2 : i32
        %shift_right_arithmetic3A_337 = arith.shrsi %squeeze3A_277, %shift_right_arithmetic3A_336 : i32
        %broadcast_in_dim3A_338 = vector.broadcast %shift_right_arithmetic3A_337 : i32 to vector<16xi32>
        %swap3A_339 = arith.index_cast %select_n3A_275 : i32 to index
        %swap3A_340 = tpu.vector_load %arg6[%swap3A_339] {strides = array<i32>} : memref<1696xi32, #tpu.memory_space<vmem>>, vector<16xi32>,
        %swap3A_341 = vector.shape_cast %swap3A_340 : vector<16xi32> to vector<16xi32>
        %swap3A_342 = vector.shape_cast %broadcast_in_dim3A_338 : vector<16xi32> to vector<16xi32>
        tpu.vector_store %arg6[%swap3A_339], %swap3A_342 {strides = array<i32>} : memref<1696xi32, #tpu.memory_space<vmem>>, vector<16xi32>,
        %and3A_343 = arith.constant 3 : i32
        %and3A_344 = arith.andi %squeeze3A_277, %and3A_343 : i32
        %shift_left3A = arith.constant 16 : i32
        %shift_left3A_345 = arith.shli %and3A_344, %shift_left3A : i32
        %add3A_346 = arith.constant 10 : i32
        %add3A_347 = arith.addi %add3A_180, %add3A_346 : i32
        %or3A = arith.ori %shift_left3A_345, %add3A_347 : i32
        %broadcast_in_dim3A_348 = vector.broadcast %or3A : i32 to vector<16xi32>
        %swap3A_349 = arith.index_cast %select_n3A_275 : i32 to index
        %swap3A_350 = tpu.vector_load %arg7[%swap3A_349] {strides = array<i32>} : memref<1696xi32, #tpu.memory_space<vmem>>, vector<16xi32>,
        %swap3A_351 = vector.shape_cast %swap3A_350 : vector<16xi32> to vector<16xi32>
        %swap3A_352 = vector.shape_cast %broadcast_in_dim3A_348 : vector<16xi32> to vector<16xi32>
        tpu.vector_store %arg7[%swap3A_349], %swap3A_352 {strides = array<i32>} : memref<1696xi32, #tpu.memory_space<vmem>>, vector<16xi32>,
      } else {
      }
      %add3A_283 = arith.constant 1 : i32
      %add3A_284 = arith.addi %select_n3A_275, %add3A_283 : i32
      %select_n3A_285 = arith.select %ge3A_279, %add3A_284, %select_n3A_275 : i32
      %slice3A_286 = vector.extract_strided_slice %get3A_168 {offsets = [11], sizes = [1], strides = [1]} : vector<16xi32> to vector<1xi32>
      %squeeze3A_287 = vector.extract %slice3A_286[0] : i32 from vector<1xi32>
      %ge3A_288 = arith.constant 0 : i32
      %ge3A_289 = arith.cmpi sge, %squeeze3A_287, %ge3A_288 : i32
      %convert_element_type3A_290 = arith.extui %ge3A_289 : i1 to i32
      %cond3A_291 = arith.constant 0 : i32
      %cond3A_292 = arith.cmpi ne, %convert_element_type3A_290, %cond3A_291 : i32
      scf.if %cond3A_292 {
        %shift_right_arithmetic3A_336 = arith.constant 2 : i32
        %shift_right_arithmetic3A_337 = arith.shrsi %squeeze3A_287, %shift_right_arithmetic3A_336 : i32
        %broadcast_in_dim3A_338 = vector.broadcast %shift_right_arithmetic3A_337 : i32 to vector<16xi32>
        %swap3A_339 = arith.index_cast %select_n3A_285 : i32 to index
        %swap3A_340 = tpu.vector_load %arg6[%swap3A_339] {strides = array<i32>} : memref<1696xi32, #tpu.memory_space<vmem>>, vector<16xi32>,
        %swap3A_341 = vector.shape_cast %swap3A_340 : vector<16xi32> to vector<16xi32>
        %swap3A_342 = vector.shape_cast %broadcast_in_dim3A_338 : vector<16xi32> to vector<16xi32>
        tpu.vector_store %arg6[%swap3A_339], %swap3A_342 {strides = array<i32>} : memref<1696xi32, #tpu.memory_space<vmem>>, vector<16xi32>,
        %and3A_343 = arith.constant 3 : i32
        %and3A_344 = arith.andi %squeeze3A_287, %and3A_343 : i32
        %shift_left3A = arith.constant 16 : i32
        %shift_left3A_345 = arith.shli %and3A_344, %shift_left3A : i32
        %add3A_346 = arith.constant 11 : i32
        %add3A_347 = arith.addi %add3A_180, %add3A_346 : i32
        %or3A = arith.ori %shift_left3A_345, %add3A_347 : i32
        %broadcast_in_dim3A_348 = vector.broadcast %or3A : i32 to vector<16xi32>
        %swap3A_349 = arith.index_cast %select_n3A_285 : i32 to index
        %swap3A_350 = tpu.vector_load %arg7[%swap3A_349] {strides = array<i32>} : memref<1696xi32, #tpu.memory_space<vmem>>, vector<16xi32>,
        %swap3A_351 = vector.shape_cast %swap3A_350 : vector<16xi32> to vector<16xi32>
        %swap3A_352 = vector.shape_cast %broadcast_in_dim3A_348 : vector<16xi32> to vector<16xi32>
        tpu.vector_store %arg7[%swap3A_349], %swap3A_352 {strides = array<i32>} : memref<1696xi32, #tpu.memory_space<vmem>>, vector<16xi32>,
      } else {
      }
      %add3A_293 = arith.constant 1 : i32
      %add3A_294 = arith.addi %select_n3A_285, %add3A_293 : i32
      %select_n3A_295 = arith.select %ge3A_289, %add3A_294, %select_n3A_285 : i32
      %slice3A_296 = vector.extract_strided_slice %get3A_168 {offsets = [12], sizes = [1], strides = [1]} : vector<16xi32> to vector<1xi32>
      %squeeze3A_297 = vector.extract %slice3A_296[0] : i32 from vector<1xi32>
      %ge3A_298 = arith.constant 0 : i32
      %ge3A_299 = arith.cmpi sge, %squeeze3A_297, %ge3A_298 : i32
      %convert_element_type3A_300 = arith.extui %ge3A_299 : i1 to i32
      %cond3A_301 = arith.constant 0 : i32
      %cond3A_302 = arith.cmpi ne, %convert_element_type3A_300, %cond3A_301 : i32
      scf.if %cond3A_302 {
        %shift_right_arithmetic3A_336 = arith.constant 2 : i32
        %shift_right_arithmetic3A_337 = arith.shrsi %squeeze3A_297, %shift_right_arithmetic3A_336 : i32
        %broadcast_in_dim3A_338 = vector.broadcast %shift_right_arithmetic3A_337 : i32 to vector<16xi32>
        %swap3A_339 = arith.index_cast %select_n3A_295 : i32 to index
        %swap3A_340 = tpu.vector_load %arg6[%swap3A_339] {strides = array<i32>} : memref<1696xi32, #tpu.memory_space<vmem>>, vector<16xi32>,
        %swap3A_341 = vector.shape_cast %swap3A_340 : vector<16xi32> to vector<16xi32>
        %swap3A_342 = vector.shape_cast %broadcast_in_dim3A_338 : vector<16xi32> to vector<16xi32>
        tpu.vector_store %arg6[%swap3A_339], %swap3A_342 {strides = array<i32>} : memref<1696xi32, #tpu.memory_space<vmem>>, vector<16xi32>,
        %and3A_343 = arith.constant 3 : i32
        %and3A_344 = arith.andi %squeeze3A_297, %and3A_343 : i32
        %shift_left3A = arith.constant 16 : i32
        %shift_left3A_345 = arith.shli %and3A_344, %shift_left3A : i32
        %add3A_346 = arith.constant 12 : i32
        %add3A_347 = arith.addi %add3A_180, %add3A_346 : i32
        %or3A = arith.ori %shift_left3A_345, %add3A_347 : i32
        %broadcast_in_dim3A_348 = vector.broadcast %or3A : i32 to vector<16xi32>
        %swap3A_349 = arith.index_cast %select_n3A_295 : i32 to index
        %swap3A_350 = tpu.vector_load %arg7[%swap3A_349] {strides = array<i32>} : memref<1696xi32, #tpu.memory_space<vmem>>, vector<16xi32>,
        %swap3A_351 = vector.shape_cast %swap3A_350 : vector<16xi32> to vector<16xi32>
        %swap3A_352 = vector.shape_cast %broadcast_in_dim3A_348 : vector<16xi32> to vector<16xi32>
        tpu.vector_store %arg7[%swap3A_349], %swap3A_352 {strides = array<i32>} : memref<1696xi32, #tpu.memory_space<vmem>>, vector<16xi32>,
      } else {
      }
      %add3A_303 = arith.constant 1 : i32
      %add3A_304 = arith.addi %select_n3A_295, %add3A_303 : i32
      %select_n3A_305 = arith.select %ge3A_299, %add3A_304, %select_n3A_295 : i32
      %slice3A_306 = vector.extract_strided_slice %get3A_168 {offsets = [13], sizes = [1], strides = [1]} : vector<16xi32> to vector<1xi32>
      %squeeze3A_307 = vector.extract %slice3A_306[0] : i32 from vector<1xi32>
      %ge3A_308 = arith.constant 0 : i32
      %ge3A_309 = arith.cmpi sge, %squeeze3A_307, %ge3A_308 : i32
      %convert_element_type3A_310 = arith.extui %ge3A_309 : i1 to i32
      %cond3A_311 = arith.constant 0 : i32
      %cond3A_312 = arith.cmpi ne, %convert_element_type3A_310, %cond3A_311 : i32
      scf.if %cond3A_312 {
        %shift_right_arithmetic3A_336 = arith.constant 2 : i32
        %shift_right_arithmetic3A_337 = arith.shrsi %squeeze3A_307, %shift_right_arithmetic3A_336 : i32
        %broadcast_in_dim3A_338 = vector.broadcast %shift_right_arithmetic3A_337 : i32 to vector<16xi32>
        %swap3A_339 = arith.index_cast %select_n3A_305 : i32 to index
        %swap3A_340 = tpu.vector_load %arg6[%swap3A_339] {strides = array<i32>} : memref<1696xi32, #tpu.memory_space<vmem>>, vector<16xi32>,
        %swap3A_341 = vector.shape_cast %swap3A_340 : vector<16xi32> to vector<16xi32>
        %swap3A_342 = vector.shape_cast %broadcast_in_dim3A_338 : vector<16xi32> to vector<16xi32>
        tpu.vector_store %arg6[%swap3A_339], %swap3A_342 {strides = array<i32>} : memref<1696xi32, #tpu.memory_space<vmem>>, vector<16xi32>,
        %and3A_343 = arith.constant 3 : i32
        %and3A_344 = arith.andi %squeeze3A_307, %and3A_343 : i32
        %shift_left3A = arith.constant 16 : i32
        %shift_left3A_345 = arith.shli %and3A_344, %shift_left3A : i32
        %add3A_346 = arith.constant 13 : i32
        %add3A_347 = arith.addi %add3A_180, %add3A_346 : i32
        %or3A = arith.ori %shift_left3A_345, %add3A_347 : i32
        %broadcast_in_dim3A_348 = vector.broadcast %or3A : i32 to vector<16xi32>
        %swap3A_349 = arith.index_cast %select_n3A_305 : i32 to index
        %swap3A_350 = tpu.vector_load %arg7[%swap3A_349] {strides = array<i32>} : memref<1696xi32, #tpu.memory_space<vmem>>, vector<16xi32>,
        %swap3A_351 = vector.shape_cast %swap3A_350 : vector<16xi32> to vector<16xi32>
        %swap3A_352 = vector.shape_cast %broadcast_in_dim3A_348 : vector<16xi32> to vector<16xi32>
        tpu.vector_store %arg7[%swap3A_349], %swap3A_352 {strides = array<i32>} : memref<1696xi32, #tpu.memory_space<vmem>>, vector<16xi32>,
      } else {
      }
      %add3A_313 = arith.constant 1 : i32
      %add3A_314 = arith.addi %select_n3A_305, %add3A_313 : i32
      %select_n3A_315 = arith.select %ge3A_309, %add3A_314, %select_n3A_305 : i32
      %slice3A_316 = vector.extract_strided_slice %get3A_168 {offsets = [14], sizes = [1], strides = [1]} : vector<16xi32> to vector<1xi32>
      %squeeze3A_317 = vector.extract %slice3A_316[0] : i32 from vector<1xi32>
      %ge3A_318 = arith.constant 0 : i32
      %ge3A_319 = arith.cmpi sge, %squeeze3A_317, %ge3A_318 : i32
      %convert_element_type3A_320 = arith.extui %ge3A_319 : i1 to i32
      %cond3A_321 = arith.constant 0 : i32
      %cond3A_322 = arith.cmpi ne, %convert_element_type3A_320, %cond3A_321 : i32
      scf.if %cond3A_322 {
        %shift_right_arithmetic3A_336 = arith.constant 2 : i32
        %shift_right_arithmetic3A_337 = arith.shrsi %squeeze3A_317, %shift_right_arithmetic3A_336 : i32
        %broadcast_in_dim3A_338 = vector.broadcast %shift_right_arithmetic3A_337 : i32 to vector<16xi32>
        %swap3A_339 = arith.index_cast %select_n3A_315 : i32 to index
        %swap3A_340 = tpu.vector_load %arg6[%swap3A_339] {strides = array<i32>} : memref<1696xi32, #tpu.memory_space<vmem>>, vector<16xi32>,
        %swap3A_341 = vector.shape_cast %swap3A_340 : vector<16xi32> to vector<16xi32>
        %swap3A_342 = vector.shape_cast %broadcast_in_dim3A_338 : vector<16xi32> to vector<16xi32>
        tpu.vector_store %arg6[%swap3A_339], %swap3A_342 {strides = array<i32>} : memref<1696xi32, #tpu.memory_space<vmem>>, vector<16xi32>,
        %and3A_343 = arith.constant 3 : i32
        %and3A_344 = arith.andi %squeeze3A_317, %and3A_343 : i32
        %shift_left3A = arith.constant 16 : i32
        %shift_left3A_345 = arith.shli %and3A_344, %shift_left3A : i32
        %add3A_346 = arith.constant 14 : i32
        %add3A_347 = arith.addi %add3A_180, %add3A_346 : i32
        %or3A = arith.ori %shift_left3A_345, %add3A_347 : i32
        %broadcast_in_dim3A_348 = vector.broadcast %or3A : i32 to vector<16xi32>
        %swap3A_349 = arith.index_cast %select_n3A_315 : i32 to index
        %swap3A_350 = tpu.vector_load %arg7[%swap3A_349] {strides = array<i32>} : memref<1696xi32, #tpu.memory_space<vmem>>, vector<16xi32>,
        %swap3A_351 = vector.shape_cast %swap3A_350 : vector<16xi32> to vector<16xi32>
        %swap3A_352 = vector.shape_cast %broadcast_in_dim3A_348 : vector<16xi32> to vector<16xi32>
        tpu.vector_store %arg7[%swap3A_349], %swap3A_352 {strides = array<i32>} : memref<1696xi32, #tpu.memory_space<vmem>>, vector<16xi32>,
      } else {
      }
      %add3A_323 = arith.constant 1 : i32
      %add3A_324 = arith.addi %select_n3A_315, %add3A_323 : i32
      %select_n3A_325 = arith.select %ge3A_319, %add3A_324, %select_n3A_315 : i32
      %slice3A_326 = vector.extract_strided_slice %get3A_168 {offsets = [15], sizes = [1], strides = [1]} : vector<16xi32> to vector<1xi32>
      %squeeze3A_327 = vector.extract %slice3A_326[0] : i32 from vector<1xi32>
      %ge3A_328 = arith.constant 0 : i32
      %ge3A_329 = arith.cmpi sge, %squeeze3A_327, %ge3A_328 : i32
      %convert_element_type3A_330 = arith.extui %ge3A_329 : i1 to i32
      %cond3A_331 = arith.constant 0 : i32
      %cond3A_332 = arith.cmpi ne, %convert_element_type3A_330, %cond3A_331 : i32
      scf.if %cond3A_332 {
        %shift_right_arithmetic3A_336 = arith.constant 2 : i32
        %shift_right_arithmetic3A_337 = arith.shrsi %squeeze3A_327, %shift_right_arithmetic3A_336 : i32
        %broadcast_in_dim3A_338 = vector.broadcast %shift_right_arithmetic3A_337 : i32 to vector<16xi32>
        %swap3A_339 = arith.index_cast %select_n3A_325 : i32 to index
        %swap3A_340 = tpu.vector_load %arg6[%swap3A_339] {strides = array<i32>} : memref<1696xi32, #tpu.memory_space<vmem>>, vector<16xi32>,
        %swap3A_341 = vector.shape_cast %swap3A_340 : vector<16xi32> to vector<16xi32>
        %swap3A_342 = vector.shape_cast %broadcast_in_dim3A_338 : vector<16xi32> to vector<16xi32>
        tpu.vector_store %arg6[%swap3A_339], %swap3A_342 {strides = array<i32>} : memref<1696xi32, #tpu.memory_space<vmem>>, vector<16xi32>,
        %and3A_343 = arith.constant 3 : i32
        %and3A_344 = arith.andi %squeeze3A_327, %and3A_343 : i32
        %shift_left3A = arith.constant 16 : i32
        %shift_left3A_345 = arith.shli %and3A_344, %shift_left3A : i32
        %add3A_346 = arith.constant 15 : i32
        %add3A_347 = arith.addi %add3A_180, %add3A_346 : i32
        %or3A = arith.ori %shift_left3A_345, %add3A_347 : i32
        %broadcast_in_dim3A_348 = vector.broadcast %or3A : i32 to vector<16xi32>
        %swap3A_349 = arith.index_cast %select_n3A_325 : i32 to index
        %swap3A_350 = tpu.vector_load %arg7[%swap3A_349] {strides = array<i32>} : memref<1696xi32, #tpu.memory_space<vmem>>, vector<16xi32>,
        %swap3A_351 = vector.shape_cast %swap3A_350 : vector<16xi32> to vector<16xi32>
        %swap3A_352 = vector.shape_cast %broadcast_in_dim3A_348 : vector<16xi32> to vector<16xi32>
        tpu.vector_store %arg7[%swap3A_349], %swap3A_352 {strides = array<i32>} : memref<1696xi32, #tpu.memory_space<vmem>>, vector<16xi32>,
      } else {
      }
      %add3A_333 = arith.constant 1 : i32
      %add3A_334 = arith.addi %select_n3A_325, %add3A_333 : i32
      %select_n3A_335 = arith.select %ge3A_329, %add3A_334, %select_n3A_325 : i32
      scf.yield %select_n3A_335 : i32
    }
    %scan3A_14 = arith.constant 128 : i32
    %get3A = arith.constant 0 : index
    %get3A_15 = tpu.vector_load %arg6[%get3A] {strides = array<i32>} : memref<1696xi32, #tpu.memory_space<vmem>>, vector<16xi32>,
    %get3A_16 = vector.shape_cast %get3A_15 : vector<16xi32> to vector<16xi32>
    %broadcast_in_dim3A = arith.constant 0 : i32
    %broadcast_in_dim3A_17 = vector.broadcast %broadcast_in_dim3A : i32 to vector<16xi32>
    %broadcast_in_dim3A_18 = vector.shape_cast %broadcast_in_dim3A_17 : vector<16xi32> to vector<16x1xi32>
    %gather3A = vector.shape_cast %broadcast_in_dim3A_18 : vector<16x1xi32> to vector<16xi32>
    %gather3A_19 = tpu.dynamic_gather %get3A_16[%gather3A] in [0] : vector<16xi32>, vector<16xi32> -> vector<16xi32>
    %get3A_20 = arith.constant 0 : index
    %get3A_21 = tpu.vector_load %arg7[%get3A_20] {strides = array<i32>} : memref<1696xi32, #tpu.memory_space<vmem>>, vector<16xi32>,
    %get3A_22 = vector.shape_cast %get3A_21 : vector<16xi32> to vector<16xi32>
    %broadcast_in_dim3A_23 = arith.constant 0 : i32
    %broadcast_in_dim3A_24 = vector.broadcast %broadcast_in_dim3A_23 : i32 to vector<16xi32>
    %broadcast_in_dim3A_25 = vector.shape_cast %broadcast_in_dim3A_24 : vector<16xi32> to vector<16x1xi32>
    %gather3A_26 = vector.shape_cast %broadcast_in_dim3A_25 : vector<16x1xi32> to vector<16xi32>
    %gather3A_27 = tpu.dynamic_gather %get3A_22[%gather3A_26] in [0] : vector<16xi32>, vector<16xi32> -> vector<16xi32>
    %add3A_28 = arith.constant 0 : i32
    %add3A_29 = arith.addi %scan3A_13, %add3A_28 : i32
    %swap3A = arith.index_cast %add3A_29 : i32 to index
    %swap3A_30 = tpu.vector_load %arg6[%swap3A] {strides = array<i32>} : memref<1696xi32, #tpu.memory_space<vmem>>, vector<16xi32>,
    %swap3A_31 = vector.shape_cast %swap3A_30 : vector<16xi32> to vector<16xi32>
    %swap3A_32 = vector.shape_cast %gather3A_19 : vector<16xi32> to vector<16xi32>
    tpu.vector_store %arg6[%swap3A], %swap3A_32 {strides = array<i32>} : memref<1696xi32, #tpu.memory_space<vmem>>, vector<16xi32>,
    %add3A_33 = arith.constant 0 : i32
    %add3A_34 = arith.addi %scan3A_13, %add3A_33 : i32
    %swap3A_35 = arith.index_cast %add3A_34 : i32 to index
    %swap3A_36 = tpu.vector_load %arg7[%swap3A_35] {strides = array<i32>} : memref<1696xi32, #tpu.memory_space<vmem>>, vector<16xi32>,
    %swap3A_37 = vector.shape_cast %swap3A_36 : vector<16xi32> to vector<16xi32>
    %swap3A_38 = vector.shape_cast %gather3A_27 : vector<16xi32> to vector<16xi32>
    tpu.vector_store %arg7[%swap3A_35], %swap3A_38 {strides = array<i32>} : memref<1696xi32, #tpu.memory_space<vmem>>, vector<16xi32>,
    %add3A_39 = arith.constant 16 : i32
    %add3A_40 = arith.addi %scan3A_13, %add3A_39 : i32
    %swap3A_41 = arith.index_cast %add3A_40 : i32 to index
    %swap3A_42 = tpu.vector_load %arg6[%swap3A_41] {strides = array<i32>} : memref<1696xi32, #tpu.memory_space<vmem>>, vector<16xi32>,
    %swap3A_43 = vector.shape_cast %swap3A_42 : vector<16xi32> to vector<16xi32>
    %swap3A_44 = vector.shape_cast %gather3A_19 : vector<16xi32> to vector<16xi32>
    tpu.vector_store %arg6[%swap3A_41], %swap3A_44 {strides = array<i32>} : memref<1696xi32, #tpu.memory_space<vmem>>, vector<16xi32>,
    %add3A_45 = arith.constant 16 : i32
    %add3A_46 = arith.addi %scan3A_13, %add3A_45 : i32
    %swap3A_47 = arith.index_cast %add3A_46 : i32 to index
    %swap3A_48 = tpu.vector_load %arg7[%swap3A_47] {strides = array<i32>} : memref<1696xi32, #tpu.memory_space<vmem>>, vector<16xi32>,
    %swap3A_49 = vector.shape_cast %swap3A_48 : vector<16xi32> to vector<16xi32>
    %swap3A_50 = vector.shape_cast %gather3A_27 : vector<16xi32> to vector<16xi32>
    tpu.vector_store %arg7[%swap3A_47], %swap3A_50 {strides = array<i32>} : memref<1696xi32, #tpu.memory_space<vmem>>, vector<16xi32>,
    %add3A_51 = arith.constant 32 : i32
    %add3A_52 = arith.addi %scan3A_13, %add3A_51 : i32
    %swap3A_53 = arith.index_cast %add3A_52 : i32 to index
    %swap3A_54 = tpu.vector_load %arg6[%swap3A_53] {strides = array<i32>} : memref<1696xi32, #tpu.memory_space<vmem>>, vector<16xi32>,
    %swap3A_55 = vector.shape_cast %swap3A_54 : vector<16xi32> to vector<16xi32>
    %swap3A_56 = vector.shape_cast %gather3A_19 : vector<16xi32> to vector<16xi32>
    tpu.vector_store %arg6[%swap3A_53], %swap3A_56 {strides = array<i32>} : memref<1696xi32, #tpu.memory_space<vmem>>, vector<16xi32>,
    %add3A_57 = arith.constant 32 : i32
    %add3A_58 = arith.addi %scan3A_13, %add3A_57 : i32
    %swap3A_59 = arith.index_cast %add3A_58 : i32 to index
    %swap3A_60 = tpu.vector_load %arg7[%swap3A_59] {strides = array<i32>} : memref<1696xi32, #tpu.memory_space<vmem>>, vector<16xi32>,
    %swap3A_61 = vector.shape_cast %swap3A_60 : vector<16xi32> to vector<16xi32>
    %swap3A_62 = vector.shape_cast %gather3A_27 : vector<16xi32> to vector<16xi32>
    tpu.vector_store %arg7[%swap3A_59], %swap3A_62 {strides = array<i32>} : memref<1696xi32, #tpu.memory_space<vmem>>, vector<16xi32>,
    %add3A_63 = arith.constant 48 : i32
    %add3A_64 = arith.addi %scan3A_13, %add3A_63 : i32
    %swap3A_65 = arith.index_cast %add3A_64 : i32 to index
    %swap3A_66 = tpu.vector_load %arg6[%swap3A_65] {strides = array<i32>} : memref<1696xi32, #tpu.memory_space<vmem>>, vector<16xi32>,
    %swap3A_67 = vector.shape_cast %swap3A_66 : vector<16xi32> to vector<16xi32>
    %swap3A_68 = vector.shape_cast %gather3A_19 : vector<16xi32> to vector<16xi32>
    tpu.vector_store %arg6[%swap3A_65], %swap3A_68 {strides = array<i32>} : memref<1696xi32, #tpu.memory_space<vmem>>, vector<16xi32>,
    %add3A_69 = arith.constant 48 : i32
    %add3A_70 = arith.addi %scan3A_13, %add3A_69 : i32
    %swap3A_71 = arith.index_cast %add3A_70 : i32 to index
    %swap3A_72 = tpu.vector_load %arg7[%swap3A_71] {strides = array<i32>} : memref<1696xi32, #tpu.memory_space<vmem>>, vector<16xi32>,
    %swap3A_73 = vector.shape_cast %swap3A_72 : vector<16xi32> to vector<16xi32>
    %swap3A_74 = vector.shape_cast %gather3A_27 : vector<16xi32> to vector<16xi32>
    tpu.vector_store %arg7[%swap3A_71], %swap3A_74 {strides = array<i32>} : memref<1696xi32, #tpu.memory_space<vmem>>, vector<16xi32>,
    %add3A_75 = arith.constant 64 : i32
    %add3A_76 = arith.addi %scan3A_13, %add3A_75 : i32
    %swap3A_77 = arith.index_cast %add3A_76 : i32 to index
    %swap3A_78 = tpu.vector_load %arg6[%swap3A_77] {strides = array<i32>} : memref<1696xi32, #tpu.memory_space<vmem>>, vector<16xi32>,
    %swap3A_79 = vector.shape_cast %swap3A_78 : vector<16xi32> to vector<16xi32>
    %swap3A_80 = vector.shape_cast %gather3A_19 : vector<16xi32> to vector<16xi32>
    tpu.vector_store %arg6[%swap3A_77], %swap3A_80 {strides = array<i32>} : memref<1696xi32, #tpu.memory_space<vmem>>, vector<16xi32>,
    %add3A_81 = arith.constant 64 : i32
    %add3A_82 = arith.addi %scan3A_13, %add3A_81 : i32
    %swap3A_83 = arith.index_cast %add3A_82 : i32 to index
    %swap3A_84 = tpu.vector_load %arg7[%swap3A_83] {strides = array<i32>} : memref<1696xi32, #tpu.memory_space<vmem>>, vector<16xi32>,
    %swap3A_85 = vector.shape_cast %swap3A_84 : vector<16xi32> to vector<16xi32>
    %swap3A_86 = vector.shape_cast %gather3A_27 : vector<16xi32> to vector<16xi32>
    tpu.vector_store %arg7[%swap3A_83], %swap3A_86 {strides = array<i32>} : memref<1696xi32, #tpu.memory_space<vmem>>, vector<16xi32>,
    %add3A_87 = arith.constant 79 : i32
    %add3A_88 = arith.addi %scan3A_13, %add3A_87 : i32
    %jit3A = arith.constant 80 : i32
    %div3A = arith.divsi %add3A_88, %jit3A : i32
    %sign3A = arith.constant 0 : i32
    %sign3A_89 = arith.cmpi sgt, %add3A_88, %sign3A : i32
    %sign3A_90 = arith.extui %sign3A_89 : i1 to i32
    %sign3A_91 = arith.constant 0 : i32
    %sign3A_92 = arith.cmpi slt, %add3A_88, %sign3A_91 : i32
    %sign3A_93 = arith.extui %sign3A_92 : i1 to i32
    %sign3A_94 = arith.subi %sign3A_90, %sign3A_93 : i32
    %sign3A_95 = arith.constant 0 : i32
    %sign3A_96 = arith.cmpi sgt, %jit3A, %sign3A_95 : i32
    %sign3A_97 = arith.extui %sign3A_96 : i1 to i32
    %sign3A_98 = arith.constant 0 : i32
    %sign3A_99 = arith.cmpi slt, %jit3A, %sign3A_98 : i32
    %sign3A_100 = arith.extui %sign3A_99 : i1 to i32
    %sign3A_101 = arith.subi %sign3A_97, %sign3A_100 : i32
    %ne3A = arith.cmpi ne, %sign3A_94, %sign3A_101 : i32
    %rem3A = arith.remsi %add3A_88, %jit3A : i32
    %ne3A_102 = arith.constant 0 : i32
    %ne3A_103 = arith.cmpi ne, %rem3A, %ne3A_102 : i32
    %and3A = arith.andi %ne3A, %ne3A_103 : i1
    %sub3A = arith.constant 1 : i32
    %sub3A_104 = arith.subi %div3A, %sub3A : i32
    %select_n3A = arith.select %and3A, %sub3A_104, %div3A : i32
    %while3A = arith.constant 0 : i32
    %while3A_105 = arith.constant 0 : i32
    %while3A_106 = arith.subi %select_n3A, %while3A_105 : i32
    %while3A_107 = arith.addi %while3A_105, %while3A_106 : i32
    %while3A_108 = arith.constant 1 : i32
    %while3A_109 = arith.divsi %while3A_106, %while3A_108 : i32
    %while3A_110 = arith.muli %while3A_109, %while3A_108 : i32
    %while3A_111 = arith.addi %while3A_105, %while3A_110 : i32
    %while3A_112 = arith.constant 1 : i32
    scf.for %while3A_158 = %while3A_105 to %while3A_111 step %while3A_112  : i32 {
      %mul3A_159 = arith.constant 80 : i32
      %mul3A_160 = arith.muli %while3A_158, %mul3A_159 : i32
      %dma_start3A_161 = tpu.memref_slice %arg6[%mul3A_160] : memref<1696xi32, #tpu.memory_space<vmem>> -> memref<80xi32, #tpu.memory_space<vmem>>
      %dma_start3A_162 = arith.constant 0 : i32
      %dma_start3A_163 = arith.constant 0 : i32
      %dma_start3A_164 = tpu.memref_slice %arg2[%dma_start3A_162, %dma_start3A_163] : memref<250000x128xf32, #tpu.memory_space<hbm>> -> memref<250000x128xf32, #tpu.memory_space<hbm>>
      tpu.enqueue_indirect_dma source(%dma_start3A_164 : memref<250000x128xf32, #tpu.memory_space<hbm>>) target(%arg8 : memref<80x128xf32, #tpu.memory_space<vmem>>) offsets(%dma_start3A_161 : memref<80xi32, #tpu.memory_space<vmem>>) semaphore(%arg10 : memref<!tpu.dma_semaphore, #tpu.memory_space<semaphore_mem>>)
      %dma_wait3A_165 = tpu.memref_slice %arg6[%mul3A_160] : memref<1696xi32, #tpu.memory_space<vmem>> -> memref<80xi32, #tpu.memory_space<vmem>>
      %dma_wait3A_166 = arith.constant 0 : i32
      %dma_wait3A_167 = arith.constant 0 : i32
      %dma_wait3A_168 = tpu.memref_slice %arg2[%dma_wait3A_166, %dma_wait3A_167] : memref<250000x128xf32, #tpu.memory_space<hbm>> -> memref<250000x128xf32, #tpu.memory_space<hbm>>
      tpu.wait_indirect_dma semaphore(%arg10 : memref<!tpu.dma_semaphore, #tpu.memory_space<semaphore_mem>>) src(%dma_wait3A_168 : memref<250000x128xf32, #tpu.memory_space<hbm>>) dst(%arg8 : memref<80x128xf32, #tpu.memory_space<vmem>>)
      %scan3A_169 = arith.constant 0 : i32
      %scan3A_170 = arith.constant 0 : i32
      %scan3A_171 = arith.constant 5 : i32
      %scan3A_172 = arith.addi %scan3A_170, %scan3A_171 : i32
      %scan3A_173 = arith.constant 1 : i32
      scf.for %scan3A_175 = %scan3A_170 to %scan3A_172 step %scan3A_173  : i32 {
        %mul3A_176 = arith.constant 80 : i32
        %mul3A_177 = arith.muli %while3A_158, %mul3A_176 : i32
        %mul3A_178 = arith.constant 16 : i32
        %mul3A_179 = arith.muli %scan3A_175, %mul3A_178 : i32
        %add3A_180 = arith.addi %mul3A_177, %mul3A_179 : i32
        %get3A_181 = arith.index_cast %add3A_180 : i32 to index
        %get3A_182 = tpu.vector_load %arg7[%get3A_181] {strides = array<i32>} : memref<1696xi32, #tpu.memory_space<vmem>>, vector<16xi32>,
        %get3A_183 = vector.shape_cast %get3A_182 : vector<16xi32> to vector<16xi32>
        %slice3A = vector.extract_strided_slice %get3A_183 {offsets = [0], sizes = [1], strides = [1]} : vector<16xi32> to vector<1xi32>
        %squeeze3A = vector.extract %slice3A[0] : i32 from vector<1xi32>
        %shift_right_arithmetic3A = arith.constant 16 : i32
        %shift_right_arithmetic3A_184 = arith.shrsi %squeeze3A, %shift_right_arithmetic3A : i32
        %mul3A_185 = arith.constant 32 : i32
        %mul3A_186 = arith.muli %shift_right_arithmetic3A_184, %mul3A_185 : i32
        %and3A_187 = arith.constant 65535 : i32
        %and3A_188 = arith.andi %squeeze3A, %and3A_187 : i32
        %shift_right_arithmetic3A_189 = arith.constant 2 : i32
        %shift_right_arithmetic3A_190 = arith.shrsi %and3A_188, %shift_right_arithmetic3A_189 : i32
        %and3A_191 = arith.constant 3 : i32
        %and3A_192 = arith.andi %and3A_188, %and3A_191 : i32
        %mul3A_193 = arith.constant 32 : i32
        %mul3A_194 = arith.muli %and3A_192, %mul3A_193 : i32
        %mul3A_195 = arith.constant 16 : i32
        %mul3A_196 = arith.muli %scan3A_175, %mul3A_195 : i32
        %add3A_197 = arith.constant 0 : i32
        %add3A_198 = arith.addi %mul3A_196, %add3A_197 : i32
        %get3A_199 = arith.index_cast %add3A_198 : i32 to index
        %get3A_200 = arith.index_cast %mul3A_186 : i32 to index
        %get3A_201 = tpu.vector_load %arg8[%get3A_199, %get3A_200] {strides = array<i32>} : memref<80x128xf32, #tpu.memory_space<vmem>>, vector<1x16xf32>,
        %get3A_202 = vector.shape_cast %get3A_201 : vector<1x16xf32> to vector<16xf32>
        %swap3A_203 = arith.index_cast %shift_right_arithmetic3A_190 : i32 to index
        %swap3A_204 = arith.index_cast %mul3A_194 : i32 to index
        %swap3A_205 = tpu.vector_load %arg9[%swap3A_203, %swap3A_204] {strides = array<i32>} : memref<400x128xf32, #tpu.memory_space<vmem>>, vector<1x16xf32>,
        %swap3A_206 = vector.shape_cast %swap3A_205 : vector<1x16xf32> to vector<16xf32>
        %swap3A_207 = vector.shape_cast %get3A_202 : vector<16xf32> to vector<1x16xf32>
        tpu.vector_store %arg9[%swap3A_203, %swap3A_204], %swap3A_207 {strides = array<i32>} : memref<400x128xf32, #tpu.memory_space<vmem>>, vector<1x16xf32>,
        %mul3A_208 = arith.constant 16 : i32
        %mul3A_209 = arith.muli %scan3A_175, %mul3A_208 : i32
        %add3A_210 = arith.constant 0 : i32
        %add3A_211 = arith.addi %mul3A_209, %add3A_210 : i32
        %add3A_212 = arith.constant 16 : i32
        %add3A_213 = arith.addi %mul3A_186, %add3A_212 : i32
        %get3A_214 = arith.index_cast %add3A_211 : i32 to index
        %get3A_215 = arith.index_cast %add3A_213 : i32 to index
        %get3A_216 = tpu.vector_load %arg8[%get3A_214, %get3A_215] {strides = array<i32>} : memref<80x128xf32, #tpu.memory_space<vmem>>, vector<1x16xf32>,
        %get3A_217 = vector.shape_cast %get3A_216 : vector<1x16xf32> to vector<16xf32>
        %add3A_218 = arith.constant 16 : i32
        %add3A_219 = arith.addi %mul3A_194, %add3A_218 : i32
        %swap3A_220 = arith.index_cast %shift_right_arithmetic3A_190 : i32 to index
        %swap3A_221 = arith.index_cast %add3A_219 : i32 to index
        %swap3A_222 = tpu.vector_load %arg9[%swap3A_220, %swap3A_221] {strides = array<i32>} : memref<400x128xf32, #tpu.memory_space<vmem>>, vector<1x16xf32>,
        %swap3A_223 = vector.shape_cast %swap3A_222 : vector<1x16xf32> to vector<16xf32>
        %swap3A_224 = vector.shape_cast %get3A_217 : vector<16xf32> to vector<1x16xf32>
        tpu.vector_store %arg9[%swap3A_220, %swap3A_221], %swap3A_224 {strides = array<i32>} : memref<400x128xf32, #tpu.memory_space<vmem>>, vector<1x16xf32>,
        %slice3A_225 = vector.extract_strided_slice %get3A_183 {offsets = [1], sizes = [1], strides = [1]} : vector<16xi32> to vector<1xi32>
        %squeeze3A_226 = vector.extract %slice3A_225[0] : i32 from vector<1xi32>
        %shift_right_arithmetic3A_227 = arith.constant 16 : i32
        %shift_right_arithmetic3A_228 = arith.shrsi %squeeze3A_226, %shift_right_arithmetic3A_227 : i32
        %mul3A_229 = arith.constant 32 : i32
        %mul3A_230 = arith.muli %shift_right_arithmetic3A_228, %mul3A_229 : i32
        %and3A_231 = arith.constant 65535 : i32
        %and3A_232 = arith.andi %squeeze3A_226, %and3A_231 : i32
        %shift_right_arithmetic3A_233 = arith.constant 2 : i32
        %shift_right_arithmetic3A_234 = arith.shrsi %and3A_232, %shift_right_arithmetic3A_233 : i32
        %and3A_235 = arith.constant 3 : i32
        %and3A_236 = arith.andi %and3A_232, %and3A_235 : i32
        %mul3A_237 = arith.constant 32 : i32
        %mul3A_238 = arith.muli %and3A_236, %mul3A_237 : i32
        %mul3A_239 = arith.constant 16 : i32
        %mul3A_240 = arith.muli %scan3A_175, %mul3A_239 : i32
        %add3A_241 = arith.constant 1 : i32
        %add3A_242 = arith.addi %mul3A_240, %add3A_241 : i32
        %get3A_243 = arith.index_cast %add3A_242 : i32 to index
        %get3A_244 = arith.index_cast %mul3A_230 : i32 to index
        %get3A_245 = tpu.vector_load %arg8[%get3A_243, %get3A_244] {strides = array<i32>} : memref<80x128xf32, #tpu.memory_space<vmem>>, vector<1x16xf32>,
        %get3A_246 = vector.shape_cast %get3A_245 : vector<1x16xf32> to vector<16xf32>
        %swap3A_247 = arith.index_cast %shift_right_arithmetic3A_234 : i32 to index
        %swap3A_248 = arith.index_cast %mul3A_238 : i32 to index
        %swap3A_249 = tpu.vector_load %arg9[%swap3A_247, %swap3A_248] {strides = array<i32>} : memref<400x128xf32, #tpu.memory_space<vmem>>, vector<1x16xf32>,
        %swap3A_250 = vector.shape_cast %swap3A_249 : vector<1x16xf32> to vector<16xf32>
        %swap3A_251 = vector.shape_cast %get3A_246 : vector<16xf32> to vector<1x16xf32>
        tpu.vector_store %arg9[%swap3A_247, %swap3A_248], %swap3A_251 {strides = array<i32>} : memref<400x128xf32, #tpu.memory_space<vmem>>, vector<1x16xf32>,
        %mul3A_252 = arith.constant 16 : i32
        %mul3A_253 = arith.muli %scan3A_175, %mul3A_252 : i32
        %add3A_254 = arith.constant 1 : i32
        %add3A_255 = arith.addi %mul3A_253, %add3A_254 : i32
        %add3A_256 = arith.constant 16 : i32
        %add3A_257 = arith.addi %mul3A_230, %add3A_256 : i32
        %get3A_258 = arith.index_cast %add3A_255 : i32 to index
        %get3A_259 = arith.index_cast %add3A_257 : i32 to index
        %get3A_260 = tpu.vector_load %arg8[%get3A_258, %get3A_259] {strides = array<i32>} : memref<80x128xf32, #tpu.memory_space<vmem>>, vector<1x16xf32>,
        %get3A_261 = vector.shape_cast %get3A_260 : vector<1x16xf32> to vector<16xf32>
        %add3A_262 = arith.constant 16 : i32
        %add3A_263 = arith.addi %mul3A_238, %add3A_262 : i32
        %swap3A_264 = arith.index_cast %shift_right_arithmetic3A_234 : i32 to index
        %swap3A_265 = arith.index_cast %add3A_263 : i32 to index
        %swap3A_266 = tpu.vector_load %arg9[%swap3A_264, %swap3A_265] {strides = array<i32>} : memref<400x128xf32, #tpu.memory_space<vmem>>, vector<1x16xf32>,
        %swap3A_267 = vector.shape_cast %swap3A_266 : vector<1x16xf32> to vector<16xf32>
        %swap3A_268 = vector.shape_cast %get3A_261 : vector<16xf32> to vector<1x16xf32>
        tpu.vector_store %arg9[%swap3A_264, %swap3A_265], %swap3A_268 {strides = array<i32>} : memref<400x128xf32, #tpu.memory_space<vmem>>, vector<1x16xf32>,
        %slice3A_269 = vector.extract_strided_slice %get3A_183 {offsets = [2], sizes = [1], strides = [1]} : vector<16xi32> to vector<1xi32>
        %squeeze3A_270 = vector.extract %slice3A_269[0] : i32 from vector<1xi32>
        %shift_right_arithmetic3A_271 = arith.constant 16 : i32
        %shift_right_arithmetic3A_272 = arith.shrsi %squeeze3A_270, %shift_right_arithmetic3A_271 : i32
        %mul3A_273 = arith.constant 32 : i32
        %mul3A_274 = arith.muli %shift_right_arithmetic3A_272, %mul3A_273 : i32
        %and3A_275 = arith.constant 65535 : i32
        %and3A_276 = arith.andi %squeeze3A_270, %and3A_275 : i32
        %shift_right_arithmetic3A_277 = arith.constant 2 : i32
        %shift_right_arithmetic3A_278 = arith.shrsi %and3A_276, %shift_right_arithmetic3A_277 : i32
        %and3A_279 = arith.constant 3 : i32
        %and3A_280 = arith.andi %and3A_276, %and3A_279 : i32
        %mul3A_281 = arith.constant 32 : i32
        %mul3A_282 = arith.muli %and3A_280, %mul3A_281 : i32
        %mul3A_283 = arith.constant 16 : i32
        %mul3A_284 = arith.muli %scan3A_175, %mul3A_283 : i32
        %add3A_285 = arith.constant 2 : i32
        %add3A_286 = arith.addi %mul3A_284, %add3A_285 : i32
        %get3A_287 = arith.index_cast %add3A_286 : i32 to index
        %get3A_288 = arith.index_cast %mul3A_274 : i32 to index
        %get3A_289 = tpu.vector_load %arg8[%get3A_287, %get3A_288] {strides = array<i32>} : memref<80x128xf32, #tpu.memory_space<vmem>>, vector<1x16xf32>,
        %get3A_290 = vector.shape_cast %get3A_289 : vector<1x16xf32> to vector<16xf32>
        %swap3A_291 = arith.index_cast %shift_right_arithmetic3A_278 : i32 to index
        %swap3A_292 = arith.index_cast %mul3A_282 : i32 to index
        %swap3A_293 = tpu.vector_load %arg9[%swap3A_291, %swap3A_292] {strides = array<i32>} : memref<400x128xf32, #tpu.memory_space<vmem>>, vector<1x16xf32>,
        %swap3A_294 = vector.shape_cast %swap3A_293 : vector<1x16xf32> to vector<16xf32>
        %swap3A_295 = vector.shape_cast %get3A_290 : vector<16xf32> to vector<1x16xf32>
        tpu.vector_store %arg9[%swap3A_291, %swap3A_292], %swap3A_295 {strides = array<i32>} : memref<400x128xf32, #tpu.memory_space<vmem>>, vector<1x16xf32>,
        %mul3A_296 = arith.constant 16 : i32
        %mul3A_297 = arith.muli %scan3A_175, %mul3A_296 : i32
        %add3A_298 = arith.constant 2 : i32
        %add3A_299 = arith.addi %mul3A_297, %add3A_298 : i32
        %add3A_300 = arith.constant 16 : i32
        %add3A_301 = arith.addi %mul3A_274, %add3A_300 : i32
        %get3A_302 = arith.index_cast %add3A_299 : i32 to index
        %get3A_303 = arith.index_cast %add3A_301 : i32 to index
        %get3A_304 = tpu.vector_load %arg8[%get3A_302, %get3A_303] {strides = array<i32>} : memref<80x128xf32, #tpu.memory_space<vmem>>, vector<1x16xf32>,
        %get3A_305 = vector.shape_cast %get3A_304 : vector<1x16xf32> to vector<16xf32>
        %add3A_306 = arith.constant 16 : i32
        %add3A_307 = arith.addi %mul3A_282, %add3A_306 : i32
        %swap3A_308 = arith.index_cast %shift_right_arithmetic3A_278 : i32 to index
        %swap3A_309 = arith.index_cast %add3A_307 : i32 to index
        %swap3A_310 = tpu.vector_load %arg9[%swap3A_308, %swap3A_309] {strides = array<i32>} : memref<400x128xf32, #tpu.memory_space<vmem>>, vector<1x16xf32>,
        %swap3A_311 = vector.shape_cast %swap3A_310 : vector<1x16xf32> to vector<16xf32>
        %swap3A_312 = vector.shape_cast %get3A_305 : vector<16xf32> to vector<1x16xf32>
        tpu.vector_store %arg9[%swap3A_308, %swap3A_309], %swap3A_312 {strides = array<i32>} : memref<400x128xf32, #tpu.memory_space<vmem>>, vector<1x16xf32>,
        %slice3A_313 = vector.extract_strided_slice %get3A_183 {offsets = [3], sizes = [1], strides = [1]} : vector<16xi32> to vector<1xi32>
        %squeeze3A_314 = vector.extract %slice3A_313[0] : i32 from vector<1xi32>
        %shift_right_arithmetic3A_315 = arith.constant 16 : i32
        %shift_right_arithmetic3A_316 = arith.shrsi %squeeze3A_314, %shift_right_arithmetic3A_315 : i32
        %mul3A_317 = arith.constant 32 : i32
        %mul3A_318 = arith.muli %shift_right_arithmetic3A_316, %mul3A_317 : i32
        %and3A_319 = arith.constant 65535 : i32
        %and3A_320 = arith.andi %squeeze3A_314, %and3A_319 : i32
        %shift_right_arithmetic3A_321 = arith.constant 2 : i32
        %shift_right_arithmetic3A_322 = arith.shrsi %and3A_320, %shift_right_arithmetic3A_321 : i32
        %and3A_323 = arith.constant 3 : i32
        %and3A_324 = arith.andi %and3A_320, %and3A_323 : i32
        %mul3A_325 = arith.constant 32 : i32
        %mul3A_326 = arith.muli %and3A_324, %mul3A_325 : i32
        %mul3A_327 = arith.constant 16 : i32
        %mul3A_328 = arith.muli %scan3A_175, %mul3A_327 : i32
        %add3A_329 = arith.constant 3 : i32
        %add3A_330 = arith.addi %mul3A_328, %add3A_329 : i32
        %get3A_331 = arith.index_cast %add3A_330 : i32 to index
        %get3A_332 = arith.index_cast %mul3A_318 : i32 to index
        %get3A_333 = tpu.vector_load %arg8[%get3A_331, %get3A_332] {strides = array<i32>} : memref<80x128xf32, #tpu.memory_space<vmem>>, vector<1x16xf32>,
        %get3A_334 = vector.shape_cast %get3A_333 : vector<1x16xf32> to vector<16xf32>
        %swap3A_335 = arith.index_cast %shift_right_arithmetic3A_322 : i32 to index
        %swap3A_336 = arith.index_cast %mul3A_326 : i32 to index
        %swap3A_337 = tpu.vector_load %arg9[%swap3A_335, %swap3A_336] {strides = array<i32>} : memref<400x128xf32, #tpu.memory_space<vmem>>, vector<1x16xf32>,
        %swap3A_338 = vector.shape_cast %swap3A_337 : vector<1x16xf32> to vector<16xf32>
        %swap3A_339 = vector.shape_cast %get3A_334 : vector<16xf32> to vector<1x16xf32>
        tpu.vector_store %arg9[%swap3A_335, %swap3A_336], %swap3A_339 {strides = array<i32>} : memref<400x128xf32, #tpu.memory_space<vmem>>, vector<1x16xf32>,
        %mul3A_340 = arith.constant 16 : i32
        %mul3A_341 = arith.muli %scan3A_175, %mul3A_340 : i32
        %add3A_342 = arith.constant 3 : i32
        %add3A_343 = arith.addi %mul3A_341, %add3A_342 : i32
        %add3A_344 = arith.constant 16 : i32
        %add3A_345 = arith.addi %mul3A_318, %add3A_344 : i32
        %get3A_346 = arith.index_cast %add3A_343 : i32 to index
        %get3A_347 = arith.index_cast %add3A_345 : i32 to index
        %get3A_348 = tpu.vector_load %arg8[%get3A_346, %get3A_347] {strides = array<i32>} : memref<80x128xf32, #tpu.memory_space<vmem>>, vector<1x16xf32>,
        %get3A_349 = vector.shape_cast %get3A_348 : vector<1x16xf32> to vector<16xf32>
        %add3A_350 = arith.constant 16 : i32
        %add3A_351 = arith.addi %mul3A_326, %add3A_350 : i32
        %swap3A_352 = arith.index_cast %shift_right_arithmetic3A_322 : i32 to index
        %swap3A_353 = arith.index_cast %add3A_351 : i32 to index
        %swap3A_354 = tpu.vector_load %arg9[%swap3A_352, %swap3A_353] {strides = array<i32>} : memref<400x128xf32, #tpu.memory_space<vmem>>, vector<1x16xf32>,
        %swap3A_355 = vector.shape_cast %swap3A_354 : vector<1x16xf32> to vector<16xf32>
        %swap3A_356 = vector.shape_cast %get3A_349 : vector<16xf32> to vector<1x16xf32>
        tpu.vector_store %arg9[%swap3A_352, %swap3A_353], %swap3A_356 {strides = array<i32>} : memref<400x128xf32, #tpu.memory_space<vmem>>, vector<1x16xf32>,
        %slice3A_357 = vector.extract_strided_slice %get3A_183 {offsets = [4], sizes = [1], strides = [1]} : vector<16xi32> to vector<1xi32>
        %squeeze3A_358 = vector.extract %slice3A_357[0] : i32 from vector<1xi32>
        %shift_right_arithmetic3A_359 = arith.constant 16 : i32
        %shift_right_arithmetic3A_360 = arith.shrsi %squeeze3A_358, %shift_right_arithmetic3A_359 : i32
        %mul3A_361 = arith.constant 32 : i32
        %mul3A_362 = arith.muli %shift_right_arithmetic3A_360, %mul3A_361 : i32
        %and3A_363 = arith.constant 65535 : i32
        %and3A_364 = arith.andi %squeeze3A_358, %and3A_363 : i32
        %shift_right_arithmetic3A_365 = arith.constant 2 : i32
        %shift_right_arithmetic3A_366 = arith.shrsi %and3A_364, %shift_right_arithmetic3A_365 : i32
        %and3A_367 = arith.constant 3 : i32
        %and3A_368 = arith.andi %and3A_364, %and3A_367 : i32
        %mul3A_369 = arith.constant 32 : i32
        %mul3A_370 = arith.muli %and3A_368, %mul3A_369 : i32
        %mul3A_371 = arith.constant 16 : i32
        %mul3A_372 = arith.muli %scan3A_175, %mul3A_371 : i32
        %add3A_373 = arith.constant 4 : i32
        %add3A_374 = arith.addi %mul3A_372, %add3A_373 : i32
        %get3A_375 = arith.index_cast %add3A_374 : i32 to index
        %get3A_376 = arith.index_cast %mul3A_362 : i32 to index
        %get3A_377 = tpu.vector_load %arg8[%get3A_375, %get3A_376] {strides = array<i32>} : memref<80x128xf32, #tpu.memory_space<vmem>>, vector<1x16xf32>,
        %get3A_378 = vector.shape_cast %get3A_377 : vector<1x16xf32> to vector<16xf32>
        %swap3A_379 = arith.index_cast %shift_right_arithmetic3A_366 : i32 to index
        %swap3A_380 = arith.index_cast %mul3A_370 : i32 to index
        %swap3A_381 = tpu.vector_load %arg9[%swap3A_379, %swap3A_380] {strides = array<i32>} : memref<400x128xf32, #tpu.memory_space<vmem>>, vector<1x16xf32>,
        %swap3A_382 = vector.shape_cast %swap3A_381 : vector<1x16xf32> to vector<16xf32>
        %swap3A_383 = vector.shape_cast %get3A_378 : vector<16xf32> to vector<1x16xf32>
        tpu.vector_store %arg9[%swap3A_379, %swap3A_380], %swap3A_383 {strides = array<i32>} : memref<400x128xf32, #tpu.memory_space<vmem>>, vector<1x16xf32>,
        %mul3A_384 = arith.constant 16 : i32
        %mul3A_385 = arith.muli %scan3A_175, %mul3A_384 : i32
        %add3A_386 = arith.constant 4 : i32
        %add3A_387 = arith.addi %mul3A_385, %add3A_386 : i32
        %add3A_388 = arith.constant 16 : i32
        %add3A_389 = arith.addi %mul3A_362, %add3A_388 : i32
        %get3A_390 = arith.index_cast %add3A_387 : i32 to index
        %get3A_391 = arith.index_cast %add3A_389 : i32 to index
        %get3A_392 = tpu.vector_load %arg8[%get3A_390, %get3A_391] {strides = array<i32>} : memref<80x128xf32, #tpu.memory_space<vmem>>, vector<1x16xf32>,
        %get3A_393 = vector.shape_cast %get3A_392 : vector<1x16xf32> to vector<16xf32>
        %add3A_394 = arith.constant 16 : i32
        %add3A_395 = arith.addi %mul3A_370, %add3A_394 : i32
        %swap3A_396 = arith.index_cast %shift_right_arithmetic3A_366 : i32 to index
        %swap3A_397 = arith.index_cast %add3A_395 : i32 to index
        %swap3A_398 = tpu.vector_load %arg9[%swap3A_396, %swap3A_397] {strides = array<i32>} : memref<400x128xf32, #tpu.memory_space<vmem>>, vector<1x16xf32>,
        %swap3A_399 = vector.shape_cast %swap3A_398 : vector<1x16xf32> to vector<16xf32>
        %swap3A_400 = vector.shape_cast %get3A_393 : vector<16xf32> to vector<1x16xf32>
        tpu.vector_store %arg9[%swap3A_396, %swap3A_397], %swap3A_400 {strides = array<i32>} : memref<400x128xf32, #tpu.memory_space<vmem>>, vector<1x16xf32>,
        %slice3A_401 = vector.extract_strided_slice %get3A_183 {offsets = [5], sizes = [1], strides = [1]} : vector<16xi32> to vector<1xi32>
        %squeeze3A_402 = vector.extract %slice3A_401[0] : i32 from vector<1xi32>
        %shift_right_arithmetic3A_403 = arith.constant 16 : i32
        %shift_right_arithmetic3A_404 = arith.shrsi %squeeze3A_402, %shift_right_arithmetic3A_403 : i32
        %mul3A_405 = arith.constant 32 : i32
        %mul3A_406 = arith.muli %shift_right_arithmetic3A_404, %mul3A_405 : i32
        %and3A_407 = arith.constant 65535 : i32
        %and3A_408 = arith.andi %squeeze3A_402, %and3A_407 : i32
        %shift_right_arithmetic3A_409 = arith.constant 2 : i32
        %shift_right_arithmetic3A_410 = arith.shrsi %and3A_408, %shift_right_arithmetic3A_409 : i32
        %and3A_411 = arith.constant 3 : i32
        %and3A_412 = arith.andi %and3A_408, %and3A_411 : i32
        %mul3A_413 = arith.constant 32 : i32
        %mul3A_414 = arith.muli %and3A_412, %mul3A_413 : i32
        %mul3A_415 = arith.constant 16 : i32
        %mul3A_416 = arith.muli %scan3A_175, %mul3A_415 : i32
        %add3A_417 = arith.constant 5 : i32
        %add3A_418 = arith.addi %mul3A_416, %add3A_417 : i32
        %get3A_419 = arith.index_cast %add3A_418 : i32 to index
        %get3A_420 = arith.index_cast %mul3A_406 : i32 to index
        %get3A_421 = tpu.vector_load %arg8[%get3A_419, %get3A_420] {strides = array<i32>} : memref<80x128xf32, #tpu.memory_space<vmem>>, vector<1x16xf32>,
        %get3A_422 = vector.shape_cast %get3A_421 : vector<1x16xf32> to vector<16xf32>
        %swap3A_423 = arith.index_cast %shift_right_arithmetic3A_410 : i32 to index
        %swap3A_424 = arith.index_cast %mul3A_414 : i32 to index
        %swap3A_425 = tpu.vector_load %arg9[%swap3A_423, %swap3A_424] {strides = array<i32>} : memref<400x128xf32, #tpu.memory_space<vmem>>, vector<1x16xf32>,
        %swap3A_426 = vector.shape_cast %swap3A_425 : vector<1x16xf32> to vector<16xf32>
        %swap3A_427 = vector.shape_cast %get3A_422 : vector<16xf32> to vector<1x16xf32>
        tpu.vector_store %arg9[%swap3A_423, %swap3A_424], %swap3A_427 {strides = array<i32>} : memref<400x128xf32, #tpu.memory_space<vmem>>, vector<1x16xf32>,
        %mul3A_428 = arith.constant 16 : i32
        %mul3A_429 = arith.muli %scan3A_175, %mul3A_428 : i32
        %add3A_430 = arith.constant 5 : i32
        %add3A_431 = arith.addi %mul3A_429, %add3A_430 : i32
        %add3A_432 = arith.constant 16 : i32
        %add3A_433 = arith.addi %mul3A_406, %add3A_432 : i32
        %get3A_434 = arith.index_cast %add3A_431 : i32 to index
        %get3A_435 = arith.index_cast %add3A_433 : i32 to index
        %get3A_436 = tpu.vector_load %arg8[%get3A_434, %get3A_435] {strides = array<i32>} : memref<80x128xf32, #tpu.memory_space<vmem>>, vector<1x16xf32>,
        %get3A_437 = vector.shape_cast %get3A_436 : vector<1x16xf32> to vector<16xf32>
        %add3A_438 = arith.constant 16 : i32
        %add3A_439 = arith.addi %mul3A_414, %add3A_438 : i32
        %swap3A_440 = arith.index_cast %shift_right_arithmetic3A_410 : i32 to index
        %swap3A_441 = arith.index_cast %add3A_439 : i32 to index
        %swap3A_442 = tpu.vector_load %arg9[%swap3A_440, %swap3A_441] {strides = array<i32>} : memref<400x128xf32, #tpu.memory_space<vmem>>, vector<1x16xf32>,
        %swap3A_443 = vector.shape_cast %swap3A_442 : vector<1x16xf32> to vector<16xf32>
        %swap3A_444 = vector.shape_cast %get3A_437 : vector<16xf32> to vector<1x16xf32>
        tpu.vector_store %arg9[%swap3A_440, %swap3A_441], %swap3A_444 {strides = array<i32>} : memref<400x128xf32, #tpu.memory_space<vmem>>, vector<1x16xf32>,
        %slice3A_445 = vector.extract_strided_slice %get3A_183 {offsets = [6], sizes = [1], strides = [1]} : vector<16xi32> to vector<1xi32>
        %squeeze3A_446 = vector.extract %slice3A_445[0] : i32 from vector<1xi32>
        %shift_right_arithmetic3A_447 = arith.constant 16 : i32
        %shift_right_arithmetic3A_448 = arith.shrsi %squeeze3A_446, %shift_right_arithmetic3A_447 : i32
        %mul3A_449 = arith.constant 32 : i32
        %mul3A_450 = arith.muli %shift_right_arithmetic3A_448, %mul3A_449 : i32
        %and3A_451 = arith.constant 65535 : i32
        %and3A_452 = arith.andi %squeeze3A_446, %and3A_451 : i32
        %shift_right_arithmetic3A_453 = arith.constant 2 : i32
        %shift_right_arithmetic3A_454 = arith.shrsi %and3A_452, %shift_right_arithmetic3A_453 : i32
        %and3A_455 = arith.constant 3 : i32
        %and3A_456 = arith.andi %and3A_452, %and3A_455 : i32
        %mul3A_457 = arith.constant 32 : i32
        %mul3A_458 = arith.muli %and3A_456, %mul3A_457 : i32
        %mul3A_459 = arith.constant 16 : i32
        %mul3A_460 = arith.muli %scan3A_175, %mul3A_459 : i32
        %add3A_461 = arith.constant 6 : i32
        %add3A_462 = arith.addi %mul3A_460, %add3A_461 : i32
        %get3A_463 = arith.index_cast %add3A_462 : i32 to index
        %get3A_464 = arith.index_cast %mul3A_450 : i32 to index
        %get3A_465 = tpu.vector_load %arg8[%get3A_463, %get3A_464] {strides = array<i32>} : memref<80x128xf32, #tpu.memory_space<vmem>>, vector<1x16xf32>,
        %get3A_466 = vector.shape_cast %get3A_465 : vector<1x16xf32> to vector<16xf32>
        %swap3A_467 = arith.index_cast %shift_right_arithmetic3A_454 : i32 to index
        %swap3A_468 = arith.index_cast %mul3A_458 : i32 to index
        %swap3A_469 = tpu.vector_load %arg9[%swap3A_467, %swap3A_468] {strides = array<i32>} : memref<400x128xf32, #tpu.memory_space<vmem>>, vector<1x16xf32>,
        %swap3A_470 = vector.shape_cast %swap3A_469 : vector<1x16xf32> to vector<16xf32>
        %swap3A_471 = vector.shape_cast %get3A_466 : vector<16xf32> to vector<1x16xf32>
        tpu.vector_store %arg9[%swap3A_467, %swap3A_468], %swap3A_471 {strides = array<i32>} : memref<400x128xf32, #tpu.memory_space<vmem>>, vector<1x16xf32>,
        %mul3A_472 = arith.constant 16 : i32
        %mul3A_473 = arith.muli %scan3A_175, %mul3A_472 : i32
        %add3A_474 = arith.constant 6 : i32
        %add3A_475 = arith.addi %mul3A_473, %add3A_474 : i32
        %add3A_476 = arith.constant 16 : i32
        %add3A_477 = arith.addi %mul3A_450, %add3A_476 : i32
        %get3A_478 = arith.index_cast %add3A_475 : i32 to index
        %get3A_479 = arith.index_cast %add3A_477 : i32 to index
        %get3A_480 = tpu.vector_load %arg8[%get3A_478, %get3A_479] {strides = array<i32>} : memref<80x128xf32, #tpu.memory_space<vmem>>, vector<1x16xf32>,
        %get3A_481 = vector.shape_cast %get3A_480 : vector<1x16xf32> to vector<16xf32>
        %add3A_482 = arith.constant 16 : i32
        %add3A_483 = arith.addi %mul3A_458, %add3A_482 : i32
        %swap3A_484 = arith.index_cast %shift_right_arithmetic3A_454 : i32 to index
        %swap3A_485 = arith.index_cast %add3A_483 : i32 to index
        %swap3A_486 = tpu.vector_load %arg9[%swap3A_484, %swap3A_485] {strides = array<i32>} : memref<400x128xf32, #tpu.memory_space<vmem>>, vector<1x16xf32>,
        %swap3A_487 = vector.shape_cast %swap3A_486 : vector<1x16xf32> to vector<16xf32>
        %swap3A_488 = vector.shape_cast %get3A_481 : vector<16xf32> to vector<1x16xf32>
        tpu.vector_store %arg9[%swap3A_484, %swap3A_485], %swap3A_488 {strides = array<i32>} : memref<400x128xf32, #tpu.memory_space<vmem>>, vector<1x16xf32>,
        %slice3A_489 = vector.extract_strided_slice %get3A_183 {offsets = [7], sizes = [1], strides = [1]} : vector<16xi32> to vector<1xi32>
        %squeeze3A_490 = vector.extract %slice3A_489[0] : i32 from vector<1xi32>
        %shift_right_arithmetic3A_491 = arith.constant 16 : i32
        %shift_right_arithmetic3A_492 = arith.shrsi %squeeze3A_490, %shift_right_arithmetic3A_491 : i32
        %mul3A_493 = arith.constant 32 : i32
        %mul3A_494 = arith.muli %shift_right_arithmetic3A_492, %mul3A_493 : i32
        %and3A_495 = arith.constant 65535 : i32
        %and3A_496 = arith.andi %squeeze3A_490, %and3A_495 : i32
        %shift_right_arithmetic3A_497 = arith.constant 2 : i32
        %shift_right_arithmetic3A_498 = arith.shrsi %and3A_496, %shift_right_arithmetic3A_497 : i32
        %and3A_499 = arith.constant 3 : i32
        %and3A_500 = arith.andi %and3A_496, %and3A_499 : i32
        %mul3A_501 = arith.constant 32 : i32
        %mul3A_502 = arith.muli %and3A_500, %mul3A_501 : i32
        %mul3A_503 = arith.constant 16 : i32
        %mul3A_504 = arith.muli %scan3A_175, %mul3A_503 : i32
        %add3A_505 = arith.constant 7 : i32
        %add3A_506 = arith.addi %mul3A_504, %add3A_505 : i32
        %get3A_507 = arith.index_cast %add3A_506 : i32 to index
        %get3A_508 = arith.index_cast %mul3A_494 : i32 to index
        %get3A_509 = tpu.vector_load %arg8[%get3A_507, %get3A_508] {strides = array<i32>} : memref<80x128xf32, #tpu.memory_space<vmem>>, vector<1x16xf32>,
        %get3A_510 = vector.shape_cast %get3A_509 : vector<1x16xf32> to vector<16xf32>
        %swap3A_511 = arith.index_cast %shift_right_arithmetic3A_498 : i32 to index
        %swap3A_512 = arith.index_cast %mul3A_502 : i32 to index
        %swap3A_513 = tpu.vector_load %arg9[%swap3A_511, %swap3A_512] {strides = array<i32>} : memref<400x128xf32, #tpu.memory_space<vmem>>, vector<1x16xf32>,
        %swap3A_514 = vector.shape_cast %swap3A_513 : vector<1x16xf32> to vector<16xf32>
        %swap3A_515 = vector.shape_cast %get3A_510 : vector<16xf32> to vector<1x16xf32>
        tpu.vector_store %arg9[%swap3A_511, %swap3A_512], %swap3A_515 {strides = array<i32>} : memref<400x128xf32, #tpu.memory_space<vmem>>, vector<1x16xf32>,
        %mul3A_516 = arith.constant 16 : i32
        %mul3A_517 = arith.muli %scan3A_175, %mul3A_516 : i32
        %add3A_518 = arith.constant 7 : i32
        %add3A_519 = arith.addi %mul3A_517, %add3A_518 : i32
        %add3A_520 = arith.constant 16 : i32
        %add3A_521 = arith.addi %mul3A_494, %add3A_520 : i32
        %get3A_522 = arith.index_cast %add3A_519 : i32 to index
        %get3A_523 = arith.index_cast %add3A_521 : i32 to index
        %get3A_524 = tpu.vector_load %arg8[%get3A_522, %get3A_523] {strides = array<i32>} : memref<80x128xf32, #tpu.memory_space<vmem>>, vector<1x16xf32>,
        %get3A_525 = vector.shape_cast %get3A_524 : vector<1x16xf32> to vector<16xf32>
        %add3A_526 = arith.constant 16 : i32
        %add3A_527 = arith.addi %mul3A_502, %add3A_526 : i32
        %swap3A_528 = arith.index_cast %shift_right_arithmetic3A_498 : i32 to index
        %swap3A_529 = arith.index_cast %add3A_527 : i32 to index
        %swap3A_530 = tpu.vector_load %arg9[%swap3A_528, %swap3A_529] {strides = array<i32>} : memref<400x128xf32, #tpu.memory_space<vmem>>, vector<1x16xf32>,
        %swap3A_531 = vector.shape_cast %swap3A_530 : vector<1x16xf32> to vector<16xf32>
        %swap3A_532 = vector.shape_cast %get3A_525 : vector<16xf32> to vector<1x16xf32>
        tpu.vector_store %arg9[%swap3A_528, %swap3A_529], %swap3A_532 {strides = array<i32>} : memref<400x128xf32, #tpu.memory_space<vmem>>, vector<1x16xf32>,
        %slice3A_533 = vector.extract_strided_slice %get3A_183 {offsets = [8], sizes = [1], strides = [1]} : vector<16xi32> to vector<1xi32>
        %squeeze3A_534 = vector.extract %slice3A_533[0] : i32 from vector<1xi32>
        %shift_right_arithmetic3A_535 = arith.constant 16 : i32
        %shift_right_arithmetic3A_536 = arith.shrsi %squeeze3A_534, %shift_right_arithmetic3A_535 : i32
        %mul3A_537 = arith.constant 32 : i32
        %mul3A_538 = arith.muli %shift_right_arithmetic3A_536, %mul3A_537 : i32
        %and3A_539 = arith.constant 65535 : i32
        %and3A_540 = arith.andi %squeeze3A_534, %and3A_539 : i32
        %shift_right_arithmetic3A_541 = arith.constant 2 : i32
        %shift_right_arithmetic3A_542 = arith.shrsi %and3A_540, %shift_right_arithmetic3A_541 : i32
        %and3A_543 = arith.constant 3 : i32
        %and3A_544 = arith.andi %and3A_540, %and3A_543 : i32
        %mul3A_545 = arith.constant 32 : i32
        %mul3A_546 = arith.muli %and3A_544, %mul3A_545 : i32
        %mul3A_547 = arith.constant 16 : i32
        %mul3A_548 = arith.muli %scan3A_175, %mul3A_547 : i32
        %add3A_549 = arith.constant 8 : i32
        %add3A_550 = arith.addi %mul3A_548, %add3A_549 : i32
        %get3A_551 = arith.index_cast %add3A_550 : i32 to index
        %get3A_552 = arith.index_cast %mul3A_538 : i32 to index
        %get3A_553 = tpu.vector_load %arg8[%get3A_551, %get3A_552] {strides = array<i32>} : memref<80x128xf32, #tpu.memory_space<vmem>>, vector<1x16xf32>,
        %get3A_554 = vector.shape_cast %get3A_553 : vector<1x16xf32> to vector<16xf32>
        %swap3A_555 = arith.index_cast %shift_right_arithmetic3A_542 : i32 to index
        %swap3A_556 = arith.index_cast %mul3A_546 : i32 to index
        %swap3A_557 = tpu.vector_load %arg9[%swap3A_555, %swap3A_556] {strides = array<i32>} : memref<400x128xf32, #tpu.memory_space<vmem>>, vector<1x16xf32>,
        %swap3A_558 = vector.shape_cast %swap3A_557 : vector<1x16xf32> to vector<16xf32>
        %swap3A_559 = vector.shape_cast %get3A_554 : vector<16xf32> to vector<1x16xf32>
        tpu.vector_store %arg9[%swap3A_555, %swap3A_556], %swap3A_559 {strides = array<i32>} : memref<400x128xf32, #tpu.memory_space<vmem>>, vector<1x16xf32>,
        %mul3A_560 = arith.constant 16 : i32
        %mul3A_561 = arith.muli %scan3A_175, %mul3A_560 : i32
        %add3A_562 = arith.constant 8 : i32
        %add3A_563 = arith.addi %mul3A_561, %add3A_562 : i32
        %add3A_564 = arith.constant 16 : i32
        %add3A_565 = arith.addi %mul3A_538, %add3A_564 : i32
        %get3A_566 = arith.index_cast %add3A_563 : i32 to index
        %get3A_567 = arith.index_cast %add3A_565 : i32 to index
        %get3A_568 = tpu.vector_load %arg8[%get3A_566, %get3A_567] {strides = array<i32>} : memref<80x128xf32, #tpu.memory_space<vmem>>, vector<1x16xf32>,
        %get3A_569 = vector.shape_cast %get3A_568 : vector<1x16xf32> to vector<16xf32>
        %add3A_570 = arith.constant 16 : i32
        %add3A_571 = arith.addi %mul3A_546, %add3A_570 : i32
        %swap3A_572 = arith.index_cast %shift_right_arithmetic3A_542 : i32 to index
        %swap3A_573 = arith.index_cast %add3A_571 : i32 to index
        %swap3A_574 = tpu.vector_load %arg9[%swap3A_572, %swap3A_573] {strides = array<i32>} : memref<400x128xf32, #tpu.memory_space<vmem>>, vector<1x16xf32>,
        %swap3A_575 = vector.shape_cast %swap3A_574 : vector<1x16xf32> to vector<16xf32>
        %swap3A_576 = vector.shape_cast %get3A_569 : vector<16xf32> to vector<1x16xf32>
        tpu.vector_store %arg9[%swap3A_572, %swap3A_573], %swap3A_576 {strides = array<i32>} : memref<400x128xf32, #tpu.memory_space<vmem>>, vector<1x16xf32>,
        %slice3A_577 = vector.extract_strided_slice %get3A_183 {offsets = [9], sizes = [1], strides = [1]} : vector<16xi32> to vector<1xi32>
        %squeeze3A_578 = vector.extract %slice3A_577[0] : i32 from vector<1xi32>
        %shift_right_arithmetic3A_579 = arith.constant 16 : i32
        %shift_right_arithmetic3A_580 = arith.shrsi %squeeze3A_578, %shift_right_arithmetic3A_579 : i32
        %mul3A_581 = arith.constant 32 : i32
        %mul3A_582 = arith.muli %shift_right_arithmetic3A_580, %mul3A_581 : i32
        %and3A_583 = arith.constant 65535 : i32
        %and3A_584 = arith.andi %squeeze3A_578, %and3A_583 : i32
        %shift_right_arithmetic3A_585 = arith.constant 2 : i32
        %shift_right_arithmetic3A_586 = arith.shrsi %and3A_584, %shift_right_arithmetic3A_585 : i32
        %and3A_587 = arith.constant 3 : i32
        %and3A_588 = arith.andi %and3A_584, %and3A_587 : i32
        %mul3A_589 = arith.constant 32 : i32
        %mul3A_590 = arith.muli %and3A_588, %mul3A_589 : i32
        %mul3A_591 = arith.constant 16 : i32
        %mul3A_592 = arith.muli %scan3A_175, %mul3A_591 : i32
        %add3A_593 = arith.constant 9 : i32
        %add3A_594 = arith.addi %mul3A_592, %add3A_593 : i32
        %get3A_595 = arith.index_cast %add3A_594 : i32 to index
        %get3A_596 = arith.index_cast %mul3A_582 : i32 to index
        %get3A_597 = tpu.vector_load %arg8[%get3A_595, %get3A_596] {strides = array<i32>} : memref<80x128xf32, #tpu.memory_space<vmem>>, vector<1x16xf32>,
        %get3A_598 = vector.shape_cast %get3A_597 : vector<1x16xf32> to vector<16xf32>
        %swap3A_599 = arith.index_cast %shift_right_arithmetic3A_586 : i32 to index
        %swap3A_600 = arith.index_cast %mul3A_590 : i32 to index
        %swap3A_601 = tpu.vector_load %arg9[%swap3A_599, %swap3A_600] {strides = array<i32>} : memref<400x128xf32, #tpu.memory_space<vmem>>, vector<1x16xf32>,
        %swap3A_602 = vector.shape_cast %swap3A_601 : vector<1x16xf32> to vector<16xf32>
        %swap3A_603 = vector.shape_cast %get3A_598 : vector<16xf32> to vector<1x16xf32>
        tpu.vector_store %arg9[%swap3A_599, %swap3A_600], %swap3A_603 {strides = array<i32>} : memref<400x128xf32, #tpu.memory_space<vmem>>, vector<1x16xf32>,
        %mul3A_604 = arith.constant 16 : i32
        %mul3A_605 = arith.muli %scan3A_175, %mul3A_604 : i32
        %add3A_606 = arith.constant 9 : i32
        %add3A_607 = arith.addi %mul3A_605, %add3A_606 : i32
        %add3A_608 = arith.constant 16 : i32
        %add3A_609 = arith.addi %mul3A_582, %add3A_608 : i32
        %get3A_610 = arith.index_cast %add3A_607 : i32 to index
        %get3A_611 = arith.index_cast %add3A_609 : i32 to index
        %get3A_612 = tpu.vector_load %arg8[%get3A_610, %get3A_611] {strides = array<i32>} : memref<80x128xf32, #tpu.memory_space<vmem>>, vector<1x16xf32>,
        %get3A_613 = vector.shape_cast %get3A_612 : vector<1x16xf32> to vector<16xf32>
        %add3A_614 = arith.constant 16 : i32
        %add3A_615 = arith.addi %mul3A_590, %add3A_614 : i32
        %swap3A_616 = arith.index_cast %shift_right_arithmetic3A_586 : i32 to index
        %swap3A_617 = arith.index_cast %add3A_615 : i32 to index
        %swap3A_618 = tpu.vector_load %arg9[%swap3A_616, %swap3A_617] {strides = array<i32>} : memref<400x128xf32, #tpu.memory_space<vmem>>, vector<1x16xf32>,
        %swap3A_619 = vector.shape_cast %swap3A_618 : vector<1x16xf32> to vector<16xf32>
        %swap3A_620 = vector.shape_cast %get3A_613 : vector<16xf32> to vector<1x16xf32>
        tpu.vector_store %arg9[%swap3A_616, %swap3A_617], %swap3A_620 {strides = array<i32>} : memref<400x128xf32, #tpu.memory_space<vmem>>, vector<1x16xf32>,
        %slice3A_621 = vector.extract_strided_slice %get3A_183 {offsets = [10], sizes = [1], strides = [1]} : vector<16xi32> to vector<1xi32>
        %squeeze3A_622 = vector.extract %slice3A_621[0] : i32 from vector<1xi32>
        %shift_right_arithmetic3A_623 = arith.constant 16 : i32
        %shift_right_arithmetic3A_624 = arith.shrsi %squeeze3A_622, %shift_right_arithmetic3A_623 : i32
        %mul3A_625 = arith.constant 32 : i32
        %mul3A_626 = arith.muli %shift_right_arithmetic3A_624, %mul3A_625 : i32
        %and3A_627 = arith.constant 65535 : i32
        %and3A_628 = arith.andi %squeeze3A_622, %and3A_627 : i32
        %shift_right_arithmetic3A_629 = arith.constant 2 : i32
        %shift_right_arithmetic3A_630 = arith.shrsi %and3A_628, %shift_right_arithmetic3A_629 : i32
        %and3A_631 = arith.constant 3 : i32
        %and3A_632 = arith.andi %and3A_628, %and3A_631 : i32
        %mul3A_633 = arith.constant 32 : i32
        %mul3A_634 = arith.muli %and3A_632, %mul3A_633 : i32
        %mul3A_635 = arith.constant 16 : i32
        %mul3A_636 = arith.muli %scan3A_175, %mul3A_635 : i32
        %add3A_637 = arith.constant 10 : i32
        %add3A_638 = arith.addi %mul3A_636, %add3A_637 : i32
        %get3A_639 = arith.index_cast %add3A_638 : i32 to index
        %get3A_640 = arith.index_cast %mul3A_626 : i32 to index
        %get3A_641 = tpu.vector_load %arg8[%get3A_639, %get3A_640] {strides = array<i32>} : memref<80x128xf32, #tpu.memory_space<vmem>>, vector<1x16xf32>,
        %get3A_642 = vector.shape_cast %get3A_641 : vector<1x16xf32> to vector<16xf32>
        %swap3A_643 = arith.index_cast %shift_right_arithmetic3A_630 : i32 to index
        %swap3A_644 = arith.index_cast %mul3A_634 : i32 to index
        %swap3A_645 = tpu.vector_load %arg9[%swap3A_643, %swap3A_644] {strides = array<i32>} : memref<400x128xf32, #tpu.memory_space<vmem>>, vector<1x16xf32>,
        %swap3A_646 = vector.shape_cast %swap3A_645 : vector<1x16xf32> to vector<16xf32>
        %swap3A_647 = vector.shape_cast %get3A_642 : vector<16xf32> to vector<1x16xf32>
        tpu.vector_store %arg9[%swap3A_643, %swap3A_644], %swap3A_647 {strides = array<i32>} : memref<400x128xf32, #tpu.memory_space<vmem>>, vector<1x16xf32>,
        %mul3A_648 = arith.constant 16 : i32
        %mul3A_649 = arith.muli %scan3A_175, %mul3A_648 : i32
        %add3A_650 = arith.constant 10 : i32
        %add3A_651 = arith.addi %mul3A_649, %add3A_650 : i32
        %add3A_652 = arith.constant 16 : i32
        %add3A_653 = arith.addi %mul3A_626, %add3A_652 : i32
        %get3A_654 = arith.index_cast %add3A_651 : i32 to index
        %get3A_655 = arith.index_cast %add3A_653 : i32 to index
        %get3A_656 = tpu.vector_load %arg8[%get3A_654, %get3A_655] {strides = array<i32>} : memref<80x128xf32, #tpu.memory_space<vmem>>, vector<1x16xf32>,
        %get3A_657 = vector.shape_cast %get3A_656 : vector<1x16xf32> to vector<16xf32>
        %add3A_658 = arith.constant 16 : i32
        %add3A_659 = arith.addi %mul3A_634, %add3A_658 : i32
        %swap3A_660 = arith.index_cast %shift_right_arithmetic3A_630 : i32 to index
        %swap3A_661 = arith.index_cast %add3A_659 : i32 to index
        %swap3A_662 = tpu.vector_load %arg9[%swap3A_660, %swap3A_661] {strides = array<i32>} : memref<400x128xf32, #tpu.memory_space<vmem>>, vector<1x16xf32>,
        %swap3A_663 = vector.shape_cast %swap3A_662 : vector<1x16xf32> to vector<16xf32>
        %swap3A_664 = vector.shape_cast %get3A_657 : vector<16xf32> to vector<1x16xf32>
        tpu.vector_store %arg9[%swap3A_660, %swap3A_661], %swap3A_664 {strides = array<i32>} : memref<400x128xf32, #tpu.memory_space<vmem>>, vector<1x16xf32>,
        %slice3A_665 = vector.extract_strided_slice %get3A_183 {offsets = [11], sizes = [1], strides = [1]} : vector<16xi32> to vector<1xi32>
        %squeeze3A_666 = vector.extract %slice3A_665[0] : i32 from vector<1xi32>
        %shift_right_arithmetic3A_667 = arith.constant 16 : i32
        %shift_right_arithmetic3A_668 = arith.shrsi %squeeze3A_666, %shift_right_arithmetic3A_667 : i32
        %mul3A_669 = arith.constant 32 : i32
        %mul3A_670 = arith.muli %shift_right_arithmetic3A_668, %mul3A_669 : i32
        %and3A_671 = arith.constant 65535 : i32
        %and3A_672 = arith.andi %squeeze3A_666, %and3A_671 : i32
        %shift_right_arithmetic3A_673 = arith.constant 2 : i32
        %shift_right_arithmetic3A_674 = arith.shrsi %and3A_672, %shift_right_arithmetic3A_673 : i32
        %and3A_675 = arith.constant 3 : i32
        %and3A_676 = arith.andi %and3A_672, %and3A_675 : i32
        %mul3A_677 = arith.constant 32 : i32
        %mul3A_678 = arith.muli %and3A_676, %mul3A_677 : i32
        %mul3A_679 = arith.constant 16 : i32
        %mul3A_680 = arith.muli %scan3A_175, %mul3A_679 : i32
        %add3A_681 = arith.constant 11 : i32
        %add3A_682 = arith.addi %mul3A_680, %add3A_681 : i32
        %get3A_683 = arith.index_cast %add3A_682 : i32 to index
        %get3A_684 = arith.index_cast %mul3A_670 : i32 to index
        %get3A_685 = tpu.vector_load %arg8[%get3A_683, %get3A_684] {strides = array<i32>} : memref<80x128xf32, #tpu.memory_space<vmem>>, vector<1x16xf32>,
        %get3A_686 = vector.shape_cast %get3A_685 : vector<1x16xf32> to vector<16xf32>
        %swap3A_687 = arith.index_cast %shift_right_arithmetic3A_674 : i32 to index
        %swap3A_688 = arith.index_cast %mul3A_678 : i32 to index
        %swap3A_689 = tpu.vector_load %arg9[%swap3A_687, %swap3A_688] {strides = array<i32>} : memref<400x128xf32, #tpu.memory_space<vmem>>, vector<1x16xf32>,
        %swap3A_690 = vector.shape_cast %swap3A_689 : vector<1x16xf32> to vector<16xf32>
        %swap3A_691 = vector.shape_cast %get3A_686 : vector<16xf32> to vector<1x16xf32>
        tpu.vector_store %arg9[%swap3A_687, %swap3A_688], %swap3A_691 {strides = array<i32>} : memref<400x128xf32, #tpu.memory_space<vmem>>, vector<1x16xf32>,
        %mul3A_692 = arith.constant 16 : i32
        %mul3A_693 = arith.muli %scan3A_175, %mul3A_692 : i32
        %add3A_694 = arith.constant 11 : i32
        %add3A_695 = arith.addi %mul3A_693, %add3A_694 : i32
        %add3A_696 = arith.constant 16 : i32
        %add3A_697 = arith.addi %mul3A_670, %add3A_696 : i32
        %get3A_698 = arith.index_cast %add3A_695 : i32 to index
        %get3A_699 = arith.index_cast %add3A_697 : i32 to index
        %get3A_700 = tpu.vector_load %arg8[%get3A_698, %get3A_699] {strides = array<i32>} : memref<80x128xf32, #tpu.memory_space<vmem>>, vector<1x16xf32>,
        %get3A_701 = vector.shape_cast %get3A_700 : vector<1x16xf32> to vector<16xf32>
        %add3A_702 = arith.constant 16 : i32
        %add3A_703 = arith.addi %mul3A_678, %add3A_702 : i32
        %swap3A_704 = arith.index_cast %shift_right_arithmetic3A_674 : i32 to index
        %swap3A_705 = arith.index_cast %add3A_703 : i32 to index
        %swap3A_706 = tpu.vector_load %arg9[%swap3A_704, %swap3A_705] {strides = array<i32>} : memref<400x128xf32, #tpu.memory_space<vmem>>, vector<1x16xf32>,
        %swap3A_707 = vector.shape_cast %swap3A_706 : vector<1x16xf32> to vector<16xf32>
        %swap3A_708 = vector.shape_cast %get3A_701 : vector<16xf32> to vector<1x16xf32>
        tpu.vector_store %arg9[%swap3A_704, %swap3A_705], %swap3A_708 {strides = array<i32>} : memref<400x128xf32, #tpu.memory_space<vmem>>, vector<1x16xf32>,
        %slice3A_709 = vector.extract_strided_slice %get3A_183 {offsets = [12], sizes = [1], strides = [1]} : vector<16xi32> to vector<1xi32>
        %squeeze3A_710 = vector.extract %slice3A_709[0] : i32 from vector<1xi32>
        %shift_right_arithmetic3A_711 = arith.constant 16 : i32
        %shift_right_arithmetic3A_712 = arith.shrsi %squeeze3A_710, %shift_right_arithmetic3A_711 : i32
        %mul3A_713 = arith.constant 32 : i32
        %mul3A_714 = arith.muli %shift_right_arithmetic3A_712, %mul3A_713 : i32
        %and3A_715 = arith.constant 65535 : i32
        %and3A_716 = arith.andi %squeeze3A_710, %and3A_715 : i32
        %shift_right_arithmetic3A_717 = arith.constant 2 : i32
        %shift_right_arithmetic3A_718 = arith.shrsi %and3A_716, %shift_right_arithmetic3A_717 : i32
        %and3A_719 = arith.constant 3 : i32
        %and3A_720 = arith.andi %and3A_716, %and3A_719 : i32
        %mul3A_721 = arith.constant 32 : i32
        %mul3A_722 = arith.muli %and3A_720, %mul3A_721 : i32
        %mul3A_723 = arith.constant 16 : i32
        %mul3A_724 = arith.muli %scan3A_175, %mul3A_723 : i32
        %add3A_725 = arith.constant 12 : i32
        %add3A_726 = arith.addi %mul3A_724, %add3A_725 : i32
        %get3A_727 = arith.index_cast %add3A_726 : i32 to index
        %get3A_728 = arith.index_cast %mul3A_714 : i32 to index
        %get3A_729 = tpu.vector_load %arg8[%get3A_727, %get3A_728] {strides = array<i32>} : memref<80x128xf32, #tpu.memory_space<vmem>>, vector<1x16xf32>,
        %get3A_730 = vector.shape_cast %get3A_729 : vector<1x16xf32> to vector<16xf32>
        %swap3A_731 = arith.index_cast %shift_right_arithmetic3A_718 : i32 to index
        %swap3A_732 = arith.index_cast %mul3A_722 : i32 to index
        %swap3A_733 = tpu.vector_load %arg9[%swap3A_731, %swap3A_732] {strides = array<i32>} : memref<400x128xf32, #tpu.memory_space<vmem>>, vector<1x16xf32>,
        %swap3A_734 = vector.shape_cast %swap3A_733 : vector<1x16xf32> to vector<16xf32>
        %swap3A_735 = vector.shape_cast %get3A_730 : vector<16xf32> to vector<1x16xf32>
        tpu.vector_store %arg9[%swap3A_731, %swap3A_732], %swap3A_735 {strides = array<i32>} : memref<400x128xf32, #tpu.memory_space<vmem>>, vector<1x16xf32>,
        %mul3A_736 = arith.constant 16 : i32
        %mul3A_737 = arith.muli %scan3A_175, %mul3A_736 : i32
        %add3A_738 = arith.constant 12 : i32
        %add3A_739 = arith.addi %mul3A_737, %add3A_738 : i32
        %add3A_740 = arith.constant 16 : i32
        %add3A_741 = arith.addi %mul3A_714, %add3A_740 : i32
        %get3A_742 = arith.index_cast %add3A_739 : i32 to index
        %get3A_743 = arith.index_cast %add3A_741 : i32 to index
        %get3A_744 = tpu.vector_load %arg8[%get3A_742, %get3A_743] {strides = array<i32>} : memref<80x128xf32, #tpu.memory_space<vmem>>, vector<1x16xf32>,
        %get3A_745 = vector.shape_cast %get3A_744 : vector<1x16xf32> to vector<16xf32>
        %add3A_746 = arith.constant 16 : i32
        %add3A_747 = arith.addi %mul3A_722, %add3A_746 : i32
        %swap3A_748 = arith.index_cast %shift_right_arithmetic3A_718 : i32 to index
        %swap3A_749 = arith.index_cast %add3A_747 : i32 to index
        %swap3A_750 = tpu.vector_load %arg9[%swap3A_748, %swap3A_749] {strides = array<i32>} : memref<400x128xf32, #tpu.memory_space<vmem>>, vector<1x16xf32>,
        %swap3A_751 = vector.shape_cast %swap3A_750 : vector<1x16xf32> to vector<16xf32>
        %swap3A_752 = vector.shape_cast %get3A_745 : vector<16xf32> to vector<1x16xf32>
        tpu.vector_store %arg9[%swap3A_748, %swap3A_749], %swap3A_752 {strides = array<i32>} : memref<400x128xf32, #tpu.memory_space<vmem>>, vector<1x16xf32>,
        %slice3A_753 = vector.extract_strided_slice %get3A_183 {offsets = [13], sizes = [1], strides = [1]} : vector<16xi32> to vector<1xi32>
        %squeeze3A_754 = vector.extract %slice3A_753[0] : i32 from vector<1xi32>
        %shift_right_arithmetic3A_755 = arith.constant 16 : i32
        %shift_right_arithmetic3A_756 = arith.shrsi %squeeze3A_754, %shift_right_arithmetic3A_755 : i32
        %mul3A_757 = arith.constant 32 : i32
        %mul3A_758 = arith.muli %shift_right_arithmetic3A_756, %mul3A_757 : i32
        %and3A_759 = arith.constant 65535 : i32
        %and3A_760 = arith.andi %squeeze3A_754, %and3A_759 : i32
        %shift_right_arithmetic3A_761 = arith.constant 2 : i32
        %shift_right_arithmetic3A_762 = arith.shrsi %and3A_760, %shift_right_arithmetic3A_761 : i32
        %and3A_763 = arith.constant 3 : i32
        %and3A_764 = arith.andi %and3A_760, %and3A_763 : i32
        %mul3A_765 = arith.constant 32 : i32
        %mul3A_766 = arith.muli %and3A_764, %mul3A_765 : i32
        %mul3A_767 = arith.constant 16 : i32
        %mul3A_768 = arith.muli %scan3A_175, %mul3A_767 : i32
        %add3A_769 = arith.constant 13 : i32
        %add3A_770 = arith.addi %mul3A_768, %add3A_769 : i32
        %get3A_771 = arith.index_cast %add3A_770 : i32 to index
        %get3A_772 = arith.index_cast %mul3A_758 : i32 to index
        %get3A_773 = tpu.vector_load %arg8[%get3A_771, %get3A_772] {strides = array<i32>} : memref<80x128xf32, #tpu.memory_space<vmem>>, vector<1x16xf32>,
        %get3A_774 = vector.shape_cast %get3A_773 : vector<1x16xf32> to vector<16xf32>
        %swap3A_775 = arith.index_cast %shift_right_arithmetic3A_762 : i32 to index
        %swap3A_776 = arith.index_cast %mul3A_766 : i32 to index
        %swap3A_777 = tpu.vector_load %arg9[%swap3A_775, %swap3A_776] {strides = array<i32>} : memref<400x128xf32, #tpu.memory_space<vmem>>, vector<1x16xf32>,
        %swap3A_778 = vector.shape_cast %swap3A_777 : vector<1x16xf32> to vector<16xf32>
        %swap3A_779 = vector.shape_cast %get3A_774 : vector<16xf32> to vector<1x16xf32>
        tpu.vector_store %arg9[%swap3A_775, %swap3A_776], %swap3A_779 {strides = array<i32>} : memref<400x128xf32, #tpu.memory_space<vmem>>, vector<1x16xf32>,
        %mul3A_780 = arith.constant 16 : i32
        %mul3A_781 = arith.muli %scan3A_175, %mul3A_780 : i32
        %add3A_782 = arith.constant 13 : i32
        %add3A_783 = arith.addi %mul3A_781, %add3A_782 : i32
        %add3A_784 = arith.constant 16 : i32
        %add3A_785 = arith.addi %mul3A_758, %add3A_784 : i32
        %get3A_786 = arith.index_cast %add3A_783 : i32 to index
        %get3A_787 = arith.index_cast %add3A_785 : i32 to index
        %get3A_788 = tpu.vector_load %arg8[%get3A_786, %get3A_787] {strides = array<i32>} : memref<80x128xf32, #tpu.memory_space<vmem>>, vector<1x16xf32>,
        %get3A_789 = vector.shape_cast %get3A_788 : vector<1x16xf32> to vector<16xf32>
        %add3A_790 = arith.constant 16 : i32
        %add3A_791 = arith.addi %mul3A_766, %add3A_790 : i32
        %swap3A_792 = arith.index_cast %shift_right_arithmetic3A_762 : i32 to index
        %swap3A_793 = arith.index_cast %add3A_791 : i32 to index
        %swap3A_794 = tpu.vector_load %arg9[%swap3A_792, %swap3A_793] {strides = array<i32>} : memref<400x128xf32, #tpu.memory_space<vmem>>, vector<1x16xf32>,
        %swap3A_795 = vector.shape_cast %swap3A_794 : vector<1x16xf32> to vector<16xf32>
        %swap3A_796 = vector.shape_cast %get3A_789 : vector<16xf32> to vector<1x16xf32>
        tpu.vector_store %arg9[%swap3A_792, %swap3A_793], %swap3A_796 {strides = array<i32>} : memref<400x128xf32, #tpu.memory_space<vmem>>, vector<1x16xf32>,
        %slice3A_797 = vector.extract_strided_slice %get3A_183 {offsets = [14], sizes = [1], strides = [1]} : vector<16xi32> to vector<1xi32>
        %squeeze3A_798 = vector.extract %slice3A_797[0] : i32 from vector<1xi32>
        %shift_right_arithmetic3A_799 = arith.constant 16 : i32
        %shift_right_arithmetic3A_800 = arith.shrsi %squeeze3A_798, %shift_right_arithmetic3A_799 : i32
        %mul3A_801 = arith.constant 32 : i32
        %mul3A_802 = arith.muli %shift_right_arithmetic3A_800, %mul3A_801 : i32
        %and3A_803 = arith.constant 65535 : i32
        %and3A_804 = arith.andi %squeeze3A_798, %and3A_803 : i32
        %shift_right_arithmetic3A_805 = arith.constant 2 : i32
        %shift_right_arithmetic3A_806 = arith.shrsi %and3A_804, %shift_right_arithmetic3A_805 : i32
        %and3A_807 = arith.constant 3 : i32
        %and3A_808 = arith.andi %and3A_804, %and3A_807 : i32
        %mul3A_809 = arith.constant 32 : i32
        %mul3A_810 = arith.muli %and3A_808, %mul3A_809 : i32
        %mul3A_811 = arith.constant 16 : i32
        %mul3A_812 = arith.muli %scan3A_175, %mul3A_811 : i32
        %add3A_813 = arith.constant 14 : i32
        %add3A_814 = arith.addi %mul3A_812, %add3A_813 : i32
        %get3A_815 = arith.index_cast %add3A_814 : i32 to index
        %get3A_816 = arith.index_cast %mul3A_802 : i32 to index
        %get3A_817 = tpu.vector_load %arg8[%get3A_815, %get3A_816] {strides = array<i32>} : memref<80x128xf32, #tpu.memory_space<vmem>>, vector<1x16xf32>,
        %get3A_818 = vector.shape_cast %get3A_817 : vector<1x16xf32> to vector<16xf32>
        %swap3A_819 = arith.index_cast %shift_right_arithmetic3A_806 : i32 to index
        %swap3A_820 = arith.index_cast %mul3A_810 : i32 to index
        %swap3A_821 = tpu.vector_load %arg9[%swap3A_819, %swap3A_820] {strides = array<i32>} : memref<400x128xf32, #tpu.memory_space<vmem>>, vector<1x16xf32>,
        %swap3A_822 = vector.shape_cast %swap3A_821 : vector<1x16xf32> to vector<16xf32>
        %swap3A_823 = vector.shape_cast %get3A_818 : vector<16xf32> to vector<1x16xf32>
        tpu.vector_store %arg9[%swap3A_819, %swap3A_820], %swap3A_823 {strides = array<i32>} : memref<400x128xf32, #tpu.memory_space<vmem>>, vector<1x16xf32>,
        %mul3A_824 = arith.constant 16 : i32
        %mul3A_825 = arith.muli %scan3A_175, %mul3A_824 : i32
        %add3A_826 = arith.constant 14 : i32
        %add3A_827 = arith.addi %mul3A_825, %add3A_826 : i32
        %add3A_828 = arith.constant 16 : i32
        %add3A_829 = arith.addi %mul3A_802, %add3A_828 : i32
        %get3A_830 = arith.index_cast %add3A_827 : i32 to index
        %get3A_831 = arith.index_cast %add3A_829 : i32 to index
        %get3A_832 = tpu.vector_load %arg8[%get3A_830, %get3A_831] {strides = array<i32>} : memref<80x128xf32, #tpu.memory_space<vmem>>, vector<1x16xf32>,
        %get3A_833 = vector.shape_cast %get3A_832 : vector<1x16xf32> to vector<16xf32>
        %add3A_834 = arith.constant 16 : i32
        %add3A_835 = arith.addi %mul3A_810, %add3A_834 : i32
        %swap3A_836 = arith.index_cast %shift_right_arithmetic3A_806 : i32 to index
        %swap3A_837 = arith.index_cast %add3A_835 : i32 to index
        %swap3A_838 = tpu.vector_load %arg9[%swap3A_836, %swap3A_837] {strides = array<i32>} : memref<400x128xf32, #tpu.memory_space<vmem>>, vector<1x16xf32>,
        %swap3A_839 = vector.shape_cast %swap3A_838 : vector<1x16xf32> to vector<16xf32>
        %swap3A_840 = vector.shape_cast %get3A_833 : vector<16xf32> to vector<1x16xf32>
        tpu.vector_store %arg9[%swap3A_836, %swap3A_837], %swap3A_840 {strides = array<i32>} : memref<400x128xf32, #tpu.memory_space<vmem>>, vector<1x16xf32>,
        %slice3A_841 = vector.extract_strided_slice %get3A_183 {offsets = [15], sizes = [1], strides = [1]} : vector<16xi32> to vector<1xi32>
        %squeeze3A_842 = vector.extract %slice3A_841[0] : i32 from vector<1xi32>
        %shift_right_arithmetic3A_843 = arith.constant 16 : i32
        %shift_right_arithmetic3A_844 = arith.shrsi %squeeze3A_842, %shift_right_arithmetic3A_843 : i32
        %mul3A_845 = arith.constant 32 : i32
        %mul3A_846 = arith.muli %shift_right_arithmetic3A_844, %mul3A_845 : i32
        %and3A_847 = arith.constant 65535 : i32
        %and3A_848 = arith.andi %squeeze3A_842, %and3A_847 : i32
        %shift_right_arithmetic3A_849 = arith.constant 2 : i32
        %shift_right_arithmetic3A_850 = arith.shrsi %and3A_848, %shift_right_arithmetic3A_849 : i32
        %and3A_851 = arith.constant 3 : i32
        %and3A_852 = arith.andi %and3A_848, %and3A_851 : i32
        %mul3A_853 = arith.constant 32 : i32
        %mul3A_854 = arith.muli %and3A_852, %mul3A_853 : i32
        %mul3A_855 = arith.constant 16 : i32
        %mul3A_856 = arith.muli %scan3A_175, %mul3A_855 : i32
        %add3A_857 = arith.constant 15 : i32
        %add3A_858 = arith.addi %mul3A_856, %add3A_857 : i32
        %get3A_859 = arith.index_cast %add3A_858 : i32 to index
        %get3A_860 = arith.index_cast %mul3A_846 : i32 to index
        %get3A_861 = tpu.vector_load %arg8[%get3A_859, %get3A_860] {strides = array<i32>} : memref<80x128xf32, #tpu.memory_space<vmem>>, vector<1x16xf32>,
        %get3A_862 = vector.shape_cast %get3A_861 : vector<1x16xf32> to vector<16xf32>
        %swap3A_863 = arith.index_cast %shift_right_arithmetic3A_850 : i32 to index
        %swap3A_864 = arith.index_cast %mul3A_854 : i32 to index
        %swap3A_865 = tpu.vector_load %arg9[%swap3A_863, %swap3A_864] {strides = array<i32>} : memref<400x128xf32, #tpu.memory_space<vmem>>, vector<1x16xf32>,
        %swap3A_866 = vector.shape_cast %swap3A_865 : vector<1x16xf32> to vector<16xf32>
        %swap3A_867 = vector.shape_cast %get3A_862 : vector<16xf32> to vector<1x16xf32>
        tpu.vector_store %arg9[%swap3A_863, %swap3A_864], %swap3A_867 {strides = array<i32>} : memref<400x128xf32, #tpu.memory_space<vmem>>, vector<1x16xf32>,
        %mul3A_868 = arith.constant 16 : i32
        %mul3A_869 = arith.muli %scan3A_175, %mul3A_868 : i32
        %add3A_870 = arith.constant 15 : i32
        %add3A_871 = arith.addi %mul3A_869, %add3A_870 : i32
        %add3A_872 = arith.constant 16 : i32
        %add3A_873 = arith.addi %mul3A_846, %add3A_872 : i32
        %get3A_874 = arith.index_cast %add3A_871 : i32 to index
        %get3A_875 = arith.index_cast %add3A_873 : i32 to index
        %get3A_876 = tpu.vector_load %arg8[%get3A_874, %get3A_875] {strides = array<i32>} : memref<80x128xf32, #tpu.memory_space<vmem>>, vector<1x16xf32>,
        %get3A_877 = vector.shape_cast %get3A_876 : vector<1x16xf32> to vector<16xf32>
        %add3A_878 = arith.constant 16 : i32
        %add3A_879 = arith.addi %mul3A_854, %add3A_878 : i32
        %swap3A_880 = arith.index_cast %shift_right_arithmetic3A_850 : i32 to index
        %swap3A_881 = arith.index_cast %add3A_879 : i32 to index
        %swap3A_882 = tpu.vector_load %arg9[%swap3A_880, %swap3A_881] {strides = array<i32>} : memref<400x128xf32, #tpu.memory_space<vmem>>, vector<1x16xf32>,
        %swap3A_883 = vector.shape_cast %swap3A_882 : vector<1x16xf32> to vector<16xf32>
        %swap3A_884 = vector.shape_cast %get3A_877 : vector<16xf32> to vector<1x16xf32>
        tpu.vector_store %arg9[%swap3A_880, %swap3A_881], %swap3A_884 {strides = array<i32>} : memref<400x128xf32, #tpu.memory_space<vmem>>, vector<1x16xf32>,
      }
      %scan3A_174 = arith.constant 5 : i32
    }
    %while3A_113 = arith.constant 1 : i32
    scf.for %while3A_158 = %while3A_111 to %while3A_107 step %while3A_113  : i32 {
      %mul3A_159 = arith.constant 80 : i32
      %mul3A_160 = arith.muli %while3A_158, %mul3A_159 : i32
      %dma_start3A_161 = tpu.memref_slice %arg6[%mul3A_160] : memref<1696xi32, #tpu.memory_space<vmem>> -> memref<80xi32, #tpu.memory_space<vmem>>
      %dma_start3A_162 = arith.constant 0 : i32
      %dma_start3A_163 = arith.constant 0 : i32
      %dma_start3A_164 = tpu.memref_slice %arg2[%dma_start3A_162, %dma_start3A_163] : memref<250000x128xf32, #tpu.memory_space<hbm>> -> memref<250000x128xf32, #tpu.memory_space<hbm>>
      tpu.enqueue_indirect_dma source(%dma_start3A_164 : memref<250000x128xf32, #tpu.memory_space<hbm>>) target(%arg8 : memref<80x128xf32, #tpu.memory_space<vmem>>) offsets(%dma_start3A_161 : memref<80xi32, #tpu.memory_space<vmem>>) semaphore(%arg10 : memref<!tpu.dma_semaphore, #tpu.memory_space<semaphore_mem>>)
      %dma_wait3A_165 = tpu.memref_slice %arg6[%mul3A_160] : memref<1696xi32, #tpu.memory_space<vmem>> -> memref<80xi32, #tpu.memory_space<vmem>>
      %dma_wait3A_166 = arith.constant 0 : i32
      %dma_wait3A_167 = arith.constant 0 : i32
      %dma_wait3A_168 = tpu.memref_slice %arg2[%dma_wait3A_166, %dma_wait3A_167] : memref<250000x128xf32, #tpu.memory_space<hbm>> -> memref<250000x128xf32, #tpu.memory_space<hbm>>
      tpu.wait_indirect_dma semaphore(%arg10 : memref<!tpu.dma_semaphore, #tpu.memory_space<semaphore_mem>>) src(%dma_wait3A_168 : memref<250000x128xf32, #tpu.memory_space<hbm>>) dst(%arg8 : memref<80x128xf32, #tpu.memory_space<vmem>>)
      %scan3A_169 = arith.constant 0 : i32
      %scan3A_170 = arith.constant 0 : i32
      %scan3A_171 = arith.constant 5 : i32
      %scan3A_172 = arith.addi %scan3A_170, %scan3A_171 : i32
      %scan3A_173 = arith.constant 1 : i32
      scf.for %scan3A_175 = %scan3A_170 to %scan3A_172 step %scan3A_173  : i32 {
        %mul3A_176 = arith.constant 80 : i32
        %mul3A_177 = arith.muli %while3A_158, %mul3A_176 : i32
        %mul3A_178 = arith.constant 16 : i32
        %mul3A_179 = arith.muli %scan3A_175, %mul3A_178 : i32
        %add3A_180 = arith.addi %mul3A_177, %mul3A_179 : i32
        %get3A_181 = arith.index_cast %add3A_180 : i32 to index
        %get3A_182 = tpu.vector_load %arg7[%get3A_181] {strides = array<i32>} : memref<1696xi32, #tpu.memory_space<vmem>>, vector<16xi32>,
        %get3A_183 = vector.shape_cast %get3A_182 : vector<16xi32> to vector<16xi32>
        %slice3A = vector.extract_strided_slice %get3A_183 {offsets = [0], sizes = [1], strides = [1]} : vector<16xi32> to vector<1xi32>
        %squeeze3A = vector.extract %slice3A[0] : i32 from vector<1xi32>
        %shift_right_arithmetic3A = arith.constant 16 : i32
        %shift_right_arithmetic3A_184 = arith.shrsi %squeeze3A, %shift_right_arithmetic3A : i32
        %mul3A_185 = arith.constant 32 : i32
        %mul3A_186 = arith.muli %shift_right_arithmetic3A_184, %mul3A_185 : i32
        %and3A_187 = arith.constant 65535 : i32
        %and3A_188 = arith.andi %squeeze3A, %and3A_187 : i32
        %shift_right_arithmetic3A_189 = arith.constant 2 : i32
        %shift_right_arithmetic3A_190 = arith.shrsi %and3A_188, %shift_right_arithmetic3A_189 : i32
        %and3A_191 = arith.constant 3 : i32
        %and3A_192 = arith.andi %and3A_188, %and3A_191 : i32
        %mul3A_193 = arith.constant 32 : i32
        %mul3A_194 = arith.muli %and3A_192, %mul3A_193 : i32
        %mul3A_195 = arith.constant 16 : i32
        %mul3A_196 = arith.muli %scan3A_175, %mul3A_195 : i32
        %add3A_197 = arith.constant 0 : i32
        %add3A_198 = arith.addi %mul3A_196, %add3A_197 : i32
        %get3A_199 = arith.index_cast %add3A_198 : i32 to index
        %get3A_200 = arith.index_cast %mul3A_186 : i32 to index
        %get3A_201 = tpu.vector_load %arg8[%get3A_199, %get3A_200] {strides = array<i32>} : memref<80x128xf32, #tpu.memory_space<vmem>>, vector<1x16xf32>,
        %get3A_202 = vector.shape_cast %get3A_201 : vector<1x16xf32> to vector<16xf32>
        %swap3A_203 = arith.index_cast %shift_right_arithmetic3A_190 : i32 to index
        %swap3A_204 = arith.index_cast %mul3A_194 : i32 to index
        %swap3A_205 = tpu.vector_load %arg9[%swap3A_203, %swap3A_204] {strides = array<i32>} : memref<400x128xf32, #tpu.memory_space<vmem>>, vector<1x16xf32>,
        %swap3A_206 = vector.shape_cast %swap3A_205 : vector<1x16xf32> to vector<16xf32>
        %swap3A_207 = vector.shape_cast %get3A_202 : vector<16xf32> to vector<1x16xf32>
        tpu.vector_store %arg9[%swap3A_203, %swap3A_204], %swap3A_207 {strides = array<i32>} : memref<400x128xf32, #tpu.memory_space<vmem>>, vector<1x16xf32>,
        %mul3A_208 = arith.constant 16 : i32
        %mul3A_209 = arith.muli %scan3A_175, %mul3A_208 : i32
        %add3A_210 = arith.constant 0 : i32
        %add3A_211 = arith.addi %mul3A_209, %add3A_210 : i32
        %add3A_212 = arith.constant 16 : i32
        %add3A_213 = arith.addi %mul3A_186, %add3A_212 : i32
        %get3A_214 = arith.index_cast %add3A_211 : i32 to index
        %get3A_215 = arith.index_cast %add3A_213 : i32 to index
        %get3A_216 = tpu.vector_load %arg8[%get3A_214, %get3A_215] {strides = array<i32>} : memref<80x128xf32, #tpu.memory_space<vmem>>, vector<1x16xf32>,
        %get3A_217 = vector.shape_cast %get3A_216 : vector<1x16xf32> to vector<16xf32>
        %add3A_218 = arith.constant 16 : i32
        %add3A_219 = arith.addi %mul3A_194, %add3A_218 : i32
        %swap3A_220 = arith.index_cast %shift_right_arithmetic3A_190 : i32 to index
        %swap3A_221 = arith.index_cast %add3A_219 : i32 to index
        %swap3A_222 = tpu.vector_load %arg9[%swap3A_220, %swap3A_221] {strides = array<i32>} : memref<400x128xf32, #tpu.memory_space<vmem>>, vector<1x16xf32>,
        %swap3A_223 = vector.shape_cast %swap3A_222 : vector<1x16xf32> to vector<16xf32>
        %swap3A_224 = vector.shape_cast %get3A_217 : vector<16xf32> to vector<1x16xf32>
        tpu.vector_store %arg9[%swap3A_220, %swap3A_221], %swap3A_224 {strides = array<i32>} : memref<400x128xf32, #tpu.memory_space<vmem>>, vector<1x16xf32>,
        %slice3A_225 = vector.extract_strided_slice %get3A_183 {offsets = [1], sizes = [1], strides = [1]} : vector<16xi32> to vector<1xi32>
        %squeeze3A_226 = vector.extract %slice3A_225[0] : i32 from vector<1xi32>
        %shift_right_arithmetic3A_227 = arith.constant 16 : i32
        %shift_right_arithmetic3A_228 = arith.shrsi %squeeze3A_226, %shift_right_arithmetic3A_227 : i32
        %mul3A_229 = arith.constant 32 : i32
        %mul3A_230 = arith.muli %shift_right_arithmetic3A_228, %mul3A_229 : i32
        %and3A_231 = arith.constant 65535 : i32
        %and3A_232 = arith.andi %squeeze3A_226, %and3A_231 : i32
        %shift_right_arithmetic3A_233 = arith.constant 2 : i32
        %shift_right_arithmetic3A_234 = arith.shrsi %and3A_232, %shift_right_arithmetic3A_233 : i32
        %and3A_235 = arith.constant 3 : i32
        %and3A_236 = arith.andi %and3A_232, %and3A_235 : i32
        %mul3A_237 = arith.constant 32 : i32
        %mul3A_238 = arith.muli %and3A_236, %mul3A_237 : i32
        %mul3A_239 = arith.constant 16 : i32
        %mul3A_240 = arith.muli %scan3A_175, %mul3A_239 : i32
        %add3A_241 = arith.constant 1 : i32
        %add3A_242 = arith.addi %mul3A_240, %add3A_241 : i32
        %get3A_243 = arith.index_cast %add3A_242 : i32 to index
        %get3A_244 = arith.index_cast %mul3A_230 : i32 to index
        %get3A_245 = tpu.vector_load %arg8[%get3A_243, %get3A_244] {strides = array<i32>} : memref<80x128xf32, #tpu.memory_space<vmem>>, vector<1x16xf32>,
        %get3A_246 = vector.shape_cast %get3A_245 : vector<1x16xf32> to vector<16xf32>
        %swap3A_247 = arith.index_cast %shift_right_arithmetic3A_234 : i32 to index
        %swap3A_248 = arith.index_cast %mul3A_238 : i32 to index
        %swap3A_249 = tpu.vector_load %arg9[%swap3A_247, %swap3A_248] {strides = array<i32>} : memref<400x128xf32, #tpu.memory_space<vmem>>, vector<1x16xf32>,
        %swap3A_250 = vector.shape_cast %swap3A_249 : vector<1x16xf32> to vector<16xf32>
        %swap3A_251 = vector.shape_cast %get3A_246 : vector<16xf32> to vector<1x16xf32>
        tpu.vector_store %arg9[%swap3A_247, %swap3A_248], %swap3A_251 {strides = array<i32>} : memref<400x128xf32, #tpu.memory_space<vmem>>, vector<1x16xf32>,
        %mul3A_252 = arith.constant 16 : i32
        %mul3A_253 = arith.muli %scan3A_175, %mul3A_252 : i32
        %add3A_254 = arith.constant 1 : i32
        %add3A_255 = arith.addi %mul3A_253, %add3A_254 : i32
        %add3A_256 = arith.constant 16 : i32
        %add3A_257 = arith.addi %mul3A_230, %add3A_256 : i32
        %get3A_258 = arith.index_cast %add3A_255 : i32 to index
        %get3A_259 = arith.index_cast %add3A_257 : i32 to index
        %get3A_260 = tpu.vector_load %arg8[%get3A_258, %get3A_259] {strides = array<i32>} : memref<80x128xf32, #tpu.memory_space<vmem>>, vector<1x16xf32>,
        %get3A_261 = vector.shape_cast %get3A_260 : vector<1x16xf32> to vector<16xf32>
        %add3A_262 = arith.constant 16 : i32
        %add3A_263 = arith.addi %mul3A_238, %add3A_262 : i32
        %swap3A_264 = arith.index_cast %shift_right_arithmetic3A_234 : i32 to index
        %swap3A_265 = arith.index_cast %add3A_263 : i32 to index
        %swap3A_266 = tpu.vector_load %arg9[%swap3A_264, %swap3A_265] {strides = array<i32>} : memref<400x128xf32, #tpu.memory_space<vmem>>, vector<1x16xf32>,
        %swap3A_267 = vector.shape_cast %swap3A_266 : vector<1x16xf32> to vector<16xf32>
        %swap3A_268 = vector.shape_cast %get3A_261 : vector<16xf32> to vector<1x16xf32>
        tpu.vector_store %arg9[%swap3A_264, %swap3A_265], %swap3A_268 {strides = array<i32>} : memref<400x128xf32, #tpu.memory_space<vmem>>, vector<1x16xf32>,
        %slice3A_269 = vector.extract_strided_slice %get3A_183 {offsets = [2], sizes = [1], strides = [1]} : vector<16xi32> to vector<1xi32>
        %squeeze3A_270 = vector.extract %slice3A_269[0] : i32 from vector<1xi32>
        %shift_right_arithmetic3A_271 = arith.constant 16 : i32
        %shift_right_arithmetic3A_272 = arith.shrsi %squeeze3A_270, %shift_right_arithmetic3A_271 : i32
        %mul3A_273 = arith.constant 32 : i32
        %mul3A_274 = arith.muli %shift_right_arithmetic3A_272, %mul3A_273 : i32
        %and3A_275 = arith.constant 65535 : i32
        %and3A_276 = arith.andi %squeeze3A_270, %and3A_275 : i32
        %shift_right_arithmetic3A_277 = arith.constant 2 : i32
        %shift_right_arithmetic3A_278 = arith.shrsi %and3A_276, %shift_right_arithmetic3A_277 : i32
        %and3A_279 = arith.constant 3 : i32
        %and3A_280 = arith.andi %and3A_276, %and3A_279 : i32
        %mul3A_281 = arith.constant 32 : i32
        %mul3A_282 = arith.muli %and3A_280, %mul3A_281 : i32
        %mul3A_283 = arith.constant 16 : i32
        %mul3A_284 = arith.muli %scan3A_175, %mul3A_283 : i32
        %add3A_285 = arith.constant 2 : i32
        %add3A_286 = arith.addi %mul3A_284, %add3A_285 : i32
        %get3A_287 = arith.index_cast %add3A_286 : i32 to index
        %get3A_288 = arith.index_cast %mul3A_274 : i32 to index
        %get3A_289 = tpu.vector_load %arg8[%get3A_287, %get3A_288] {strides = array<i32>} : memref<80x128xf32, #tpu.memory_space<vmem>>, vector<1x16xf32>,
        %get3A_290 = vector.shape_cast %get3A_289 : vector<1x16xf32> to vector<16xf32>
        %swap3A_291 = arith.index_cast %shift_right_arithmetic3A_278 : i32 to index
        %swap3A_292 = arith.index_cast %mul3A_282 : i32 to index
        %swap3A_293 = tpu.vector_load %arg9[%swap3A_291, %swap3A_292] {strides = array<i32>} : memref<400x128xf32, #tpu.memory_space<vmem>>, vector<1x16xf32>,
        %swap3A_294 = vector.shape_cast %swap3A_293 : vector<1x16xf32> to vector<16xf32>
        %swap3A_295 = vector.shape_cast %get3A_290 : vector<16xf32> to vector<1x16xf32>
        tpu.vector_store %arg9[%swap3A_291, %swap3A_292], %swap3A_295 {strides = array<i32>} : memref<400x128xf32, #tpu.memory_space<vmem>>, vector<1x16xf32>,
        %mul3A_296 = arith.constant 16 : i32
        %mul3A_297 = arith.muli %scan3A_175, %mul3A_296 : i32
        %add3A_298 = arith.constant 2 : i32
        %add3A_299 = arith.addi %mul3A_297, %add3A_298 : i32
        %add3A_300 = arith.constant 16 : i32
        %add3A_301 = arith.addi %mul3A_274, %add3A_300 : i32
        %get3A_302 = arith.index_cast %add3A_299 : i32 to index
        %get3A_303 = arith.index_cast %add3A_301 : i32 to index
        %get3A_304 = tpu.vector_load %arg8[%get3A_302, %get3A_303] {strides = array<i32>} : memref<80x128xf32, #tpu.memory_space<vmem>>, vector<1x16xf32>,
        %get3A_305 = vector.shape_cast %get3A_304 : vector<1x16xf32> to vector<16xf32>
        %add3A_306 = arith.constant 16 : i32
        %add3A_307 = arith.addi %mul3A_282, %add3A_306 : i32
        %swap3A_308 = arith.index_cast %shift_right_arithmetic3A_278 : i32 to index
        %swap3A_309 = arith.index_cast %add3A_307 : i32 to index
        %swap3A_310 = tpu.vector_load %arg9[%swap3A_308, %swap3A_309] {strides = array<i32>} : memref<400x128xf32, #tpu.memory_space<vmem>>, vector<1x16xf32>,
        %swap3A_311 = vector.shape_cast %swap3A_310 : vector<1x16xf32> to vector<16xf32>
        %swap3A_312 = vector.shape_cast %get3A_305 : vector<16xf32> to vector<1x16xf32>
        tpu.vector_store %arg9[%swap3A_308, %swap3A_309], %swap3A_312 {strides = array<i32>} : memref<400x128xf32, #tpu.memory_space<vmem>>, vector<1x16xf32>,
        %slice3A_313 = vector.extract_strided_slice %get3A_183 {offsets = [3], sizes = [1], strides = [1]} : vector<16xi32> to vector<1xi32>
        %squeeze3A_314 = vector.extract %slice3A_313[0] : i32 from vector<1xi32>
        %shift_right_arithmetic3A_315 = arith.constant 16 : i32
        %shift_right_arithmetic3A_316 = arith.shrsi %squeeze3A_314, %shift_right_arithmetic3A_315 : i32
        %mul3A_317 = arith.constant 32 : i32
        %mul3A_318 = arith.muli %shift_right_arithmetic3A_316, %mul3A_317 : i32
        %and3A_319 = arith.constant 65535 : i32
        %and3A_320 = arith.andi %squeeze3A_314, %and3A_319 : i32
        %shift_right_arithmetic3A_321 = arith.constant 2 : i32
        %shift_right_arithmetic3A_322 = arith.shrsi %and3A_320, %shift_right_arithmetic3A_321 : i32
        %and3A_323 = arith.constant 3 : i32
        %and3A_324 = arith.andi %and3A_320, %and3A_323 : i32
        %mul3A_325 = arith.constant 32 : i32
        %mul3A_326 = arith.muli %and3A_324, %mul3A_325 : i32
        %mul3A_327 = arith.constant 16 : i32
        %mul3A_328 = arith.muli %scan3A_175, %mul3A_327 : i32
        %add3A_329 = arith.constant 3 : i32
        %add3A_330 = arith.addi %mul3A_328, %add3A_329 : i32
        %get3A_331 = arith.index_cast %add3A_330 : i32 to index
        %get3A_332 = arith.index_cast %mul3A_318 : i32 to index
        %get3A_333 = tpu.vector_load %arg8[%get3A_331, %get3A_332] {strides = array<i32>} : memref<80x128xf32, #tpu.memory_space<vmem>>, vector<1x16xf32>,
        %get3A_334 = vector.shape_cast %get3A_333 : vector<1x16xf32> to vector<16xf32>
        %swap3A_335 = arith.index_cast %shift_right_arithmetic3A_322 : i32 to index
        %swap3A_336 = arith.index_cast %mul3A_326 : i32 to index
        %swap3A_337 = tpu.vector_load %arg9[%swap3A_335, %swap3A_336] {strides = array<i32>} : memref<400x128xf32, #tpu.memory_space<vmem>>, vector<1x16xf32>,
        %swap3A_338 = vector.shape_cast %swap3A_337 : vector<1x16xf32> to vector<16xf32>
        %swap3A_339 = vector.shape_cast %get3A_334 : vector<16xf32> to vector<1x16xf32>
        tpu.vector_store %arg9[%swap3A_335, %swap3A_336], %swap3A_339 {strides = array<i32>} : memref<400x128xf32, #tpu.memory_space<vmem>>, vector<1x16xf32>,
        %mul3A_340 = arith.constant 16 : i32
        %mul3A_341 = arith.muli %scan3A_175, %mul3A_340 : i32
        %add3A_342 = arith.constant 3 : i32
        %add3A_343 = arith.addi %mul3A_341, %add3A_342 : i32
        %add3A_344 = arith.constant 16 : i32
        %add3A_345 = arith.addi %mul3A_318, %add3A_344 : i32
        %get3A_346 = arith.index_cast %add3A_343 : i32 to index
        %get3A_347 = arith.index_cast %add3A_345 : i32 to index
        %get3A_348 = tpu.vector_load %arg8[%get3A_346, %get3A_347] {strides = array<i32>} : memref<80x128xf32, #tpu.memory_space<vmem>>, vector<1x16xf32>,
        %get3A_349 = vector.shape_cast %get3A_348 : vector<1x16xf32> to vector<16xf32>
        %add3A_350 = arith.constant 16 : i32
        %add3A_351 = arith.addi %mul3A_326, %add3A_350 : i32
        %swap3A_352 = arith.index_cast %shift_right_arithmetic3A_322 : i32 to index
        %swap3A_353 = arith.index_cast %add3A_351 : i32 to index
        %swap3A_354 = tpu.vector_load %arg9[%swap3A_352, %swap3A_353] {strides = array<i32>} : memref<400x128xf32, #tpu.memory_space<vmem>>, vector<1x16xf32>,
        %swap3A_355 = vector.shape_cast %swap3A_354 : vector<1x16xf32> to vector<16xf32>
        %swap3A_356 = vector.shape_cast %get3A_349 : vector<16xf32> to vector<1x16xf32>
        tpu.vector_store %arg9[%swap3A_352, %swap3A_353], %swap3A_356 {strides = array<i32>} : memref<400x128xf32, #tpu.memory_space<vmem>>, vector<1x16xf32>,
        %slice3A_357 = vector.extract_strided_slice %get3A_183 {offsets = [4], sizes = [1], strides = [1]} : vector<16xi32> to vector<1xi32>
        %squeeze3A_358 = vector.extract %slice3A_357[0] : i32 from vector<1xi32>
        %shift_right_arithmetic3A_359 = arith.constant 16 : i32
        %shift_right_arithmetic3A_360 = arith.shrsi %squeeze3A_358, %shift_right_arithmetic3A_359 : i32
        %mul3A_361 = arith.constant 32 : i32
        %mul3A_362 = arith.muli %shift_right_arithmetic3A_360, %mul3A_361 : i32
        %and3A_363 = arith.constant 65535 : i32
        %and3A_364 = arith.andi %squeeze3A_358, %and3A_363 : i32
        %shift_right_arithmetic3A_365 = arith.constant 2 : i32
        %shift_right_arithmetic3A_366 = arith.shrsi %and3A_364, %shift_right_arithmetic3A_365 : i32
        %and3A_367 = arith.constant 3 : i32
        %and3A_368 = arith.andi %and3A_364, %and3A_367 : i32
        %mul3A_369 = arith.constant 32 : i32
        %mul3A_370 = arith.muli %and3A_368, %mul3A_369 : i32
        %mul3A_371 = arith.constant 16 : i32
        %mul3A_372 = arith.muli %scan3A_175, %mul3A_371 : i32
        %add3A_373 = arith.constant 4 : i32
        %add3A_374 = arith.addi %mul3A_372, %add3A_373 : i32
        %get3A_375 = arith.index_cast %add3A_374 : i32 to index
        %get3A_376 = arith.index_cast %mul3A_362 : i32 to index
        %get3A_377 = tpu.vector_load %arg8[%get3A_375, %get3A_376] {strides = array<i32>} : memref<80x128xf32, #tpu.memory_space<vmem>>, vector<1x16xf32>,
        %get3A_378 = vector.shape_cast %get3A_377 : vector<1x16xf32> to vector<16xf32>
        %swap3A_379 = arith.index_cast %shift_right_arithmetic3A_366 : i32 to index
        %swap3A_380 = arith.index_cast %mul3A_370 : i32 to index
        %swap3A_381 = tpu.vector_load %arg9[%swap3A_379, %swap3A_380] {strides = array<i32>} : memref<400x128xf32, #tpu.memory_space<vmem>>, vector<1x16xf32>,
        %swap3A_382 = vector.shape_cast %swap3A_381 : vector<1x16xf32> to vector<16xf32>
        %swap3A_383 = vector.shape_cast %get3A_378 : vector<16xf32> to vector<1x16xf32>
        tpu.vector_store %arg9[%swap3A_379, %swap3A_380], %swap3A_383 {strides = array<i32>} : memref<400x128xf32, #tpu.memory_space<vmem>>, vector<1x16xf32>,
        %mul3A_384 = arith.constant 16 : i32
        %mul3A_385 = arith.muli %scan3A_175, %mul3A_384 : i32
        %add3A_386 = arith.constant 4 : i32
        %add3A_387 = arith.addi %mul3A_385, %add3A_386 : i32
        %add3A_388 = arith.constant 16 : i32
        %add3A_389 = arith.addi %mul3A_362, %add3A_388 : i32
        %get3A_390 = arith.index_cast %add3A_387 : i32 to index
        %get3A_391 = arith.index_cast %add3A_389 : i32 to index
        %get3A_392 = tpu.vector_load %arg8[%get3A_390, %get3A_391] {strides = array<i32>} : memref<80x128xf32, #tpu.memory_space<vmem>>, vector<1x16xf32>,
        %get3A_393 = vector.shape_cast %get3A_392 : vector<1x16xf32> to vector<16xf32>
        %add3A_394 = arith.constant 16 : i32
        %add3A_395 = arith.addi %mul3A_370, %add3A_394 : i32
        %swap3A_396 = arith.index_cast %shift_right_arithmetic3A_366 : i32 to index
        %swap3A_397 = arith.index_cast %add3A_395 : i32 to index
        %swap3A_398 = tpu.vector_load %arg9[%swap3A_396, %swap3A_397] {strides = array<i32>} : memref<400x128xf32, #tpu.memory_space<vmem>>, vector<1x16xf32>,
        %swap3A_399 = vector.shape_cast %swap3A_398 : vector<1x16xf32> to vector<16xf32>
        %swap3A_400 = vector.shape_cast %get3A_393 : vector<16xf32> to vector<1x16xf32>
        tpu.vector_store %arg9[%swap3A_396, %swap3A_397], %swap3A_400 {strides = array<i32>} : memref<400x128xf32, #tpu.memory_space<vmem>>, vector<1x16xf32>,
        %slice3A_401 = vector.extract_strided_slice %get3A_183 {offsets = [5], sizes = [1], strides = [1]} : vector<16xi32> to vector<1xi32>
        %squeeze3A_402 = vector.extract %slice3A_401[0] : i32 from vector<1xi32>
        %shift_right_arithmetic3A_403 = arith.constant 16 : i32
        %shift_right_arithmetic3A_404 = arith.shrsi %squeeze3A_402, %shift_right_arithmetic3A_403 : i32
        %mul3A_405 = arith.constant 32 : i32
        %mul3A_406 = arith.muli %shift_right_arithmetic3A_404, %mul3A_405 : i32
        %and3A_407 = arith.constant 65535 : i32
        %and3A_408 = arith.andi %squeeze3A_402, %and3A_407 : i32
        %shift_right_arithmetic3A_409 = arith.constant 2 : i32
        %shift_right_arithmetic3A_410 = arith.shrsi %and3A_408, %shift_right_arithmetic3A_409 : i32
        %and3A_411 = arith.constant 3 : i32
        %and3A_412 = arith.andi %and3A_408, %and3A_411 : i32
        %mul3A_413 = arith.constant 32 : i32
        %mul3A_414 = arith.muli %and3A_412, %mul3A_413 : i32
        %mul3A_415 = arith.constant 16 : i32
        %mul3A_416 = arith.muli %scan3A_175, %mul3A_415 : i32
        %add3A_417 = arith.constant 5 : i32
        %add3A_418 = arith.addi %mul3A_416, %add3A_417 : i32
        %get3A_419 = arith.index_cast %add3A_418 : i32 to index
        %get3A_420 = arith.index_cast %mul3A_406 : i32 to index
        %get3A_421 = tpu.vector_load %arg8[%get3A_419, %get3A_420] {strides = array<i32>} : memref<80x128xf32, #tpu.memory_space<vmem>>, vector<1x16xf32>,
        %get3A_422 = vector.shape_cast %get3A_421 : vector<1x16xf32> to vector<16xf32>
        %swap3A_423 = arith.index_cast %shift_right_arithmetic3A_410 : i32 to index
        %swap3A_424 = arith.index_cast %mul3A_414 : i32 to index
        %swap3A_425 = tpu.vector_load %arg9[%swap3A_423, %swap3A_424] {strides = array<i32>} : memref<400x128xf32, #tpu.memory_space<vmem>>, vector<1x16xf32>,
        %swap3A_426 = vector.shape_cast %swap3A_425 : vector<1x16xf32> to vector<16xf32>
        %swap3A_427 = vector.shape_cast %get3A_422 : vector<16xf32> to vector<1x16xf32>
        tpu.vector_store %arg9[%swap3A_423, %swap3A_424], %swap3A_427 {strides = array<i32>} : memref<400x128xf32, #tpu.memory_space<vmem>>, vector<1x16xf32>,
        %mul3A_428 = arith.constant 16 : i32
        %mul3A_429 = arith.muli %scan3A_175, %mul3A_428 : i32
        %add3A_430 = arith.constant 5 : i32
        %add3A_431 = arith.addi %mul3A_429, %add3A_430 : i32
        %add3A_432 = arith.constant 16 : i32
        %add3A_433 = arith.addi %mul3A_406, %add3A_432 : i32
        %get3A_434 = arith.index_cast %add3A_431 : i32 to index
        %get3A_435 = arith.index_cast %add3A_433 : i32 to index
        %get3A_436 = tpu.vector_load %arg8[%get3A_434, %get3A_435] {strides = array<i32>} : memref<80x128xf32, #tpu.memory_space<vmem>>, vector<1x16xf32>,
        %get3A_437 = vector.shape_cast %get3A_436 : vector<1x16xf32> to vector<16xf32>
        %add3A_438 = arith.constant 16 : i32
        %add3A_439 = arith.addi %mul3A_414, %add3A_438 : i32
        %swap3A_440 = arith.index_cast %shift_right_arithmetic3A_410 : i32 to index
        %swap3A_441 = arith.index_cast %add3A_439 : i32 to index
        %swap3A_442 = tpu.vector_load %arg9[%swap3A_440, %swap3A_441] {strides = array<i32>} : memref<400x128xf32, #tpu.memory_space<vmem>>, vector<1x16xf32>,
        %swap3A_443 = vector.shape_cast %swap3A_442 : vector<1x16xf32> to vector<16xf32>
        %swap3A_444 = vector.shape_cast %get3A_437 : vector<16xf32> to vector<1x16xf32>
        tpu.vector_store %arg9[%swap3A_440, %swap3A_441], %swap3A_444 {strides = array<i32>} : memref<400x128xf32, #tpu.memory_space<vmem>>, vector<1x16xf32>,
        %slice3A_445 = vector.extract_strided_slice %get3A_183 {offsets = [6], sizes = [1], strides = [1]} : vector<16xi32> to vector<1xi32>
        %squeeze3A_446 = vector.extract %slice3A_445[0] : i32 from vector<1xi32>
        %shift_right_arithmetic3A_447 = arith.constant 16 : i32
        %shift_right_arithmetic3A_448 = arith.shrsi %squeeze3A_446, %shift_right_arithmetic3A_447 : i32
        %mul3A_449 = arith.constant 32 : i32
        %mul3A_450 = arith.muli %shift_right_arithmetic3A_448, %mul3A_449 : i32
        %and3A_451 = arith.constant 65535 : i32
        %and3A_452 = arith.andi %squeeze3A_446, %and3A_451 : i32
        %shift_right_arithmetic3A_453 = arith.constant 2 : i32
        %shift_right_arithmetic3A_454 = arith.shrsi %and3A_452, %shift_right_arithmetic3A_453 : i32
        %and3A_455 = arith.constant 3 : i32
        %and3A_456 = arith.andi %and3A_452, %and3A_455 : i32
        %mul3A_457 = arith.constant 32 : i32
        %mul3A_458 = arith.muli %and3A_456, %mul3A_457 : i32
        %mul3A_459 = arith.constant 16 : i32
        %mul3A_460 = arith.muli %scan3A_175, %mul3A_459 : i32
        %add3A_461 = arith.constant 6 : i32
        %add3A_462 = arith.addi %mul3A_460, %add3A_461 : i32
        %get3A_463 = arith.index_cast %add3A_462 : i32 to index
        %get3A_464 = arith.index_cast %mul3A_450 : i32 to index
        %get3A_465 = tpu.vector_load %arg8[%get3A_463, %get3A_464] {strides = array<i32>} : memref<80x128xf32, #tpu.memory_space<vmem>>, vector<1x16xf32>,
        %get3A_466 = vector.shape_cast %get3A_465 : vector<1x16xf32> to vector<16xf32>
        %swap3A_467 = arith.index_cast %shift_right_arithmetic3A_454 : i32 to index
        %swap3A_468 = arith.index_cast %mul3A_458 : i32 to index
        %swap3A_469 = tpu.vector_load %arg9[%swap3A_467, %swap3A_468] {strides = array<i32>} : memref<400x128xf32, #tpu.memory_space<vmem>>, vector<1x16xf32>,
        %swap3A_470 = vector.shape_cast %swap3A_469 : vector<1x16xf32> to vector<16xf32>
        %swap3A_471 = vector.shape_cast %get3A_466 : vector<16xf32> to vector<1x16xf32>
        tpu.vector_store %arg9[%swap3A_467, %swap3A_468], %swap3A_471 {strides = array<i32>} : memref<400x128xf32, #tpu.memory_space<vmem>>, vector<1x16xf32>,
        %mul3A_472 = arith.constant 16 : i32
        %mul3A_473 = arith.muli %scan3A_175, %mul3A_472 : i32
        %add3A_474 = arith.constant 6 : i32
        %add3A_475 = arith.addi %mul3A_473, %add3A_474 : i32
        %add3A_476 = arith.constant 16 : i32
        %add3A_477 = arith.addi %mul3A_450, %add3A_476 : i32
        %get3A_478 = arith.index_cast %add3A_475 : i32 to index
        %get3A_479 = arith.index_cast %add3A_477 : i32 to index
        %get3A_480 = tpu.vector_load %arg8[%get3A_478, %get3A_479] {strides = array<i32>} : memref<80x128xf32, #tpu.memory_space<vmem>>, vector<1x16xf32>,
        %get3A_481 = vector.shape_cast %get3A_480 : vector<1x16xf32> to vector<16xf32>
        %add3A_482 = arith.constant 16 : i32
        %add3A_483 = arith.addi %mul3A_458, %add3A_482 : i32
        %swap3A_484 = arith.index_cast %shift_right_arithmetic3A_454 : i32 to index
        %swap3A_485 = arith.index_cast %add3A_483 : i32 to index
        %swap3A_486 = tpu.vector_load %arg9[%swap3A_484, %swap3A_485] {strides = array<i32>} : memref<400x128xf32, #tpu.memory_space<vmem>>, vector<1x16xf32>,
        %swap3A_487 = vector.shape_cast %swap3A_486 : vector<1x16xf32> to vector<16xf32>
        %swap3A_488 = vector.shape_cast %get3A_481 : vector<16xf32> to vector<1x16xf32>
        tpu.vector_store %arg9[%swap3A_484, %swap3A_485], %swap3A_488 {strides = array<i32>} : memref<400x128xf32, #tpu.memory_space<vmem>>, vector<1x16xf32>,
        %slice3A_489 = vector.extract_strided_slice %get3A_183 {offsets = [7], sizes = [1], strides = [1]} : vector<16xi32> to vector<1xi32>
        %squeeze3A_490 = vector.extract %slice3A_489[0] : i32 from vector<1xi32>
        %shift_right_arithmetic3A_491 = arith.constant 16 : i32
        %shift_right_arithmetic3A_492 = arith.shrsi %squeeze3A_490, %shift_right_arithmetic3A_491 : i32
        %mul3A_493 = arith.constant 32 : i32
        %mul3A_494 = arith.muli %shift_right_arithmetic3A_492, %mul3A_493 : i32
        %and3A_495 = arith.constant 65535 : i32
        %and3A_496 = arith.andi %squeeze3A_490, %and3A_495 : i32
        %shift_right_arithmetic3A_497 = arith.constant 2 : i32
        %shift_right_arithmetic3A_498 = arith.shrsi %and3A_496, %shift_right_arithmetic3A_497 : i32
        %and3A_499 = arith.constant 3 : i32
        %and3A_500 = arith.andi %and3A_496, %and3A_499 : i32
        %mul3A_501 = arith.constant 32 : i32
        %mul3A_502 = arith.muli %and3A_500, %mul3A_501 : i32
        %mul3A_503 = arith.constant 16 : i32
        %mul3A_504 = arith.muli %scan3A_175, %mul3A_503 : i32
        %add3A_505 = arith.constant 7 : i32
        %add3A_506 = arith.addi %mul3A_504, %add3A_505 : i32
        %get3A_507 = arith.index_cast %add3A_506 : i32 to index
        %get3A_508 = arith.index_cast %mul3A_494 : i32 to index
        %get3A_509 = tpu.vector_load %arg8[%get3A_507, %get3A_508] {strides = array<i32>} : memref<80x128xf32, #tpu.memory_space<vmem>>, vector<1x16xf32>,
        %get3A_510 = vector.shape_cast %get3A_509 : vector<1x16xf32> to vector<16xf32>
        %swap3A_511 = arith.index_cast %shift_right_arithmetic3A_498 : i32 to index
        %swap3A_512 = arith.index_cast %mul3A_502 : i32 to index
        %swap3A_513 = tpu.vector_load %arg9[%swap3A_511, %swap3A_512] {strides = array<i32>} : memref<400x128xf32, #tpu.memory_space<vmem>>, vector<1x16xf32>,
        %swap3A_514 = vector.shape_cast %swap3A_513 : vector<1x16xf32> to vector<16xf32>
        %swap3A_515 = vector.shape_cast %get3A_510 : vector<16xf32> to vector<1x16xf32>
        tpu.vector_store %arg9[%swap3A_511, %swap3A_512], %swap3A_515 {strides = array<i32>} : memref<400x128xf32, #tpu.memory_space<vmem>>, vector<1x16xf32>,
        %mul3A_516 = arith.constant 16 : i32
        %mul3A_517 = arith.muli %scan3A_175, %mul3A_516 : i32
        %add3A_518 = arith.constant 7 : i32
        %add3A_519 = arith.addi %mul3A_517, %add3A_518 : i32
        %add3A_520 = arith.constant 16 : i32
        %add3A_521 = arith.addi %mul3A_494, %add3A_520 : i32
        %get3A_522 = arith.index_cast %add3A_519 : i32 to index
        %get3A_523 = arith.index_cast %add3A_521 : i32 to index
        %get3A_524 = tpu.vector_load %arg8[%get3A_522, %get3A_523] {strides = array<i32>} : memref<80x128xf32, #tpu.memory_space<vmem>>, vector<1x16xf32>,
        %get3A_525 = vector.shape_cast %get3A_524 : vector<1x16xf32> to vector<16xf32>
        %add3A_526 = arith.constant 16 : i32
        %add3A_527 = arith.addi %mul3A_502, %add3A_526 : i32
        %swap3A_528 = arith.index_cast %shift_right_arithmetic3A_498 : i32 to index
        %swap3A_529 = arith.index_cast %add3A_527 : i32 to index
        %swap3A_530 = tpu.vector_load %arg9[%swap3A_528, %swap3A_529] {strides = array<i32>} : memref<400x128xf32, #tpu.memory_space<vmem>>, vector<1x16xf32>,
        %swap3A_531 = vector.shape_cast %swap3A_530 : vector<1x16xf32> to vector<16xf32>
        %swap3A_532 = vector.shape_cast %get3A_525 : vector<16xf32> to vector<1x16xf32>
        tpu.vector_store %arg9[%swap3A_528, %swap3A_529], %swap3A_532 {strides = array<i32>} : memref<400x128xf32, #tpu.memory_space<vmem>>, vector<1x16xf32>,
        %slice3A_533 = vector.extract_strided_slice %get3A_183 {offsets = [8], sizes = [1], strides = [1]} : vector<16xi32> to vector<1xi32>
        %squeeze3A_534 = vector.extract %slice3A_533[0] : i32 from vector<1xi32>
        %shift_right_arithmetic3A_535 = arith.constant 16 : i32
        %shift_right_arithmetic3A_536 = arith.shrsi %squeeze3A_534, %shift_right_arithmetic3A_535 : i32
        %mul3A_537 = arith.constant 32 : i32
        %mul3A_538 = arith.muli %shift_right_arithmetic3A_536, %mul3A_537 : i32
        %and3A_539 = arith.constant 65535 : i32
        %and3A_540 = arith.andi %squeeze3A_534, %and3A_539 : i32
        %shift_right_arithmetic3A_541 = arith.constant 2 : i32
        %shift_right_arithmetic3A_542 = arith.shrsi %and3A_540, %shift_right_arithmetic3A_541 : i32
        %and3A_543 = arith.constant 3 : i32
        %and3A_544 = arith.andi %and3A_540, %and3A_543 : i32
        %mul3A_545 = arith.constant 32 : i32
        %mul3A_546 = arith.muli %and3A_544, %mul3A_545 : i32
        %mul3A_547 = arith.constant 16 : i32
        %mul3A_548 = arith.muli %scan3A_175, %mul3A_547 : i32
        %add3A_549 = arith.constant 8 : i32
        %add3A_550 = arith.addi %mul3A_548, %add3A_549 : i32
        %get3A_551 = arith.index_cast %add3A_550 : i32 to index
        %get3A_552 = arith.index_cast %mul3A_538 : i32 to index
        %get3A_553 = tpu.vector_load %arg8[%get3A_551, %get3A_552] {strides = array<i32>} : memref<80x128xf32, #tpu.memory_space<vmem>>, vector<1x16xf32>,
        %get3A_554 = vector.shape_cast %get3A_553 : vector<1x16xf32> to vector<16xf32>
        %swap3A_555 = arith.index_cast %shift_right_arithmetic3A_542 : i32 to index
        %swap3A_556 = arith.index_cast %mul3A_546 : i32 to index
        %swap3A_557 = tpu.vector_load %arg9[%swap3A_555, %swap3A_556] {strides = array<i32>} : memref<400x128xf32, #tpu.memory_space<vmem>>, vector<1x16xf32>,
        %swap3A_558 = vector.shape_cast %swap3A_557 : vector<1x16xf32> to vector<16xf32>
        %swap3A_559 = vector.shape_cast %get3A_554 : vector<16xf32> to vector<1x16xf32>
        tpu.vector_store %arg9[%swap3A_555, %swap3A_556], %swap3A_559 {strides = array<i32>} : memref<400x128xf32, #tpu.memory_space<vmem>>, vector<1x16xf32>,
        %mul3A_560 = arith.constant 16 : i32
        %mul3A_561 = arith.muli %scan3A_175, %mul3A_560 : i32
        %add3A_562 = arith.constant 8 : i32
        %add3A_563 = arith.addi %mul3A_561, %add3A_562 : i32
        %add3A_564 = arith.constant 16 : i32
        %add3A_565 = arith.addi %mul3A_538, %add3A_564 : i32
        %get3A_566 = arith.index_cast %add3A_563 : i32 to index
        %get3A_567 = arith.index_cast %add3A_565 : i32 to index
        %get3A_568 = tpu.vector_load %arg8[%get3A_566, %get3A_567] {strides = array<i32>} : memref<80x128xf32, #tpu.memory_space<vmem>>, vector<1x16xf32>,
        %get3A_569 = vector.shape_cast %get3A_568 : vector<1x16xf32> to vector<16xf32>
        %add3A_570 = arith.constant 16 : i32
        %add3A_571 = arith.addi %mul3A_546, %add3A_570 : i32
        %swap3A_572 = arith.index_cast %shift_right_arithmetic3A_542 : i32 to index
        %swap3A_573 = arith.index_cast %add3A_571 : i32 to index
        %swap3A_574 = tpu.vector_load %arg9[%swap3A_572, %swap3A_573] {strides = array<i32>} : memref<400x128xf32, #tpu.memory_space<vmem>>, vector<1x16xf32>,
        %swap3A_575 = vector.shape_cast %swap3A_574 : vector<1x16xf32> to vector<16xf32>
        %swap3A_576 = vector.shape_cast %get3A_569 : vector<16xf32> to vector<1x16xf32>
        tpu.vector_store %arg9[%swap3A_572, %swap3A_573], %swap3A_576 {strides = array<i32>} : memref<400x128xf32, #tpu.memory_space<vmem>>, vector<1x16xf32>,
        %slice3A_577 = vector.extract_strided_slice %get3A_183 {offsets = [9], sizes = [1], strides = [1]} : vector<16xi32> to vector<1xi32>
        %squeeze3A_578 = vector.extract %slice3A_577[0] : i32 from vector<1xi32>
        %shift_right_arithmetic3A_579 = arith.constant 16 : i32
        %shift_right_arithmetic3A_580 = arith.shrsi %squeeze3A_578, %shift_right_arithmetic3A_579 : i32
        %mul3A_581 = arith.constant 32 : i32
        %mul3A_582 = arith.muli %shift_right_arithmetic3A_580, %mul3A_581 : i32
        %and3A_583 = arith.constant 65535 : i32
        %and3A_584 = arith.andi %squeeze3A_578, %and3A_583 : i32
        %shift_right_arithmetic3A_585 = arith.constant 2 : i32
        %shift_right_arithmetic3A_586 = arith.shrsi %and3A_584, %shift_right_arithmetic3A_585 : i32
        %and3A_587 = arith.constant 3 : i32
        %and3A_588 = arith.andi %and3A_584, %and3A_587 : i32
        %mul3A_589 = arith.constant 32 : i32
        %mul3A_590 = arith.muli %and3A_588, %mul3A_589 : i32
        %mul3A_591 = arith.constant 16 : i32
        %mul3A_592 = arith.muli %scan3A_175, %mul3A_591 : i32
        %add3A_593 = arith.constant 9 : i32
        %add3A_594 = arith.addi %mul3A_592, %add3A_593 : i32
        %get3A_595 = arith.index_cast %add3A_594 : i32 to index
        %get3A_596 = arith.index_cast %mul3A_582 : i32 to index
        %get3A_597 = tpu.vector_load %arg8[%get3A_595, %get3A_596] {strides = array<i32>} : memref<80x128xf32, #tpu.memory_space<vmem>>, vector<1x16xf32>,
        %get3A_598 = vector.shape_cast %get3A_597 : vector<1x16xf32> to vector<16xf32>
        %swap3A_599 = arith.index_cast %shift_right_arithmetic3A_586 : i32 to index
        %swap3A_600 = arith.index_cast %mul3A_590 : i32 to index
        %swap3A_601 = tpu.vector_load %arg9[%swap3A_599, %swap3A_600] {strides = array<i32>} : memref<400x128xf32, #tpu.memory_space<vmem>>, vector<1x16xf32>,
        %swap3A_602 = vector.shape_cast %swap3A_601 : vector<1x16xf32> to vector<16xf32>
        %swap3A_603 = vector.shape_cast %get3A_598 : vector<16xf32> to vector<1x16xf32>
        tpu.vector_store %arg9[%swap3A_599, %swap3A_600], %swap3A_603 {strides = array<i32>} : memref<400x128xf32, #tpu.memory_space<vmem>>, vector<1x16xf32>,
        %mul3A_604 = arith.constant 16 : i32
        %mul3A_605 = arith.muli %scan3A_175, %mul3A_604 : i32
        %add3A_606 = arith.constant 9 : i32
        %add3A_607 = arith.addi %mul3A_605, %add3A_606 : i32
        %add3A_608 = arith.constant 16 : i32
        %add3A_609 = arith.addi %mul3A_582, %add3A_608 : i32
        %get3A_610 = arith.index_cast %add3A_607 : i32 to index
        %get3A_611 = arith.index_cast %add3A_609 : i32 to index
        %get3A_612 = tpu.vector_load %arg8[%get3A_610, %get3A_611] {strides = array<i32>} : memref<80x128xf32, #tpu.memory_space<vmem>>, vector<1x16xf32>,
        %get3A_613 = vector.shape_cast %get3A_612 : vector<1x16xf32> to vector<16xf32>
        %add3A_614 = arith.constant 16 : i32
        %add3A_615 = arith.addi %mul3A_590, %add3A_614 : i32
        %swap3A_616 = arith.index_cast %shift_right_arithmetic3A_586 : i32 to index
        %swap3A_617 = arith.index_cast %add3A_615 : i32 to index
        %swap3A_618 = tpu.vector_load %arg9[%swap3A_616, %swap3A_617] {strides = array<i32>} : memref<400x128xf32, #tpu.memory_space<vmem>>, vector<1x16xf32>,
        %swap3A_619 = vector.shape_cast %swap3A_618 : vector<1x16xf32> to vector<16xf32>
        %swap3A_620 = vector.shape_cast %get3A_613 : vector<16xf32> to vector<1x16xf32>
        tpu.vector_store %arg9[%swap3A_616, %swap3A_617], %swap3A_620 {strides = array<i32>} : memref<400x128xf32, #tpu.memory_space<vmem>>, vector<1x16xf32>,
        %slice3A_621 = vector.extract_strided_slice %get3A_183 {offsets = [10], sizes = [1], strides = [1]} : vector<16xi32> to vector<1xi32>
        %squeeze3A_622 = vector.extract %slice3A_621[0] : i32 from vector<1xi32>
        %shift_right_arithmetic3A_623 = arith.constant 16 : i32
        %shift_right_arithmetic3A_624 = arith.shrsi %squeeze3A_622, %shift_right_arithmetic3A_623 : i32
        %mul3A_625 = arith.constant 32 : i32
        %mul3A_626 = arith.muli %shift_right_arithmetic3A_624, %mul3A_625 : i32
        %and3A_627 = arith.constant 65535 : i32
        %and3A_628 = arith.andi %squeeze3A_622, %and3A_627 : i32
        %shift_right_arithmetic3A_629 = arith.constant 2 : i32
        %shift_right_arithmetic3A_630 = arith.shrsi %and3A_628, %shift_right_arithmetic3A_629 : i32
        %and3A_631 = arith.constant 3 : i32
        %and3A_632 = arith.andi %and3A_628, %and3A_631 : i32
        %mul3A_633 = arith.constant 32 : i32
        %mul3A_634 = arith.muli %and3A_632, %mul3A_633 : i32
        %mul3A_635 = arith.constant 16 : i32
        %mul3A_636 = arith.muli %scan3A_175, %mul3A_635 : i32
        %add3A_637 = arith.constant 10 : i32
        %add3A_638 = arith.addi %mul3A_636, %add3A_637 : i32
        %get3A_639 = arith.index_cast %add3A_638 : i32 to index
        %get3A_640 = arith.index_cast %mul3A_626 : i32 to index
        %get3A_641 = tpu.vector_load %arg8[%get3A_639, %get3A_640] {strides = array<i32>} : memref<80x128xf32, #tpu.memory_space<vmem>>, vector<1x16xf32>,
        %get3A_642 = vector.shape_cast %get3A_641 : vector<1x16xf32> to vector<16xf32>
        %swap3A_643 = arith.index_cast %shift_right_arithmetic3A_630 : i32 to index
        %swap3A_644 = arith.index_cast %mul3A_634 : i32 to index
        %swap3A_645 = tpu.vector_load %arg9[%swap3A_643, %swap3A_644] {strides = array<i32>} : memref<400x128xf32, #tpu.memory_space<vmem>>, vector<1x16xf32>,
        %swap3A_646 = vector.shape_cast %swap3A_645 : vector<1x16xf32> to vector<16xf32>
        %swap3A_647 = vector.shape_cast %get3A_642 : vector<16xf32> to vector<1x16xf32>
        tpu.vector_store %arg9[%swap3A_643, %swap3A_644], %swap3A_647 {strides = array<i32>} : memref<400x128xf32, #tpu.memory_space<vmem>>, vector<1x16xf32>,
        %mul3A_648 = arith.constant 16 : i32
        %mul3A_649 = arith.muli %scan3A_175, %mul3A_648 : i32
        %add3A_650 = arith.constant 10 : i32
        %add3A_651 = arith.addi %mul3A_649, %add3A_650 : i32
        %add3A_652 = arith.constant 16 : i32
        %add3A_653 = arith.addi %mul3A_626, %add3A_652 : i32
        %get3A_654 = arith.index_cast %add3A_651 : i32 to index
        %get3A_655 = arith.index_cast %add3A_653 : i32 to index
        %get3A_656 = tpu.vector_load %arg8[%get3A_654, %get3A_655] {strides = array<i32>} : memref<80x128xf32, #tpu.memory_space<vmem>>, vector<1x16xf32>,
        %get3A_657 = vector.shape_cast %get3A_656 : vector<1x16xf32> to vector<16xf32>
        %add3A_658 = arith.constant 16 : i32
        %add3A_659 = arith.addi %mul3A_634, %add3A_658 : i32
        %swap3A_660 = arith.index_cast %shift_right_arithmetic3A_630 : i32 to index
        %swap3A_661 = arith.index_cast %add3A_659 : i32 to index
        %swap3A_662 = tpu.vector_load %arg9[%swap3A_660, %swap3A_661] {strides = array<i32>} : memref<400x128xf32, #tpu.memory_space<vmem>>, vector<1x16xf32>,
        %swap3A_663 = vector.shape_cast %swap3A_662 : vector<1x16xf32> to vector<16xf32>
        %swap3A_664 = vector.shape_cast %get3A_657 : vector<16xf32> to vector<1x16xf32>
        tpu.vector_store %arg9[%swap3A_660, %swap3A_661], %swap3A_664 {strides = array<i32>} : memref<400x128xf32, #tpu.memory_space<vmem>>, vector<1x16xf32>,
        %slice3A_665 = vector.extract_strided_slice %get3A_183 {offsets = [11], sizes = [1], strides = [1]} : vector<16xi32> to vector<1xi32>
        %squeeze3A_666 = vector.extract %slice3A_665[0] : i32 from vector<1xi32>
        %shift_right_arithmetic3A_667 = arith.constant 16 : i32
        %shift_right_arithmetic3A_668 = arith.shrsi %squeeze3A_666, %shift_right_arithmetic3A_667 : i32
        %mul3A_669 = arith.constant 32 : i32
        %mul3A_670 = arith.muli %shift_right_arithmetic3A_668, %mul3A_669 : i32
        %and3A_671 = arith.constant 65535 : i32
        %and3A_672 = arith.andi %squeeze3A_666, %and3A_671 : i32
        %shift_right_arithmetic3A_673 = arith.constant 2 : i32
        %shift_right_arithmetic3A_674 = arith.shrsi %and3A_672, %shift_right_arithmetic3A_673 : i32
        %and3A_675 = arith.constant 3 : i32
        %and3A_676 = arith.andi %and3A_672, %and3A_675 : i32
        %mul3A_677 = arith.constant 32 : i32
        %mul3A_678 = arith.muli %and3A_676, %mul3A_677 : i32
        %mul3A_679 = arith.constant 16 : i32
        %mul3A_680 = arith.muli %scan3A_175, %mul3A_679 : i32
        %add3A_681 = arith.constant 11 : i32
        %add3A_682 = arith.addi %mul3A_680, %add3A_681 : i32
        %get3A_683 = arith.index_cast %add3A_682 : i32 to index
        %get3A_684 = arith.index_cast %mul3A_670 : i32 to index
        %get3A_685 = tpu.vector_load %arg8[%get3A_683, %get3A_684] {strides = array<i32>} : memref<80x128xf32, #tpu.memory_space<vmem>>, vector<1x16xf32>,
        %get3A_686 = vector.shape_cast %get3A_685 : vector<1x16xf32> to vector<16xf32>
        %swap3A_687 = arith.index_cast %shift_right_arithmetic3A_674 : i32 to index
        %swap3A_688 = arith.index_cast %mul3A_678 : i32 to index
        %swap3A_689 = tpu.vector_load %arg9[%swap3A_687, %swap3A_688] {strides = array<i32>} : memref<400x128xf32, #tpu.memory_space<vmem>>, vector<1x16xf32>,
        %swap3A_690 = vector.shape_cast %swap3A_689 : vector<1x16xf32> to vector<16xf32>
        %swap3A_691 = vector.shape_cast %get3A_686 : vector<16xf32> to vector<1x16xf32>
        tpu.vector_store %arg9[%swap3A_687, %swap3A_688], %swap3A_691 {strides = array<i32>} : memref<400x128xf32, #tpu.memory_space<vmem>>, vector<1x16xf32>,
        %mul3A_692 = arith.constant 16 : i32
        %mul3A_693 = arith.muli %scan3A_175, %mul3A_692 : i32
        %add3A_694 = arith.constant 11 : i32
        %add3A_695 = arith.addi %mul3A_693, %add3A_694 : i32
        %add3A_696 = arith.constant 16 : i32
        %add3A_697 = arith.addi %mul3A_670, %add3A_696 : i32
        %get3A_698 = arith.index_cast %add3A_695 : i32 to index
        %get3A_699 = arith.index_cast %add3A_697 : i32 to index
        %get3A_700 = tpu.vector_load %arg8[%get3A_698, %get3A_699] {strides = array<i32>} : memref<80x128xf32, #tpu.memory_space<vmem>>, vector<1x16xf32>,
        %get3A_701 = vector.shape_cast %get3A_700 : vector<1x16xf32> to vector<16xf32>
        %add3A_702 = arith.constant 16 : i32
        %add3A_703 = arith.addi %mul3A_678, %add3A_702 : i32
        %swap3A_704 = arith.index_cast %shift_right_arithmetic3A_674 : i32 to index
        %swap3A_705 = arith.index_cast %add3A_703 : i32 to index
        %swap3A_706 = tpu.vector_load %arg9[%swap3A_704, %swap3A_705] {strides = array<i32>} : memref<400x128xf32, #tpu.memory_space<vmem>>, vector<1x16xf32>,
        %swap3A_707 = vector.shape_cast %swap3A_706 : vector<1x16xf32> to vector<16xf32>
        %swap3A_708 = vector.shape_cast %get3A_701 : vector<16xf32> to vector<1x16xf32>
        tpu.vector_store %arg9[%swap3A_704, %swap3A_705], %swap3A_708 {strides = array<i32>} : memref<400x128xf32, #tpu.memory_space<vmem>>, vector<1x16xf32>,
        %slice3A_709 = vector.extract_strided_slice %get3A_183 {offsets = [12], sizes = [1], strides = [1]} : vector<16xi32> to vector<1xi32>
        %squeeze3A_710 = vector.extract %slice3A_709[0] : i32 from vector<1xi32>
        %shift_right_arithmetic3A_711 = arith.constant 16 : i32
        %shift_right_arithmetic3A_712 = arith.shrsi %squeeze3A_710, %shift_right_arithmetic3A_711 : i32
        %mul3A_713 = arith.constant 32 : i32
        %mul3A_714 = arith.muli %shift_right_arithmetic3A_712, %mul3A_713 : i32
        %and3A_715 = arith.constant 65535 : i32
        %and3A_716 = arith.andi %squeeze3A_710, %and3A_715 : i32
        %shift_right_arithmetic3A_717 = arith.constant 2 : i32
        %shift_right_arithmetic3A_718 = arith.shrsi %and3A_716, %shift_right_arithmetic3A_717 : i32
        %and3A_719 = arith.constant 3 : i32
        %and3A_720 = arith.andi %and3A_716, %and3A_719 : i32
        %mul3A_721 = arith.constant 32 : i32
        %mul3A_722 = arith.muli %and3A_720, %mul3A_721 : i32
        %mul3A_723 = arith.constant 16 : i32
        %mul3A_724 = arith.muli %scan3A_175, %mul3A_723 : i32
        %add3A_725 = arith.constant 12 : i32
        %add3A_726 = arith.addi %mul3A_724, %add3A_725 : i32
        %get3A_727 = arith.index_cast %add3A_726 : i32 to index
        %get3A_728 = arith.index_cast %mul3A_714 : i32 to index
        %get3A_729 = tpu.vector_load %arg8[%get3A_727, %get3A_728] {strides = array<i32>} : memref<80x128xf32, #tpu.memory_space<vmem>>, vector<1x16xf32>,
        %get3A_730 = vector.shape_cast %get3A_729 : vector<1x16xf32> to vector<16xf32>
        %swap3A_731 = arith.index_cast %shift_right_arithmetic3A_718 : i32 to index
        %swap3A_732 = arith.index_cast %mul3A_722 : i32 to index
        %swap3A_733 = tpu.vector_load %arg9[%swap3A_731, %swap3A_732] {strides = array<i32>} : memref<400x128xf32, #tpu.memory_space<vmem>>, vector<1x16xf32>,
        %swap3A_734 = vector.shape_cast %swap3A_733 : vector<1x16xf32> to vector<16xf32>
        %swap3A_735 = vector.shape_cast %get3A_730 : vector<16xf32> to vector<1x16xf32>
        tpu.vector_store %arg9[%swap3A_731, %swap3A_732], %swap3A_735 {strides = array<i32>} : memref<400x128xf32, #tpu.memory_space<vmem>>, vector<1x16xf32>,
        %mul3A_736 = arith.constant 16 : i32
        %mul3A_737 = arith.muli %scan3A_175, %mul3A_736 : i32
        %add3A_738 = arith.constant 12 : i32
        %add3A_739 = arith.addi %mul3A_737, %add3A_738 : i32
        %add3A_740 = arith.constant 16 : i32
        %add3A_741 = arith.addi %mul3A_714, %add3A_740 : i32
        %get3A_742 = arith.index_cast %add3A_739 : i32 to index
        %get3A_743 = arith.index_cast %add3A_741 : i32 to index
        %get3A_744 = tpu.vector_load %arg8[%get3A_742, %get3A_743] {strides = array<i32>} : memref<80x128xf32, #tpu.memory_space<vmem>>, vector<1x16xf32>,
        %get3A_745 = vector.shape_cast %get3A_744 : vector<1x16xf32> to vector<16xf32>
        %add3A_746 = arith.constant 16 : i32
        %add3A_747 = arith.addi %mul3A_722, %add3A_746 : i32
        %swap3A_748 = arith.index_cast %shift_right_arithmetic3A_718 : i32 to index
        %swap3A_749 = arith.index_cast %add3A_747 : i32 to index
        %swap3A_750 = tpu.vector_load %arg9[%swap3A_748, %swap3A_749] {strides = array<i32>} : memref<400x128xf32, #tpu.memory_space<vmem>>, vector<1x16xf32>,
        %swap3A_751 = vector.shape_cast %swap3A_750 : vector<1x16xf32> to vector<16xf32>
        %swap3A_752 = vector.shape_cast %get3A_745 : vector<16xf32> to vector<1x16xf32>
        tpu.vector_store %arg9[%swap3A_748, %swap3A_749], %swap3A_752 {strides = array<i32>} : memref<400x128xf32, #tpu.memory_space<vmem>>, vector<1x16xf32>,
        %slice3A_753 = vector.extract_strided_slice %get3A_183 {offsets = [13], sizes = [1], strides = [1]} : vector<16xi32> to vector<1xi32>
        %squeeze3A_754 = vector.extract %slice3A_753[0] : i32 from vector<1xi32>
        %shift_right_arithmetic3A_755 = arith.constant 16 : i32
        %shift_right_arithmetic3A_756 = arith.shrsi %squeeze3A_754, %shift_right_arithmetic3A_755 : i32
        %mul3A_757 = arith.constant 32 : i32
        %mul3A_758 = arith.muli %shift_right_arithmetic3A_756, %mul3A_757 : i32
        %and3A_759 = arith.constant 65535 : i32
        %and3A_760 = arith.andi %squeeze3A_754, %and3A_759 : i32
        %shift_right_arithmetic3A_761 = arith.constant 2 : i32
        %shift_right_arithmetic3A_762 = arith.shrsi %and3A_760, %shift_right_arithmetic3A_761 : i32
        %and3A_763 = arith.constant 3 : i32
        %and3A_764 = arith.andi %and3A_760, %and3A_763 : i32
        %mul3A_765 = arith.constant 32 : i32
        %mul3A_766 = arith.muli %and3A_764, %mul3A_765 : i32
        %mul3A_767 = arith.constant 16 : i32
        %mul3A_768 = arith.muli %scan3A_175, %mul3A_767 : i32
        %add3A_769 = arith.constant 13 : i32
        %add3A_770 = arith.addi %mul3A_768, %add3A_769 : i32
        %get3A_771 = arith.index_cast %add3A_770 : i32 to index
        %get3A_772 = arith.index_cast %mul3A_758 : i32 to index
        %get3A_773 = tpu.vector_load %arg8[%get3A_771, %get3A_772] {strides = array<i32>} : memref<80x128xf32, #tpu.memory_space<vmem>>, vector<1x16xf32>,
        %get3A_774 = vector.shape_cast %get3A_773 : vector<1x16xf32> to vector<16xf32>
        %swap3A_775 = arith.index_cast %shift_right_arithmetic3A_762 : i32 to index
        %swap3A_776 = arith.index_cast %mul3A_766 : i32 to index
        %swap3A_777 = tpu.vector_load %arg9[%swap3A_775, %swap3A_776] {strides = array<i32>} : memref<400x128xf32, #tpu.memory_space<vmem>>, vector<1x16xf32>,
        %swap3A_778 = vector.shape_cast %swap3A_777 : vector<1x16xf32> to vector<16xf32>
        %swap3A_779 = vector.shape_cast %get3A_774 : vector<16xf32> to vector<1x16xf32>
        tpu.vector_store %arg9[%swap3A_775, %swap3A_776], %swap3A_779 {strides = array<i32>} : memref<400x128xf32, #tpu.memory_space<vmem>>, vector<1x16xf32>,
        %mul3A_780 = arith.constant 16 : i32
        %mul3A_781 = arith.muli %scan3A_175, %mul3A_780 : i32
        %add3A_782 = arith.constant 13 : i32
        %add3A_783 = arith.addi %mul3A_781, %add3A_782 : i32
        %add3A_784 = arith.constant 16 : i32
        %add3A_785 = arith.addi %mul3A_758, %add3A_784 : i32
        %get3A_786 = arith.index_cast %add3A_783 : i32 to index
        %get3A_787 = arith.index_cast %add3A_785 : i32 to index
        %get3A_788 = tpu.vector_load %arg8[%get3A_786, %get3A_787] {strides = array<i32>} : memref<80x128xf32, #tpu.memory_space<vmem>>, vector<1x16xf32>,
        %get3A_789 = vector.shape_cast %get3A_788 : vector<1x16xf32> to vector<16xf32>
        %add3A_790 = arith.constant 16 : i32
        %add3A_791 = arith.addi %mul3A_766, %add3A_790 : i32
        %swap3A_792 = arith.index_cast %shift_right_arithmetic3A_762 : i32 to index
        %swap3A_793 = arith.index_cast %add3A_791 : i32 to index
        %swap3A_794 = tpu.vector_load %arg9[%swap3A_792, %swap3A_793] {strides = array<i32>} : memref<400x128xf32, #tpu.memory_space<vmem>>, vector<1x16xf32>,
        %swap3A_795 = vector.shape_cast %swap3A_794 : vector<1x16xf32> to vector<16xf32>
        %swap3A_796 = vector.shape_cast %get3A_789 : vector<16xf32> to vector<1x16xf32>
        tpu.vector_store %arg9[%swap3A_792, %swap3A_793], %swap3A_796 {strides = array<i32>} : memref<400x128xf32, #tpu.memory_space<vmem>>, vector<1x16xf32>,
        %slice3A_797 = vector.extract_strided_slice %get3A_183 {offsets = [14], sizes = [1], strides = [1]} : vector<16xi32> to vector<1xi32>
        %squeeze3A_798 = vector.extract %slice3A_797[0] : i32 from vector<1xi32>
        %shift_right_arithmetic3A_799 = arith.constant 16 : i32
        %shift_right_arithmetic3A_800 = arith.shrsi %squeeze3A_798, %shift_right_arithmetic3A_799 : i32
        %mul3A_801 = arith.constant 32 : i32
        %mul3A_802 = arith.muli %shift_right_arithmetic3A_800, %mul3A_801 : i32
        %and3A_803 = arith.constant 65535 : i32
        %and3A_804 = arith.andi %squeeze3A_798, %and3A_803 : i32
        %shift_right_arithmetic3A_805 = arith.constant 2 : i32
        %shift_right_arithmetic3A_806 = arith.shrsi %and3A_804, %shift_right_arithmetic3A_805 : i32
        %and3A_807 = arith.constant 3 : i32
        %and3A_808 = arith.andi %and3A_804, %and3A_807 : i32
        %mul3A_809 = arith.constant 32 : i32
        %mul3A_810 = arith.muli %and3A_808, %mul3A_809 : i32
        %mul3A_811 = arith.constant 16 : i32
        %mul3A_812 = arith.muli %scan3A_175, %mul3A_811 : i32
        %add3A_813 = arith.constant 14 : i32
        %add3A_814 = arith.addi %mul3A_812, %add3A_813 : i32
        %get3A_815 = arith.index_cast %add3A_814 : i32 to index
        %get3A_816 = arith.index_cast %mul3A_802 : i32 to index
        %get3A_817 = tpu.vector_load %arg8[%get3A_815, %get3A_816] {strides = array<i32>} : memref<80x128xf32, #tpu.memory_space<vmem>>, vector<1x16xf32>,
        %get3A_818 = vector.shape_cast %get3A_817 : vector<1x16xf32> to vector<16xf32>
        %swap3A_819 = arith.index_cast %shift_right_arithmetic3A_806 : i32 to index
        %swap3A_820 = arith.index_cast %mul3A_810 : i32 to index
        %swap3A_821 = tpu.vector_load %arg9[%swap3A_819, %swap3A_820] {strides = array<i32>} : memref<400x128xf32, #tpu.memory_space<vmem>>, vector<1x16xf32>,
        %swap3A_822 = vector.shape_cast %swap3A_821 : vector<1x16xf32> to vector<16xf32>
        %swap3A_823 = vector.shape_cast %get3A_818 : vector<16xf32> to vector<1x16xf32>
        tpu.vector_store %arg9[%swap3A_819, %swap3A_820], %swap3A_823 {strides = array<i32>} : memref<400x128xf32, #tpu.memory_space<vmem>>, vector<1x16xf32>,
        %mul3A_824 = arith.constant 16 : i32
        %mul3A_825 = arith.muli %scan3A_175, %mul3A_824 : i32
        %add3A_826 = arith.constant 14 : i32
        %add3A_827 = arith.addi %mul3A_825, %add3A_826 : i32
        %add3A_828 = arith.constant 16 : i32
        %add3A_829 = arith.addi %mul3A_802, %add3A_828 : i32
        %get3A_830 = arith.index_cast %add3A_827 : i32 to index
        %get3A_831 = arith.index_cast %add3A_829 : i32 to index
        %get3A_832 = tpu.vector_load %arg8[%get3A_830, %get3A_831] {strides = array<i32>} : memref<80x128xf32, #tpu.memory_space<vmem>>, vector<1x16xf32>,
        %get3A_833 = vector.shape_cast %get3A_832 : vector<1x16xf32> to vector<16xf32>
        %add3A_834 = arith.constant 16 : i32
        %add3A_835 = arith.addi %mul3A_810, %add3A_834 : i32
        %swap3A_836 = arith.index_cast %shift_right_arithmetic3A_806 : i32 to index
        %swap3A_837 = arith.index_cast %add3A_835 : i32 to index
        %swap3A_838 = tpu.vector_load %arg9[%swap3A_836, %swap3A_837] {strides = array<i32>} : memref<400x128xf32, #tpu.memory_space<vmem>>, vector<1x16xf32>,
        %swap3A_839 = vector.shape_cast %swap3A_838 : vector<1x16xf32> to vector<16xf32>
        %swap3A_840 = vector.shape_cast %get3A_833 : vector<16xf32> to vector<1x16xf32>
        tpu.vector_store %arg9[%swap3A_836, %swap3A_837], %swap3A_840 {strides = array<i32>} : memref<400x128xf32, #tpu.memory_space<vmem>>, vector<1x16xf32>,
        %slice3A_841 = vector.extract_strided_slice %get3A_183 {offsets = [15], sizes = [1], strides = [1]} : vector<16xi32> to vector<1xi32>
        %squeeze3A_842 = vector.extract %slice3A_841[0] : i32 from vector<1xi32>
        %shift_right_arithmetic3A_843 = arith.constant 16 : i32
        %shift_right_arithmetic3A_844 = arith.shrsi %squeeze3A_842, %shift_right_arithmetic3A_843 : i32
        %mul3A_845 = arith.constant 32 : i32
        %mul3A_846 = arith.muli %shift_right_arithmetic3A_844, %mul3A_845 : i32
        %and3A_847 = arith.constant 65535 : i32
        %and3A_848 = arith.andi %squeeze3A_842, %and3A_847 : i32
        %shift_right_arithmetic3A_849 = arith.constant 2 : i32
        %shift_right_arithmetic3A_850 = arith.shrsi %and3A_848, %shift_right_arithmetic3A_849 : i32
        %and3A_851 = arith.constant 3 : i32
        %and3A_852 = arith.andi %and3A_848, %and3A_851 : i32
        %mul3A_853 = arith.constant 32 : i32
        %mul3A_854 = arith.muli %and3A_852, %mul3A_853 : i32
        %mul3A_855 = arith.constant 16 : i32
        %mul3A_856 = arith.muli %scan3A_175, %mul3A_855 : i32
        %add3A_857 = arith.constant 15 : i32
        %add3A_858 = arith.addi %mul3A_856, %add3A_857 : i32
        %get3A_859 = arith.index_cast %add3A_858 : i32 to index
        %get3A_860 = arith.index_cast %mul3A_846 : i32 to index
        %get3A_861 = tpu.vector_load %arg8[%get3A_859, %get3A_860] {strides = array<i32>} : memref<80x128xf32, #tpu.memory_space<vmem>>, vector<1x16xf32>,
        %get3A_862 = vector.shape_cast %get3A_861 : vector<1x16xf32> to vector<16xf32>
        %swap3A_863 = arith.index_cast %shift_right_arithmetic3A_850 : i32 to index
        %swap3A_864 = arith.index_cast %mul3A_854 : i32 to index
        %swap3A_865 = tpu.vector_load %arg9[%swap3A_863, %swap3A_864] {strides = array<i32>} : memref<400x128xf32, #tpu.memory_space<vmem>>, vector<1x16xf32>,
        %swap3A_866 = vector.shape_cast %swap3A_865 : vector<1x16xf32> to vector<16xf32>
        %swap3A_867 = vector.shape_cast %get3A_862 : vector<16xf32> to vector<1x16xf32>
        tpu.vector_store %arg9[%swap3A_863, %swap3A_864], %swap3A_867 {strides = array<i32>} : memref<400x128xf32, #tpu.memory_space<vmem>>, vector<1x16xf32>,
        %mul3A_868 = arith.constant 16 : i32
        %mul3A_869 = arith.muli %scan3A_175, %mul3A_868 : i32
        %add3A_870 = arith.constant 15 : i32
        %add3A_871 = arith.addi %mul3A_869, %add3A_870 : i32
        %add3A_872 = arith.constant 16 : i32
        %add3A_873 = arith.addi %mul3A_846, %add3A_872 : i32
        %get3A_874 = arith.index_cast %add3A_871 : i32 to index
        %get3A_875 = arith.index_cast %add3A_873 : i32 to index
        %get3A_876 = tpu.vector_load %arg8[%get3A_874, %get3A_875] {strides = array<i32>} : memref<80x128xf32, #tpu.memory_space<vmem>>, vector<1x16xf32>,
        %get3A_877 = vector.shape_cast %get3A_876 : vector<1x16xf32> to vector<16xf32>
        %add3A_878 = arith.constant 16 : i32
        %add3A_879 = arith.addi %mul3A_854, %add3A_878 : i32
        %swap3A_880 = arith.index_cast %shift_right_arithmetic3A_850 : i32 to index
        %swap3A_881 = arith.index_cast %add3A_879 : i32 to index
        %swap3A_882 = tpu.vector_load %arg9[%swap3A_880, %swap3A_881] {strides = array<i32>} : memref<400x128xf32, #tpu.memory_space<vmem>>, vector<1x16xf32>,
        %swap3A_883 = vector.shape_cast %swap3A_882 : vector<1x16xf32> to vector<16xf32>
        %swap3A_884 = vector.shape_cast %get3A_877 : vector<16xf32> to vector<1x16xf32>
        tpu.vector_store %arg9[%swap3A_880, %swap3A_881], %swap3A_884 {strides = array<i32>} : memref<400x128xf32, #tpu.memory_space<vmem>>, vector<1x16xf32>,
      }
      %scan3A_174 = arith.constant 5 : i32
    }
    %mul3A_114 = arith.constant 200 : i32
    %mul3A_115 = arith.muli %add3A, %mul3A_114 : i32
    %mul3A_116 = arith.constant 200 : i32
    %mul3A_117 = arith.muli %add3A, %mul3A_116 : i32
    %add3A_118 = arith.constant 6400 : i32
    %add3A_119 = arith.addi %add3A_118, %mul3A_117 : i32
    %dma_start3A = arith.constant 0 : i32
    %dma_start3A_120 = arith.constant 0 : i32
    %dma_start3A_121 = tpu.memref_slice %arg9[%dma_start3A, %dma_start3A_120] : memref<400x128xf32, #tpu.memory_space<vmem>> -> memref<200x128xf32, #tpu.memory_space<vmem>>
    %dma_start3A_122 = arith.constant 0 : i32
    %dma_start3A_123 = tpu.memref_slice %arg4[%mul3A_115, %dma_start3A_122] : memref<12800x128xf32, #tpu.memory_space<hbm>> -> memref<200x128xf32, #tpu.memory_space<hbm>>
    %dma_start3A_124 = arith.constant 0 : i32
    %dma_start3A_125 = tpu.memref_slice %arg4[%mul3A_115, %dma_start3A_124] : memref<12800x128xf32, #tpu.memory_space<hbm>> -> memref<200x128xf32, #tpu.memory_space<hbm>>
    %dma_start3A_126 = arith.constant 0 : i32
    %dma_start3A_127 = arith.constant 0 : i32
    %dma_start3A_128 = tpu.memref_slice %arg9[%dma_start3A_126, %dma_start3A_127] : memref<400x128xf32, #tpu.memory_space<vmem>> -> memref<200x128xf32, #tpu.memory_space<vmem>>
    tpu.enqueue_dma source(%dma_start3A_128 : memref<200x128xf32, #tpu.memory_space<vmem>>) target(%dma_start3A_125 : memref<200x128xf32, #tpu.memory_space<hbm>>) target_semaphore(%arg11 : memref<!tpu.dma_semaphore, #tpu.memory_space<semaphore_mem>>)
    %dma_start3A_129 = arith.constant 200 : i32
    %dma_start3A_130 = arith.constant 0 : i32
    %dma_start3A_131 = tpu.memref_slice %arg9[%dma_start3A_129, %dma_start3A_130] : memref<400x128xf32, #tpu.memory_space<vmem>> -> memref<200x128xf32, #tpu.memory_space<vmem>>
    %dma_start3A_132 = arith.constant 0 : i32
    %dma_start3A_133 = tpu.memref_slice %arg4[%add3A_119, %dma_start3A_132] : memref<12800x128xf32, #tpu.memory_space<hbm>> -> memref<200x128xf32, #tpu.memory_space<hbm>>
    %dma_start3A_134 = arith.constant 0 : i32
    %dma_start3A_135 = tpu.memref_slice %arg4[%add3A_119, %dma_start3A_134] : memref<12800x128xf32, #tpu.memory_space<hbm>> -> memref<200x128xf32, #tpu.memory_space<hbm>>
    %dma_start3A_136 = arith.constant 200 : i32
    %dma_start3A_137 = arith.constant 0 : i32
    %dma_start3A_138 = tpu.memref_slice %arg9[%dma_start3A_136, %dma_start3A_137] : memref<400x128xf32, #tpu.memory_space<vmem>> -> memref<200x128xf32, #tpu.memory_space<vmem>>
    tpu.enqueue_dma source(%dma_start3A_138 : memref<200x128xf32, #tpu.memory_space<vmem>>) target(%dma_start3A_135 : memref<200x128xf32, #tpu.memory_space<hbm>>) target_semaphore(%arg11 : memref<!tpu.dma_semaphore, #tpu.memory_space<semaphore_mem>>)
    %dma_wait3A = arith.constant 0 : i32
    %dma_wait3A_139 = arith.constant 0 : i32
    %dma_wait3A_140 = tpu.memref_slice %arg9[%dma_wait3A, %dma_wait3A_139] : memref<400x128xf32, #tpu.memory_space<vmem>> -> memref<200x128xf32, #tpu.memory_space<vmem>>
    %dma_wait3A_141 = arith.constant 0 : i32
    %dma_wait3A_142 = tpu.memref_slice %arg4[%mul3A_115, %dma_wait3A_141] : memref<12800x128xf32, #tpu.memory_space<hbm>> -> memref<200x128xf32, #tpu.memory_space<hbm>>
    %dma_wait3A_143 = arith.constant 0 : i32
    %dma_wait3A_144 = tpu.memref_slice %arg4[%mul3A_115, %dma_wait3A_143] : memref<12800x128xf32, #tpu.memory_space<hbm>> -> memref<200x128xf32, #tpu.memory_space<hbm>>
    %dma_wait3A_145 = arith.constant 0 : i32
    %dma_wait3A_146 = arith.constant 0 : i32
    %dma_wait3A_147 = tpu.memref_slice %arg9[%dma_wait3A_145, %dma_wait3A_146] : memref<400x128xf32, #tpu.memory_space<vmem>> -> memref<200x128xf32, #tpu.memory_space<vmem>>
    tpu.wait_dma2 semaphore(%arg11 : memref<!tpu.dma_semaphore, #tpu.memory_space<semaphore_mem>>) src(%dma_wait3A_147 : memref<200x128xf32, #tpu.memory_space<vmem>>) dst(%dma_wait3A_144 : memref<200x128xf32, #tpu.memory_space<hbm>>)
    %dma_wait3A_148 = arith.constant 200 : i32
    %dma_wait3A_149 = arith.constant 0 : i32
    %dma_wait3A_150 = tpu.memref_slice %arg9[%dma_wait3A_148, %dma_wait3A_149] : memref<400x128xf32, #tpu.memory_space<vmem>> -> memref<200x128xf32, #tpu.memory_space<vmem>>
    %dma_wait3A_151 = arith.constant 0 : i32
    %dma_wait3A_152 = tpu.memref_slice %arg4[%add3A_119, %dma_wait3A_151] : memref<12800x128xf32, #tpu.memory_space<hbm>> -> memref<200x128xf32, #tpu.memory_space<hbm>>
    %dma_wait3A_153 = arith.constant 0 : i32
    %dma_wait3A_154 = tpu.memref_slice %arg4[%add3A_119, %dma_wait3A_153] : memref<12800x128xf32, #tpu.memory_space<hbm>> -> memref<200x128xf32, #tpu.memory_space<hbm>>
    %dma_wait3A_155 = arith.constant 200 : i32
    %dma_wait3A_156 = arith.constant 0 : i32
    %dma_wait3A_157 = tpu.memref_slice %arg9[%dma_wait3A_155, %dma_wait3A_156] : memref<400x128xf32, #tpu.memory_space<vmem>> -> memref<200x128xf32, #tpu.memory_space<vmem>>
    tpu.wait_dma2 semaphore(%arg11 : memref<!tpu.dma_semaphore, #tpu.memory_space<semaphore_mem>>) src(%dma_wait3A_157 : memref<200x128xf32, #tpu.memory_space<vmem>>) dst(%dma_wait3A_154 : memref<200x128xf32, #tpu.memory_space<hbm>>)
    return
  }
}

module attributes {stable_mosaic.version = 14 : i64} {
  func.func @_dp_body(%arg0: memref<64x1024xi32, #tpu.memory_space<vmem>>, %arg1: memref<512x128xi32, #tpu.memory_space<vmem>>, %arg2: memref<64x1024xi32, #tpu.memory_space<vmem>>, %arg3: memref<64x1024xi32, #tpu.memory_space<vmem>>) attributes {dimension_semantics = [], scalar_prefetch = 0 : i64, scratch_operands = 2 : i64, tpu.core_type = #tpu.core_type<tc>} {
    %iota3A = tpu.iota {dimensions = array<i32: 0>} : vector<64x1024xi32>
    %get3A = arith.constant 0 : index
    %get3A_0 = arith.constant 0 : index
    %get3A_1 = vector.load %arg0[%get3A, %get3A_0] : memref<64x1024xi32, #tpu.memory_space<vmem>>, vector<64x1024xi32>
    %broadcast_in_dim3A = arith.constant 0 : i32
    %broadcast_in_dim3A_2 = vector.broadcast %broadcast_in_dim3A : i32 to vector<64x1024xi32>
    %swap3A = arith.constant 0 : index
    %swap3A_3 = arith.constant 0 : index
    %swap3A_4 = vector.load %arg2[%swap3A, %swap3A_3] : memref<64x1024xi32, #tpu.memory_space<vmem>>, vector<64x1024xi32>
    tpu.vector_store %arg2[%swap3A, %swap3A_3], %broadcast_in_dim3A_2 {strides = array<i32>} : memref<64x1024xi32, #tpu.memory_space<vmem>>, vector<64x1024xi32>,
    %broadcast_in_dim3A_5 = arith.constant -1 : i32
    %broadcast_in_dim3A_6 = vector.broadcast %broadcast_in_dim3A_5 : i32 to vector<64x1024xi32>
    %swap3A_7 = arith.constant 0 : index
    %swap3A_8 = arith.constant 0 : index
    %swap3A_9 = vector.load %arg3[%swap3A_7, %swap3A_8] : memref<64x1024xi32, #tpu.memory_space<vmem>>, vector<64x1024xi32>
    tpu.vector_store %arg3[%swap3A_7, %swap3A_8], %broadcast_in_dim3A_6 {strides = array<i32>} : memref<64x1024xi32, #tpu.memory_space<vmem>>, vector<64x1024xi32>,
    %scan3A = arith.constant 0 : i32
    %scan3A_10 = arith.constant 50 : i32
    %scan3A_11 = arith.addi %scan3A, %scan3A_10 : i32
    %scan3A_12 = arith.constant 1 : i32
    scf.for %scan3A_21 = %scan3A to %scan3A_11 step %scan3A_12  : i32 {
      %get3A_22 = arith.constant 0 : index
      %get3A_23 = arith.constant 0 : index
      %get3A_24 = vector.load %arg2[%get3A_22, %get3A_23] : memref<64x1024xi32, #tpu.memory_space<vmem>>, vector<64x1024xi32>
      %eq3A = vector.broadcast %scan3A_21 : i32 to vector<64x1024xi32>
      %eq3A_25 = arith.cmpi eq, %iota3A, %eq3A : vector<64x1024xi32>
      %jit3A = arith.constant 0 : i32
      %broadcast_in_dim3A_26 = vector.broadcast %jit3A : i32 to vector<64x1024xi32>
      %select_n3A = arith.select %eq3A_25, %get3A_1, %broadcast_in_dim3A_26 : vector<64x1024xi1>, vector<64x1024xi32>
      %reduce_sum3A = arith.constant dense<0> : vector<1024xi32>
      %reduce_sum3A_27 = vector.multi_reduction <add>, %select_n3A, %reduce_sum3A [0] : vector<64x1024xi32> to vector<1024xi32>
      %broadcast_in_dim3A_28 = vector.shape_cast %reduce_sum3A_27 : vector<1024xi32> to vector<1x1024xi32>
      %eq3A_29 = vector.broadcast %broadcast_in_dim3A_28 : vector<1x1024xi32> to vector<64x1024xi32>
      %eq3A_30 = arith.cmpi eq, %get3A_1, %eq3A_29 : vector<64x1024xi32>
      %eq3A_31 = arith.constant 0 : i32
      %eq3A_32 = vector.broadcast %eq3A_31 : i32 to vector<64x1024xi32>
      %eq3A_33 = arith.cmpi eq, %iota3A, %eq3A_32 : vector<64x1024xi32>
      %roll3A = arith.constant 1 : i32
      %roll3A_34 = tpu.dynamic_rotate %get3A_24 by %roll3A dim 0 : vector<64x1024xi32>, i32 -> vector<64x1024xi32>
      %jit3A_35 = arith.constant 0 : i32
      %broadcast_in_dim3A_36 = vector.broadcast %jit3A_35 : i32 to vector<64x1024xi32>
      %select_n3A_37 = arith.select %eq3A_33, %broadcast_in_dim3A_36, %roll3A_34 : vector<64x1024xi1>, vector<64x1024xi32>
      %add3A = arith.constant 1 : i32
      %add3A_38 = vector.broadcast %add3A : i32 to vector<64x1024xi32>
      %add3A_39 = arith.addi %select_n3A_37, %add3A_38 : vector<64x1024xi32>
      %jit3A_40 = arith.constant 0 : i32
      %broadcast_in_dim3A_41 = vector.broadcast %jit3A_40 : i32 to vector<64x1024xi32>
      %select_n3A_42 = arith.select %eq3A_30, %add3A_39, %broadcast_in_dim3A_41 : vector<64x1024xi1>, vector<64x1024xi32>
      %lt3A = vector.broadcast %scan3A_21 : i32 to vector<64x1024xi32>
      %lt3A_43 = arith.cmpi slt, %iota3A, %lt3A : vector<64x1024xi32>
      %jit3A_44 = arith.constant 0 : i32
      %broadcast_in_dim3A_45 = vector.broadcast %jit3A_44 : i32 to vector<64x1024xi32>
      %select_n3A_46 = arith.select %lt3A_43, %select_n3A_42, %broadcast_in_dim3A_45 : vector<64x1024xi1>, vector<64x1024xi32>
      %reduce_max3A = arith.constant dense<-2147483648> : vector<1024xi32>
      %reduce_max3A_47 = vector.multi_reduction <maxsi>, %select_n3A_46, %reduce_max3A [0] : vector<64x1024xi32> to vector<1024xi32>
      %broadcast_in_dim3A_48 = vector.shape_cast %reduce_max3A_47 : vector<1024xi32> to vector<1x1024xi32>
      %eq3A_49 = vector.broadcast %broadcast_in_dim3A_48 : vector<1x1024xi32> to vector<64x1024xi32>
      %eq3A_50 = arith.cmpi eq, %select_n3A_46, %eq3A_49 : vector<64x1024xi32>
      %jit3A_51 = arith.constant -1 : i32
      %broadcast_in_dim3A_52 = vector.broadcast %jit3A_51 : i32 to vector<64x1024xi32>
      %select_n3A_53 = arith.select %eq3A_50, %iota3A, %broadcast_in_dim3A_52 : vector<64x1024xi1>, vector<64x1024xi32>
      %reduce_max3A_54 = arith.constant dense<-2147483648> : vector<1024xi32>
      %reduce_max3A_55 = vector.multi_reduction <maxsi>, %select_n3A_53, %reduce_max3A_54 [0] : vector<64x1024xi32> to vector<1024xi32>
      %broadcast_in_dim3A_56 = vector.shape_cast %reduce_max3A_55 : vector<1024xi32> to vector<1x1024xi32>
      %add3A_57 = arith.constant 1 : i32
      %add3A_58 = vector.broadcast %add3A_57 : i32 to vector<1x1024xi32>
      %add3A_59 = arith.addi %broadcast_in_dim3A_56, %add3A_58 : vector<1x1024xi32>
      %eq3A_60 = vector.broadcast %add3A_59 : vector<1x1024xi32> to vector<64x1024xi32>
      %eq3A_61 = arith.cmpi eq, %iota3A, %eq3A_60 : vector<64x1024xi32>
      %jit3A_62 = arith.constant 0 : i32
      %broadcast_in_dim3A_63 = vector.broadcast %jit3A_62 : i32 to vector<64x1024xi32>
      %select_n3A_64 = arith.select %eq3A_61, %get3A_1, %broadcast_in_dim3A_63 : vector<64x1024xi1>, vector<64x1024xi32>
      %reduce_sum3A_65 = arith.constant dense<0> : vector<1024xi32>
      %reduce_sum3A_66 = vector.multi_reduction <add>, %select_n3A_64, %reduce_sum3A_65 [0] : vector<64x1024xi32> to vector<1024xi32>
      %broadcast_in_dim3A_67 = vector.shape_cast %reduce_sum3A_66 : vector<1024xi32> to vector<1x1024xi32>
      %gt3A = arith.constant 0 : i32
      %gt3A_68 = vector.broadcast %gt3A : i32 to vector<1x1024xi32>
      %gt3A_69 = arith.cmpi sgt, %broadcast_in_dim3A_48, %gt3A_68 : vector<1x1024xi32>
      %jit3A_70 = arith.constant -1 : i32
      %broadcast_in_dim3A_71 = vector.broadcast %jit3A_70 : i32 to vector<1x1024xi32>
      %select_n3A_72 = arith.select %gt3A_69, %broadcast_in_dim3A_67, %broadcast_in_dim3A_71 : vector<1x1024xi1>, vector<1x1024xi32>
      %swap3A_73 = arith.constant 0 : index
      %swap3A_74 = arith.constant 0 : index
      %swap3A_75 = vector.load %arg2[%swap3A_73, %swap3A_74] : memref<64x1024xi32, #tpu.memory_space<vmem>>, vector<64x1024xi32>
      tpu.vector_store %arg2[%swap3A_73, %swap3A_74], %select_n3A_42 {strides = array<i32>} : memref<64x1024xi32, #tpu.memory_space<vmem>>, vector<64x1024xi32>,
      %eq3A_76 = vector.broadcast %scan3A_21 : i32 to vector<64x1024xi32>
      %eq3A_77 = arith.cmpi eq, %iota3A, %eq3A_76 : vector<64x1024xi32>
      %get3A_78 = arith.constant 0 : index
      %get3A_79 = arith.constant 0 : index
      %get3A_80 = vector.load %arg3[%get3A_78, %get3A_79] : memref<64x1024xi32, #tpu.memory_space<vmem>>, vector<64x1024xi32>
      %broadcast_in_dim3A_81 = vector.shape_cast %select_n3A_72 : vector<1x1024xi32> to vector<1x1024xi32>
      %broadcast_in_dim3A_82 = vector.broadcast %broadcast_in_dim3A_81 : vector<1x1024xi32> to vector<64x1024xi32>
      %select_n3A_83 = arith.select %eq3A_77, %broadcast_in_dim3A_82, %get3A_80 : vector<64x1024xi1>, vector<64x1024xi32>
      %swap3A_84 = arith.constant 0 : index
      %swap3A_85 = arith.constant 0 : index
      %swap3A_86 = vector.load %arg3[%swap3A_84, %swap3A_85] : memref<64x1024xi32, #tpu.memory_space<vmem>>, vector<64x1024xi32>
      tpu.vector_store %arg3[%swap3A_84, %swap3A_85], %select_n3A_83 {strides = array<i32>} : memref<64x1024xi32, #tpu.memory_space<vmem>>, vector<64x1024xi32>,
    }
    %scan3A_13 = arith.constant 50 : i32
    %get3A_14 = arith.constant 0 : index
    %get3A_15 = arith.constant 0 : index
    %get3A_16 = vector.load %arg3[%get3A_14, %get3A_15] : memref<64x1024xi32, #tpu.memory_space<vmem>>, vector<64x1024xi32>
    %transpose3A = tpu.transpose %get3A_16, [1, 0] : vector<64x1024xi32> -> vector<1024x64xi32>
    %slice3A = vector.extract_strided_slice %transpose3A {offsets = [0, 0], sizes = [512, 64], strides = [1, 1]} : vector<1024x64xi32> to vector<512x64xi32>
    %slice3A_17 = vector.extract_strided_slice %transpose3A {offsets = [512, 0], sizes = [512, 64], strides = [1, 1]} : vector<1024x64xi32> to vector<512x64xi32>
    %concatenate3A = tpu.concatenate %slice3A, %slice3A_17 in 1 : vector<512x64xi32>, vector<512x64xi32> -> vector<512x128xi32>
    %swap3A_18 = arith.constant 0 : index
    %swap3A_19 = arith.constant 0 : index
    %swap3A_20 = vector.load %arg1[%swap3A_18, %swap3A_19] : memref<512x128xi32, #tpu.memory_space<vmem>>, vector<512x128xi32>
    tpu.vector_store %arg1[%swap3A_18, %swap3A_19], %concatenate3A {strides = array<i32>} : memref<512x128xi32, #tpu.memory_space<vmem>>, vector<512x128xi32>,
    return
  }
}

</mosaic_0001>

<sc_bundles>
// kernel: kernel.4.cloned.1.call-start
scs
__scs_entry_jumppad:
0x0: {  	(pc) =	sbr.rel $0x88, $3  }
0x1: {  	(tag) =	ssettag $0x0;
	lr =	simm.s32 $0x1  }
0x2: {  	[smem:$0x3F9F] =	sst lr;
	_ =	strace $0xD0000000  }
0x3: {  	_ = 	snop  }
0x4: {  	_ = 	snop  }
0x5: {  	_ = 	snop  }
0x6: {  	_ = 	snop  }
0x7: {  	_ = 	snop  }
__scs_overlays_trampoline_lowered:
0x8: {  	[smem:$0x3FAE] =	sst s0  }
0x9: {  	[smem:$0x3FAF] =	sst s1  }
0xa: {  	[smem:$0x3FB0] =	sst s2  }
0xb: {  	[smem:$0x3FB1] =	sst s3  }
0xc: {  	[smem:$0x3FB2] =	sst s4  }
0xd: {  	[smem:$0x3FB3] =	sst s5  }
0xe: {  	[smem:$0x3FB4] =	sst s6  }
0xf: {  	[smem:$0x3FB5] =	sst s7  }
0x10: {  	[smem:$0x3FB6] =	sst s8  }
0x11: {  	[smem:$0x3FB7] =	sst s9;
	s0 =	simm.s32 @!p0 $0x0  }
0x12: {  	s1 =	sld [smem:$0x3F9D];
	s0 =	simm.s32 @p0 $0x1  }
0x13: {  	[smem:$0x3FB8] =	sst s0;
	s0 =	simm.s32 @!p1 $0x0  }
0x14: {  	s2 =	sld [smem:$0x3F9C];
	s0 =	simm.s32 @p1 $0x1  }
0x15: {  	[smem:$0x3FB9] =	sst s0;
	s0 =	simm.s32 @!p2 $0x0  }
0x16: {  	s3 =	sld [smem:$0x3FDB];
	s0 =	simm.s32 @p2 $0x1  }
0x17: {  	s4 =	simm.s32 $0x1BF5;
	[smem:$0x3FBB] =	sst s0  }
0x18: {  	s0 =	sld [smem:$0x3F9E];
	_ =	swait.ge [sflag:s4], $0x0  }
0x19: {  	s7 =	sld [smem:$0x3F9F]  }
0x1a: {  	s8 =	sadd.s32 $0xFFFFE003, lr  }
0x1b: {  	s9 =	sadd.s32 $0xFFFFFEF7, lr;
	s5 =	simm.s32 $0xFFFFFFFF;
	p2 =	slt.u32 s8, $0xFFFFF086  }
0x1c: {  	p1 =	slt.u32 s9, $0xF7A;
	s5 =	simm.s32 @!p2 $0x0  }
0x1d: {  	s5 =	simm.s32 @p1 $0x1;
	p0 =	seq.s32 s7, s2  }
0x1e: {  	s7 =	smul.u32 @!p0 $0xF7A, s2;
	p2 =	seq.s32 @!p0 s5, $0x0  }
0x1f: {  	s9 =	smul.u32 $0xF7A, s1;
	s8 =	simm.s32 @!p0 $0x1BF5;
	p2 =	por !p2, p0  }
0x20: {  	[sflag:s8] =	ssyncset.s32 @!p0 $0xFFFFF086;
	s6 =	sadd.s32 @!p0 s3, s7;
	s7 =	simm.s32 @!p0 $0x108  }
0x21: {  	s3 =	sadd.s32 s3, s9;
	s6 =	sadd.s32 @!p0 $0x88, s6;
	s7 =	simm.s32 @p2 $0x1082  }
0x22: {  	[simem:s7], [sflag:s8] =	dma.local @!p0 [hbm:s6], $0xF7A  }
0x23: {  	s9 =	sor.u32 $0xD0000000, s2;
	s6 =	simm.s32 $0x108;
	_ =	swait.ge @!p0 [sflag:s8], $0x0  }
0x24: {  	s3 =	sadd.s32 $0x88, s3;
	s6 =	simm.s32 @!p1 $0x1082;
	[sflag:s4] =	ssyncset.s32 $0xFFFFF086  }
0x25: {  	[simem:s6], [sflag:s4] =	dma.local [hbm:s3], $0xF7A  }
0x26: {  	[smem:$0x3F9F] =	sst s1;
	(tag) =	ssettag s2;
	_ =	strace s9  }
0x27: {  	s1 =	sld [smem:$0x3FAF]  }
0x28: {  	s2 =	sld [smem:$0x3FB0]  }
0x29: {  	s4 =	sld [smem:$0x3FB2]  }
0x2a: {  	p0 =	seq.s32 s5, $0x0;
	s5 =	sld [smem:$0x3FB3]  }
0x2b: {  	s6 =	sld [smem:$0x3FB4]  }
0x2c: {  	s7 =	sld [smem:$0x3FB5]  }
0x2d: {  	s3 =	simm.s32 $0x108;
	s8 =	sld [smem:$0x3FB6]  }
0x2e: {  	s3 =	simm.s32 @!p0 $0x1082;
	s9 =	sld [smem:$0x3FB7]  }
0x2f: {  	lr =	sadd.s32 s0, s3;
	s0 =	sld [smem:$0x3FAE]  }
0x30: {  	s3 =	sld [smem:$0x3FB1]  }
0x31: {  	[smem:$0x3FBA] =	sst s10  }
0x32: {  	s10 =	sld [smem:$0x3FB8];
	_ =	sdelay $0x3  }
0x33: {  	p0 =	seq.s32 s10, $0x1;
	s10 =	sld [smem:$0x3FBA];
	_ =	sdelay $0x3  }
0x34: {  	[smem:$0x3FBA] =	sst s10  }
0x35: {  	s10 =	sld [smem:$0x3FB9];
	_ =	sdelay $0x3  }
0x36: {  	p1 =	seq.s32 s10, $0x1;
	s10 =	sld [smem:$0x3FBA];
	_ =	sdelay $0x3  }
0x37: {  	[smem:$0x3FBA] =	sst s10  }
0x38: {  	s10 =	sld [smem:$0x3FBB]  }
0x39: {  	_ = 	snop;
	(pc) =	sbr.ind lr, $3  }
0x3a: {  	_ = 	snop  }
0x3b: {  	_ = 	snop  }
0x3c: {  	p2 =	seq.s32 s10, $0x1;
	s10 =	sld [smem:$0x3FBA]  }
0x3d: {  	_ =	shalt  }
0x3e: {  	_ =	shalt  }
0x3f: {  	_ =	shalt  }
0x40: {  	_ =	shalt  }
0x41: {  	_ =	shalt  }
0x42: {  	_ =	shalt  }
0x43: {  	_ =	shalt  }
0x44: {  	_ =	shalt  }
0x45: {  	_ =	shalt  }
0x46: {  	_ =	shalt  }
0x47: {  	_ =	shalt  }
0x48: {  	_ =	shalt  }
0x49: {  	_ =	shalt  }
0x4a: {  	_ =	shalt  }
0x4b: {  	_ =	shalt  }
0x4c: {  	_ =	shalt  }
0x4d: {  	_ =	shalt  }
0x4e: {  	_ =	shalt  }
0x4f: {  	_ =	shalt  }
0x50: {  	_ =	shalt  }
0x51: {  	_ =	shalt  }
0x52: {  	_ =	shalt  }
0x53: {  	_ =	shalt  }
0x54: {  	_ =	shalt  }
0x55: {  	_ =	shalt  }
0x56: {  	_ =	shalt  }
0x57: {  	_ =	shalt  }
0x58: {  	_ =	shalt  }
0x59: {  	_ =	shalt  }
0x5a: {  	_ =	shalt  }
0x5b: {  	_ =	shalt  }
0x5c: {  	_ =	shalt  }
0x5d: {  	_ =	shalt  }
0x5e: {  	_ =	shalt  }
0x5f: {  	_ =	shalt  }
0x60: {  	_ =	shalt  }
0x61: {  	_ =	shalt  }
0x62: {  	_ =	shalt  }
0x63: {  	_ =	shalt  }
0x64: {  	_ =	shalt  }
0x65: {  	_ =	shalt  }
0x66: {  	_ =	shalt  }
0x67: {  	_ =	shalt  }
0x68: {  	_ =	shalt  }
0x69: {  	_ =	shalt  }
0x6a: {  	_ =	shalt  }
0x6b: {  	_ =	shalt  }
0x6c: {  	_ =	shalt  }
0x6d: {  	_ =	shalt  }
0x6e: {  	_ =	shalt  }
0x6f: {  	_ =	shalt  }
0x70: {  	_ =	shalt  }
0x71: {  	_ =	shalt  }
0x72: {  	_ =	shalt  }
0x73: {  	_ =	shalt  }
0x74: {  	_ =	shalt  }
0x75: {  	_ =	shalt  }
0x76: {  	_ =	shalt  }
0x77: {  	_ =	shalt  }
0x78: {  	_ =	shalt  }
0x79: {  	_ =	shalt  }
0x7a: {  	_ =	shalt  }
0x7b: {  	_ =	shalt  }
0x7c: {  	_ =	shalt  }
0x7d: {  	_ =	shalt  }
0x7e: {  	_ =	shalt  }
0x7f: {  	_ =	shalt  }
0x80: {  	_ =	shalt  }
0x81: {  	_ =	shalt  }
0x82: {  	_ =	shalt  }
0x83: {  	_ =	shalt  }
0x84: {  	_ =	shalt  }
0x85: {  	_ =	shalt  }
0x86: {  	_ =	shalt  }
0x87: {  	_ =	shalt  }
.Lfunc_end0:
.L_simem_size_0:
called_computation_lowered:
.L_overlay_start_0:
0x88: {  	s2 =	sld [smem:$0x3FD9]  }
0x89: {  	s3 =	sld [smem:$0x3FFE];
	_ =	sdelay $0x1  }
0x8a: {  	s1 =	srdreg.scid  }
0x8b: {  	s0 =	sand.u32 $0x1, s1  }
0x8c: {  	s17 =	sshll.u32 s0, $0xA;
	s2 =	sadd.s32 s3, s2  }
0x8d: {  	s2 =	sadd.s32 s2, s17  }
0x8e: {  	[smem:$0x3FC6] =	sst s2  }
0x8f: {  	_ = 	snop  }
0x90: {  	s2 =	sld [smem:$0x3FD0];
	(tm) =	ssettm $0x1  }
0x91: {  	s18 =	sld [smem:$0x3FFB];
	_ =	sdelay $0x3  }
0x92: {  	_ =	strace s18  }
0x93: {  	s3 =	sld [smem:$0x3FFC];
	_ =	sdelay $0x3  }
0x94: {  	_ =	strace s3  }
0x95: {  	s3 =	sld [smem:$0x3FFD];
	_ =	sdelay $0x3  }
0x96: {  	_ =	strace s3  }
0x97: {  	_ =	strace $0x8FFFFFFF  }
0x98: {  	s19 =	sld [smem:$0x3FDB];
	_ =	sdelay $0x1  }
0x99: {  	s4 =	simm.s32 $_scs_section_size  }
0x9a: {  	s5 =	simm.s32 $_size__tile_overlayer_lowered;
	s6 =	simm.s32 $_tile_overlayer_lowered  }
0x9b: {  	s22 =	simm.s32 $0x1BFF;
	s21 =	sshll.u32 s6, $0x1;
	s3 =	sadd.s32 s4, s19  }
0x9c: {  	s7 =	simm.s32 $0x0;
	s20 =	sshll.u32 s5, $0x1;
	s5 =	sadd.s32 s21, s3  }
0x9d: {  	[timem:s7], [sflag:s22] =	dma.local [hbm:s5], s20  }
0x9e: {  	_ =	swait.ge [sflag:s22], s20  }
0x9f: {  	s4 =	ssub.s32 $0x0, s20;
	[sflag:s22] =	ssyncset.done $0x0  }
0xa0: {  	[sflag:s22] =	ssyncadd.s32 s4;
	_ =	sdelay $0x1  }
0xa1: {  	s23 =	simm.s32 $0x1B8B  }
0xa2: {  	_ =	swait.ge [sflag:s23], $0x1  }
0xa3: {  	[sflag:s23] =	ssyncset.done $0x0  }
0xa4: {  	s25 =	simm.s32 $0x1B8E;
	s24 =	sld [smem:$0x3FFE];
	[sflag:s23] =	ssyncadd.s32 $0xFFFFFFFF  }
0xa5: {  	s26 =	simm.s32 $execute0_lowered;
	[smem:$0x3FD2] =	sst s25  }
0xa6: {  	s5 =	sshll.u32 s26, $0x1;
	_ =	strace $0x80000046;
	[dreg:$0x1] =	wrdreg $0xFFFFFFFF  }
0xa7: {  	s28 =	simm.s32 $_size_execute0_lowered;
	s3 =	sadd.s32 s3, s5;
	[dreg:$0x0] =	wrdreg $0x0  }
0xa8: {  	s5 =	sshll.u32 s28, $0x1;
	[dreg:$0x2] =	wrdreg s3  }
0xa9: {  	[dreg:$0x3] =	wrdreg s5  }
0xaa: {  	[dreg:$0x4] =	wrdreg $0xC0  }
0xab: {  	_ =	task [dreg:s7], $0x5FFFF  }
0xac: {  	[dreg:$0x1] =	wrdreg $0xFFFFFFFF  }
0xad: {  	[dreg:$0x0] =	wrdreg $0x60  }
0xae: {  	[dreg:$0x2] =	wrdreg s24  }
0xaf: {  	[dreg:$0x3] =	wrdreg s2  }
0xb0: {  	[dreg:$0x4] =	wrdreg $0x9  }
0xb1: {  	_ =	task.clear_ibuf [dreg:s7], $0x5FFFF;
	_ =	strace $0x90000046  }
0xb2: {  	s29 =	simm.s32 $0x9;
	_ =	strace $0x80000048  }
0xb3: {  	_ =	swait.ge [sflag:s29], $0x1  }
0xb4: {  	[sflag:s29] =	ssyncadd.s32 $0xFFFFFFFF  }
0xb5: {  	_ =	strace $0x90000048  }
0xb6: {  	_ =	sfence  }
0xb7: {  	s30 =	sld [smem:$0x0];
	_ =	sdelay $0x2  }
0xb8: {  	s31 =	sshll.u32 s1, $0xD;
	s1 =	sshrl.u32 s1, $0x2  }
0xb9: {  	s3 =	sand.u32 $0x4000, s31;
	s1 =	sadd.s32 s1, s30  }
0xba: {  	s0 =	sor.u32 s3, s0;
	s1 =	sshll.u32 s1, $0x11  }
0xbb: {  	s0 =	sor.u32 s1, s0  }
0xbc: {  	s0 =	sadd.s32 $0x8F2B, s0  }
0xbd: {  	[sflag:s0] =	ssyncadd.remote.s32 $0x1  }
0xbe: {  	_ =	sfence.sel $0xFFFF  }
0xbf: {  	[dreg:$0x0] =	wrdreg $0xFFFFFFFF;
	(pc) =	sbr.abs _section_cstart, $3  }
0xc0: {  	[dreg:$0x1] =	wrdreg $0xFFFFFFFF  }
0xc1: {  	_ =	task.clear_ibuf [dreg:s7], $0x2FFFF;
	_ =	strace $0x9FFFFFFF  }
0xc2: {  	(tm) =	ssettm $0x7FFFFFFF  }
0xc3: {  	_ =	shalt  }
tec
execute0_lowered:
.L_overlay_start_1:
0x0: {  	(tag) =	ssettag $0x1  }
0x1: {  	s0 =	rddreg [dreg:$0x0]  }
0x2: {  	s1 =	rddreg [dreg:$0x1];
	s2 =	srdreg.scid  }
0x3: {  	s3 =	stileid.u32;
	s7 =	simm.s32 $0x0;
	s2 =	sand.u32 $0x1, s2  }
0x4: {  	s3 =	sshll.u32 s3, $0x1;
	[smem:$0x7FF] =	sst s7;
	s5 =	sadd.s32 $0xF42C00, s0  }
0x5: {  	s3 =	sor.u32 s2, s3;
	_ =	strace $0x80000047;
	[dreg:$0x4] =	wrdreg s5  }
0x6: {  	s2 =	ssub.s32 $0x2, s2;
	s4 =	smul.u32 $0x6400, s3;
	s28 =	sshll.u32 s3, $0x8  }
0x7: {  	s6 =	sshrl.u32 s2, $0x1;
	s3 =	smul.u32 $0xC80, s3;
	s0 =	sadd.s32 s28, s0  }
.Ltmp0:
0x8: {  	s2 =	ssub.s32 s2, s6;
	s0 =	sadd.s32 $0x800, s0;
	(pc) =	sbr.rel .LBB2_1-.Ltmp0, $4  }
0x9: {  	s4 =	sshrl.u32 s4, $0x3;
	s29 =	sadd.s32 s1, s3;
	[dreg:$0x5] =	wrdreg s0  }
0xa: {  	s31 =	smax.u32 s2, $0x1;
	s4 =	sadd.s32 s1, s4;
	[dreg:$0x6] =	wrdreg s29  }
0xb: {  	[dreg:$0x8] =	wrdreg s31;
	s30 =	sadd.s32 $0x19000, s4  }
0xc: {  	v0 =	vimm.f32 $0.0e+00;
	v1 =	vimm.s32 $0x0;
	s2 =	simm.s32 $0x0;
	[dreg:$0x7] =	wrdreg s30  }
.LBB2_9:
0xd: {  	s7 =	simm.s32 $0x0;
	s0 =	rddreg [dreg:$0x6];
	s1 =	simm.s32 $0x3E00  }
0xe: {  	[hbm4b:s0+s7] =	stream.linear.scatter [tilespmem:s1], [sflag:$0x2], $0x6400, $0x38;
	[tilespmem:$0x10600] =	vst v63  }
0xf: {  	s28 =	rddreg [dreg:$0x7];
	s29 =	simm.s32 $0xA200;
	s30 =	simm.s32 $0x2  }
0x10: {  	[hbm4b:s28+s7] =	stream.linear.scatter [tilespmem:s29], [sflag:$0x2], $0x6400, $0x38;
	[tilespmem:$0x10600] =	vst v63  }
0x11: {  	_ =	swait.ge [sflag:s30], $0x6400  }
0x12: {  	[sflag:s30] =	ssyncset.done $0x0  }
0x13: {  	[sflag:s30] =	ssyncadd.s32 $0xFFFF9C00  }
0x14: {  	_ =	swait.ge [sflag:s30], $0x6400  }
0x15: {  	s2 =	rddreg [dreg:$0x9]  }
0x16: {  	s31 =	rddreg [dreg:$0x8];
	s2 =	sadd.s32 $0x1, s2  }
0x17: {  	p0 =	sne.s32 s2, s31  }
.Ltmp1:
0x18: {  	_ = 	snop;
	(pc) =	sbr.rel @!p0 .LBB2_10-.Ltmp1, $3  }
0x19: {  	_ =	sdelay $0x1  }
0x1a: {  	[sflag:s30] =	ssyncset.done $0x0  }
0x1b: {  	[sflag:s30] =	ssyncadd.s32 $0xFFFF9C00  }
.LBB2_1:
0x1c: {  	s0 =	rddreg [dreg:$0x5];
	s31 =	simm.s32 $0x3  }
0x1d: {  	[tilespmem:s7], [sflag:$0x3] =	stream.linear.gather [hbm4b:s0+s7], $0x800, $0x38;
	[tilespmem:$0x10600] =	vst v63  }
0x1e: {  	_ =	swait.ge [sflag:s31], $0x800  }
0x1f: {  	[sflag:s31] =	ssyncset.done $0x0  }
0x20: {  	s0 =	simm.s32 $0x0;
	[sflag:s31] =	ssyncadd.s32 $0xFFFFF800  }
.LBB2_2:
0x21: {  	p0 =	sne.s32 s0, $0xC7F0  }
.Ltmp2:
0x22: {  	_ = 	snop;
	(pc) =	sbr.rel @p0 .LBB2_2-.Ltmp2, $3  }
0x23: {  	_ =	sdelay $0x1  }
0x24: {  	s1 =	sand.u32 $0xFFF0, s0  }
0x25: {  	s0 =	sadd.s32 $0x10, s0;
	[tilespmem:s1+$0x3E00] =	vst v0  }
0x26: {  	[dreg:$0x9] =	wrdreg s2  }
0x27: {  	s16 =	simm.s32 $0x0;
	s0 =	simm.s32 $0x0;
	s17 =	simm.s32 $0x0  }
.LBB2_4:
0x28: {  	s1 =	sand.u32 $0x7, s17;
	s2 =	sshll.u32 s17, $0x4  }
0x29: {  	s2 =	sand.u32 $0x3FFFFF80, s2;
	s3 =	sshll.u32 s1, $0x4  }
0x2a: {  	s2 =	sor.u32 s3, s2  }
0x2b: {  	v2 =	vld [tilespmem:s2+$0x0];
	_ =	sdelay $0x4  }
0x2c: {  	(v2sf) =	vpush v2, $0x0  }
0x2d: {  	(v2sf) =	vpush v2, $0x1  }
0x2e: {  	(v2sf) =	vpush v2, $0x2  }
0x2f: {  	(v2sf) =	vpush v2, $0x3;
	_ =	sdelay $0x1  }
0x30: {  	(v2sf) =	vpush v2, $0x4;
	_ =	sdelay $0x2  }
0x31: {  	(v2sf) =	vpush v2, $0x5;
	_ =	sdelay $0x1  }
0x32: {  	(v2sf) =	vpush v2, $0x6;
	_ =	sdelay $0x1  }
0x33: {  	s6 =	sshrl.u32 s17, $0x3;
	(v2sf) =	vpush v2, $0x7  }
0x34: {  	s1 =	sshrl.u32 s1, $0x2;
	s6 =	smul.u32 $0x32, s6  }
0x35: {  	s11 =	sand.u32 $0x30, s16;
	s1 =	smul.u32 $0x320, s1  }
0x36: {  	s17 =	sadd.s32 $0x1, s17;
	s6 =	sadd.s32 s6, s11;
	(v2sf) =	vpush v2, $0x8;
	s2 =	spop (v2sf)  }
0x37: {  	s18 =	sadd.s32 s1, s6;
	s3 =	spop (v2sf);
	p5 =	slt.s32 s2, $0x0  }
0x38: {  	(v2sf) =	vpush v2, $0x9;
	s25 =	sxor.u32 $0xFFFFFFFF, s2;
	s5 =	spop (v2sf);
	s1 =	sshll.u32 @!p5 s2, $0x10  }
0x39: {  	(v2sf) =	vpush v2, $0xA;
	s15 =	sshrl.u32 @!p5 s2, $0x2;
	p0 =	slt.s32 s3, $0x0;
	s9 =	spop (v2sf)  }
0x3a: {  	(v2sf) =	vpush v2, $0xB;
	s1 =	sand.u32 @!p5 $0x30000, s1;
	s2 =	sshll.u32 @!p0 s3, $0x10;
	s20 =	sshrl.u32 @!p0 s3, $0x2  }
0x3b: {  	s3 =	sxor.u32 $0xFFFFFFFF, s3;
	p2 =	slt.s32 s5, $0x0;
	s10 =	spop (v2sf)  }
0x3c: {  	s19 =	sor.u32 @!p5 s18, s1;
	s1 =	sshrl.u32 s25, $0x1F;
	s11 =	sand.u32 @!p0 $0x30000, s2  }
0x3d: {  	s3 =	sshrl.u32 s3, $0x1F;
	s22 =	sshrl.u32 @!p2 s5, $0x2;
	p6 =	slt.s32 s9, $0x0  }
0x3e: {  	s4 =	spop (v2sf);
	s12 =	sadd.s32 s1, s0;
	s11 =	sor.u32 @!p0 s11, s18  }
0x3f: {  	s24 =	sshrl.u32 @!p6 s9, $0x2;
	p3 =	slt.s32 s10, $0x0;
	s29 =	sxor.u32 $0xFFFFFFFF, s10  }
0x40: {  	s8 =	spop (v2sf);
	s21 =	sor.u32 @!p0 $0x1, s11;
	s11 =	sshll.u32 @!p2 s5, $0x10  }
0x41: {  	s13 =	sadd.s32 s3, s12;
	s5 =	sxor.u32 $0xFFFFFFFF, s5;
	p1 =	slt.s32 s4, $0x0  }
0x42: {  	s30 =	sxor.u32 $0xFFFFFFFF, s4;
	s7 =	spop (v2sf);
	s3 =	sand.u32 @!p2 $0x30000, s11  }
0x43: {  	s11 =	sadd.s32 @!p2 $0x2, s18;
	s26 =	sshrl.u32 s5, $0x1F;
	s5 =	sshll.u32 @!p6 s9, $0x10  }
0x44: {  	s9 =	sxor.u32 $0xFFFFFFFF, s9;
	s31 =	sshrl.u32 s30, $0x1F;
	p4 =	slt.s32 s8, $0x0  }
0x45: {  	s6 =	spop (v2sf);
	s23 =	sor.u32 @!p2 s11, s3;
	s11 =	sadd.s32 s26, s13  }
0x46: {  	s3 =	sand.u32 @!p6 $0x30000, s5;
	s5 =	sadd.s32 @!p6 $0x3, s18;
	s28 =	sshrl.u32 s9, $0x1F  }
0x47: {  	(v2sf) =	vpush v2, $0xC;
	s2 =	spop (v2sf);
	s25 =	sor.u32 @!p6 s5, s3;
	s5 =	sshll.u32 @!p3 s10, $0x10  }
0x48: {  	(v2sf) =	vpush v2, $0xD;
	v3 =	vmov @!p5 s15;
	s1 =	spop (v2sf);
	s3 =	sand.u32 @!p3 $0x30000, s5;
	s5 =	sadd.s32 @!p3 $0x4, s18  }
0x49: {  	[tilespmem:s0+$0x800] =	vst @!p5 v3;
	v4 =	vmov @!p5 s19;
	s9 =	sadd.s32 s28, s11;
	s28 =	sor.u32 @!p3 s5, s3;
	s5 =	spop (v2sf);
	(v2sf) =	vpush v2, $0xE  }
0x4a: {  	v3 =	vmov @!p0 s20;
	[tilespmem:s0+$0xF00] =	vst @!p5 v4;
	s15 =	sshrl.u32 @!p1 s4, $0x2;
	s20 =	sxor.u32 $0xFFFFFFFF, s8;
	s26 =	sshrl.u32 @!p3 s10, $0x2  }
0x4b: {  	v4 =	vmov @!p0 s21;
	[tilespmem:s12+$0x800] =	vst @!p0 v3;
	s30 =	sshrl.u32 @!p4 s8, $0x2;
	p5 =	slt.s32 s7, $0x0;
	s0 =	sshrl.u32 s20, $0x1F  }
0x4c: {  	v3 =	vmov @!p2 s22;
	[tilespmem:s12+$0xF00] =	vst @!p0 v4;
	s10 =	sshll.u32 @!p1 s4, $0x10;
	s4 =	sshll.u32 @!p4 s8, $0x10;
	s8 =	sadd.s32 @!p4 $0x6, s18  }
0x4d: {  	s20 =	sshrl.u32 @!p5 s7, $0x2;
	[tilespmem:s13+$0x800] =	vst @!p2 v3;
	v3 =	vmov @!p2 s23;
	p0 =	slt.s32 s6, $0x0;
	s10 =	sand.u32 @!p1 $0x30000, s10  }
0x4e: {  	s19 =	sand.u32 @!p4 $0x30000, s4;
	[tilespmem:s13+$0xF00] =	vst @!p2 v3;
	s21 =	sshrl.u32 @!p0 s6, $0x2;
	p2 =	slt.s32 s2, $0x0  }
0x4f: {  	s3 =	sshrl.u32 s29, $0x1F;
	s29 =	sadd.s32 @!p1 $0x5, s18;
	s8 =	sor.u32 @!p4 s8, s19  }
0x50: {  	v3 =	vmov @!p6 s24;
	s19 =	sshll.u32 @!p5 s7, $0x10;
	s7 =	sxor.u32 $0xFFFFFFFF, s7;
	s14 =	sadd.s32 s3, s9  }
0x51: {  	[tilespmem:s11+$0x800] =	vst @!p6 v3;
	v3 =	vmov @!p6 s25;
	s29 =	sor.u32 @!p1 s29, s10;
	s24 =	sshrl.u32 s7, $0x1F;
	s7 =	sshll.u32 @!p0 s6, $0x10  }
0x52: {  	[tilespmem:s11+$0xF00] =	vst @!p6 v3;
	v3 =	vmov @!p3 s26;
	s6 =	sxor.u32 $0xFFFFFFFF, s6;
	v4 =	vmov @!p3 s28;
	s11 =	sshrl.u32 @!p2 s2, $0x2;
	s28 =	sxor.u32 $0xFFFFFFFF, s1  }
0x53: {  	s10 =	sadd.s32 s31, s14;
	[tilespmem:s9+$0x800] =	vst @!p3 v3;
	s26 =	sshrl.u32 s6, $0x1F;
	s6 =	sshll.u32 @!p2 s2, $0x10  }
0x54: {  	[tilespmem:s9+$0xF00] =	vst @!p3 v4;
	v3 =	vmov @!p1 s15;
	s15 =	sadd.s32 @!p2 $0x9, s18;
	p3 =	slt.s32 s1, $0x0;
	s2 =	sxor.u32 $0xFFFFFFFF, s2  }
0x55: {  	s12 =	sadd.s32 s0, s10;
	s0 =	sand.u32 @!p5 $0x30000, s19;
	s19 =	sadd.s32 @!p5 $0x7, s18  }
0x56: {  	s6 =	sand.u32 @!p2 $0x30000, s6;
	s13 =	sor.u32 @!p5 s19, s0;
	s3 =	spop (v2sf)  }
0x57: {  	[tilespmem:s14+$0x800] =	vst @!p1 v3;
	v3 =	vmov @!p1 s29;
	s0 =	sand.u32 @!p0 $0x30000, s7;
	s7 =	sadd.s32 @!p0 $0x8, s18;
	s4 =	spop (v2sf)  }
0x58: {  	s2 =	sshrl.u32 s2, $0x1F;
	[tilespmem:s14+$0xF00] =	vst @!p1 v3;
	s7 =	sor.u32 @!p0 s7, s0;
	s0 =	spop (v2sf);
	(v2sf) =	vpush v2, $0xF;
	v2 =	vmov @!p4 s30  }
0x59: {  	s19 =	sadd.s32 s24, s12;
	s6 =	sor.u32 @!p2 s15, s6;
	s14 =	sshll.u32 @!p3 s1, $0x10;
	[tilespmem:s10+$0x800] =	vst @!p4 v2;
	v2 =	vmov @!p4 s8  }
0x5a: {  	s1 =	sshrl.u32 @!p3 s1, $0x2;
	s9 =	sadd.s32 s26, s19;
	p1 =	slt.s32 s5, $0x0;
	[tilespmem:s10+$0xF00] =	vst @!p4 v2;
	v2 =	vmov @!p5 s20  }
0x5b: {  	v3 =	vmov @!p5 s13;
	s2 =	sadd.s32 s2, s9;
	s8 =	sand.u32 @!p3 $0x30000, s14;
	s14 =	sadd.s32 @!p3 $0xA, s18;
	[tilespmem:s12+$0x800] =	vst @!p5 v2  }
0x5c: {  	s13 =	sshll.u32 @!p1 s5, $0x10;
	s29 =	sxor.u32 $0xFFFFFFFF, s3;
	s8 =	sor.u32 @!p3 s14, s8;
	[tilespmem:s12+$0xF00] =	vst @!p5 v3;
	v2 =	vmov @!p0 s21  }
0x5d: {  	s10 =	sshrl.u32 s28, $0x1F;
	p4 =	slt.s32 s3, $0x0;
	s12 =	sshrl.u32 @!p1 s5, $0x2;
	[tilespmem:s19+$0x800] =	vst @!p0 v2;
	v2 =	vmov @!p0 s7  }
0x5e: {  	s5 =	sxor.u32 $0xFFFFFFFF, s5;
	s7 =	sand.u32 @!p1 $0x30000, s13;
	s13 =	sadd.s32 @!p1 $0xB, s18;
	[tilespmem:s19+$0xF00] =	vst @!p0 v2;
	v2 =	vmov @!p2 s11  }
0x5f: {  	s10 =	sadd.s32 s10, s2;
	s5 =	sshrl.u32 s5, $0x1F;
	s7 =	sor.u32 @!p1 s13, s7;
	[tilespmem:s9+$0x800] =	vst @!p2 v2;
	v2 =	vmov @!p2 s6  }
0x60: {  	s11 =	sshll.u32 @!p4 s3, $0x10;
	s3 =	sshrl.u32 @!p4 s3, $0x2;
	p0 =	slt.s32 s4, $0x0;
	[tilespmem:s9+$0xF00] =	vst @!p2 v2;
	v2 =	vmov @!p3 s1  }
0x61: {  	v3 =	vmov @!p3 s8;
	s6 =	sand.u32 @!p4 $0x30000, s11;
	s11 =	sadd.s32 @!p4 $0xC, s18;
	s8 =	sshll.u32 @!p0 s4, $0x10;
	[tilespmem:s2+$0x800] =	vst @!p3 v2  }
0x62: {  	s1 =	sadd.s32 s5, s10;
	s5 =	sor.u32 @!p4 s11, s6;
	s6 =	sshrl.u32 s29, $0x1F;
	[tilespmem:s2+$0xF00] =	vst @!p3 v3;
	v2 =	vmov @!p1 s12  }
0x63: {  	s2 =	sadd.s32 s6, s1;
	s6 =	sshrl.u32 @!p0 s4, $0x2;
	s4 =	sxor.u32 $0xFFFFFFFF, s4;
	[tilespmem:s10+$0x800] =	vst @!p1 v2;
	v2 =	vmov @!p1 s7  }
0x64: {  	s7 =	sand.u32 @!p0 $0x30000, s8;
	s8 =	sadd.s32 @!p0 $0xD, s18;
	s4 =	sshrl.u32 s4, $0x1F;
	[tilespmem:s10+$0xF00] =	vst @!p1 v2;
	v2 =	vmov @!p4 s3  }
0x65: {  	s3 =	sor.u32 @!p0 s8, s7;
	p1 =	slt.s32 s0, $0x0;
	s4 =	sadd.s32 s4, s2;
	[tilespmem:s1+$0x800] =	vst @!p4 v2;
	v2 =	vmov @!p4 s5  }
0x66: {  	s5 =	sshrl.u32 @!p1 s0, $0x2;
	s7 =	sshll.u32 @!p1 s0, $0x10;
	s0 =	sxor.u32 $0xFFFFFFFF, s0;
	[tilespmem:s1+$0xF00] =	vst @!p4 v2;
	v2 =	vmov @!p0 s6  }
0x67: {  	s1 =	sand.u32 @!p1 $0x30000, s7;
	s0 =	sshrl.u32 s0, $0x1F;
	[tilespmem:s2+$0x800] =	vst @!p0 v2;
	v2 =	vmov @!p0 s3;
	s6 =	spop (v2sf)  }
0x68: {  	s3 =	sadd.s32 @!p1 $0xE, s18;
	[tilespmem:s2+$0xF00] =	vst @!p0 v2;
	p0 =	sne.s32 s17, $0x80;
	p2 =	slt.s32 s6, $0x0  }
.Ltmp3:
0x69: {  	v2 =	vmov @!p1 s5;
	s1 =	sor.u32 @!p1 s3, s1;
	s2 =	sshll.u32 @!p2 s6, $0x10;
	(pc) =	sbr.rel @p0 .LBB2_4-.Ltmp3, $4  }
0x6a: {  	[tilespmem:s4+$0x800] =	vst @!p1 v2;
	v2 =	vmov @!p1 s1;
	s1 =	sshrl.u32 @!p2 s6, $0x2;
	s3 =	sadd.s32 @!p2 $0xF, s18;
	s2 =	sand.u32 @!p2 $0x30000, s2  }
0x6b: {  	s0 =	sadd.s32 s0, s4;
	[tilespmem:s4+$0xF00] =	vst @!p1 v2;
	s30 =	sxor.u32 $0xFFFFFFFF, s6;
	v2 =	vmov @!p2 s1;
	s1 =	sor.u32 @!p2 s3, s2  }
0x6c: {  	s31 =	sshrl.u32 s30, $0x1F;
	[tilespmem:s0+$0x800] =	vst @!p2 v2;
	v2 =	vmov @!p2 s1  }
0x6d: {  	s16 =	sadd.s32 $0x10, s16;
	[tilespmem:s0+$0xF00] =	vst @!p2 v2;
	s0 =	sadd.s32 s31, s0  }
0x6e: {  	s1 =	sadd.s32 $0x4F, s0  }
0x6f: {  	s2 =	smulhi.u32 $0x66666667, s1;
	s3 =	sshra.s32 s1, $0x1F  }
0x70: {  	s3 =	smul.u32 $0x66666667, s3  }
0x71: {  	v2 =	vld [tilespmem:$0x800]  }
0x72: {  	v3 =	vld [tilespmem:$0xF00];
	s2 =	sadd.s32 s3, s2  }
0x73: {  	s3 =	sshrl.u32 s2, $0x1F;
	s2 =	sshra.s32 s2, $0x5  }
0x74: {  	s2 =	sadd.s32 s3, s2  }
0x75: {  	s3 =	smul.u32 $0xFFFFFFB0, s2  }
0x76: {  	s4 =	ssub.s32 $0xFFFFFFB1, s0;
	v2 =	vperm.xlane v2, v1  }
0x77: {  	p0 =	slt.s32 s1, $0x1;
	v3 =	vperm.xlane v3, v1;
	p1 =	sne.s32 s3, s4  }
0x78: {  	[tilespmem:s0+$0x800] =	vst v2;
	p0 =	por !p0, !p1  }
0x79: {  	s1 =	simm.s32 $0x1;
	[tilespmem:s0+$0xF00] =	vst v3;
	p0 =	por !p0, !p0  }
0x7a: {  	[tilespmem:s0+$0x810] =	vst v2;
	s1 =	simm.s32 @!p0 $0x0  }
0x7b: {  	[tilespmem:s0+$0xF10] =	vst v3;
	s1 =	ssub.s32 s2, s1  }
0x7c: {  	[tilespmem:s0+$0x820] =	vst v2;
	p0 =	slt.s32 s1, $0x1  }
.Ltmp4:
0x7d: {  	[tilespmem:s0+$0xF20] =	vst v3;
	(pc) =	sbr.rel @p0 .LBB2_9-.Ltmp4, $4  }
0x7e: {  	[tilespmem:s0+$0x830] =	vst v2  }
0x7f: {  	[tilespmem:s0+$0xF30] =	vst v3  }
0x80: {  	[tilespmem:s0+$0x840] =	vst v2  }
0x81: {  	s28 =	simm.s32 $0xF00;
	[tilespmem:s0+$0xF40] =	vst v3;
	s2 =	simm.s32 $0x0;
	[dreg:$0xa] =	wrdreg s1  }
.LBB2_6:
0x82: {  	[dreg:$0xb] =	wrdreg s2;
	s0 =	smul.u32 $0x50, s2  }
0x83: {  	s1 =	rddreg [dreg:$0x4];
	s9 =	simm.s32 $0x50  }
0x84: {  	s3 =	simm.s32 $0x1600;
	s10 =	simm.s32 $0x1;
	s0 =	sadd.s32 $0x800, s0  }
0x85: {  	[tilespmem:s3], [sflag:$0x1] =	stream.indirect.gather [hbm4b:s1+s9], $0x80, s0, s9, $0xb8;
	[tilespmem:$0x10600] =	vst v63  }
0x86: {  	_ =	swait.ge [sflag:s10], $0x2800  }
0x87: {  	[sflag:s10] =	ssyncset.done $0x0  }
0x88: {  	[sflag:s10] =	ssyncadd.s32 $0xFFFFD800  }
0x89: {  	v2 =	vld [tilespmem:s28+$0x0];
	_ =	sdelay $0x4  }
0x8a: {  	(v2sf) =	vpush v2, $0x0;
	_ =	sdelay $0xb  }
0x8b: {  	(v2sf) =	vpush v2, $0x1;
	_ =	sdelay $0x2  }
0x8c: {  	s11 =	spop (v2sf)  }
0x8d: {  	s12 =	sshra.s32 s11, $0xB  }
0x8e: {  	s1 =	sand.u32 $0xFFFFFFE0, s12  }
0x8f: {  	s1 =	sadd.s32 $0x0, s1  }
0x90: {  	v3 =	vld [tilespmem:s1+$0x1600];
	_ =	sdelay $0x2  }
0x91: {  	s0 =	sshll.u32 s11, $0x5  }
0x92: {  	s0 =	sand.u32 $0x1FFFE0, s0  }
0x93: {  	(v2sf) =	vpush v2, $0x2;
	[tilespmem:s0+$0x3E00] =	vst v3  }
0x94: {  	v3 =	vld [tilespmem:s1+$0x1610];
	_ =	sdelay $0x1  }
0x95: {  	s13 =	spop (v2sf)  }
0x96: {  	s14 =	sshra.s32 s13, $0xB  }
0x97: {  	s2 =	sand.u32 $0xFFFFFFE0, s14  }
0x98: {  	s15 =	sadd.s32 $0x0, s2;
	[tilespmem:s0+$0x3E10] =	vst v3  }
0x99: {  	v3 =	vld [tilespmem:s15+$0x1680];
	_ =	sdelay $0x2  }
0x9a: {  	s1 =	sshll.u32 s13, $0x5  }
0x9b: {  	s1 =	sand.u32 $0x1FFFE0, s1  }
0x9c: {  	(v2sf) =	vpush v2, $0x3;
	[tilespmem:s1+$0x3E00] =	vst v3  }
0x9d: {  	v3 =	vld [tilespmem:s15+$0x1690];
	_ =	sdelay $0x1  }
0x9e: {  	s16 =	spop (v2sf)  }
0x9f: {  	s17 =	sshra.s32 s16, $0xB  }
0xa0: {  	s2 =	sand.u32 $0xFFFFFFE0, s17  }
0xa1: {  	s18 =	sadd.s32 $0x0, s2;
	[tilespmem:s1+$0x3E10] =	vst v3  }
0xa2: {  	v3 =	vld [tilespmem:s18+$0x1700];
	_ =	sdelay $0x2  }
0xa3: {  	s0 =	sshll.u32 s16, $0x5  }
0xa4: {  	s0 =	sand.u32 $0x1FFFE0, s0  }
0xa5: {  	(v2sf) =	vpush v2, $0x4;
	[tilespmem:s0+$0x3E00] =	vst v3  }
0xa6: {  	v3 =	vld [tilespmem:s18+$0x1710];
	_ =	sdelay $0x1  }
0xa7: {  	s19 =	spop (v2sf)  }
0xa8: {  	s20 =	sshra.s32 s19, $0xB  }
0xa9: {  	s2 =	sand.u32 $0xFFFFFFE0, s20  }
0xaa: {  	s21 =	sadd.s32 $0x0, s2;
	[tilespmem:s0+$0x3E10] =	vst v3  }
0xab: {  	v3 =	vld [tilespmem:s21+$0x1780];
	_ =	sdelay $0x2  }
0xac: {  	s1 =	sshll.u32 s19, $0x5  }
0xad: {  	s1 =	sand.u32 $0x1FFFE0, s1  }
0xae: {  	(v2sf) =	vpush v2, $0x5;
	[tilespmem:s1+$0x3E00] =	vst v3  }
0xaf: {  	v3 =	vld [tilespmem:s21+$0x1790];
	_ =	sdelay $0x1  }
0xb0: {  	s22 =	spop (v2sf)  }
0xb1: {  	s23 =	sshra.s32 s22, $0xB  }
0xb2: {  	s2 =	sand.u32 $0xFFFFFFE0, s23  }
0xb3: {  	s24 =	sadd.s32 $0x0, s2;
	[tilespmem:s1+$0x3E10] =	vst v3  }
0xb4: {  	v3 =	vld [tilespmem:s24+$0x1800];
	_ =	sdelay $0x2  }
0xb5: {  	s0 =	sshll.u32 s22, $0x5  }
0xb6: {  	s0 =	sand.u32 $0x1FFFE0, s0  }
0xb7: {  	(v2sf) =	vpush v2, $0x6;
	[tilespmem:s0+$0x3E00] =	vst v3  }
0xb8: {  	v3 =	vld [tilespmem:s24+$0x1810];
	_ =	sdelay $0x1  }
0xb9: {  	s25 =	spop (v2sf)  }
0xba: {  	s26 =	sshra.s32 s25, $0xB  }
0xbb: {  	s2 =	sand.u32 $0xFFFFFFE0, s26  }
0xbc: {  	s29 =	sadd.s32 $0x0, s2;
	[tilespmem:s0+$0x3E10] =	vst v3  }
0xbd: {  	v3 =	vld [tilespmem:s29+$0x1880];
	_ =	sdelay $0x2  }
0xbe: {  	s1 =	sshll.u32 s25, $0x5  }
0xbf: {  	s1 =	sand.u32 $0x1FFFE0, s1  }
0xc0: {  	(v2sf) =	vpush v2, $0x7;
	[tilespmem:s1+$0x3E00] =	vst v3  }
0xc1: {  	v3 =	vld [tilespmem:s29+$0x1890];
	_ =	sdelay $0x1  }
0xc2: {  	s30 =	spop (v2sf)  }
0xc3: {  	s31 =	sshra.s32 s30, $0xB  }
0xc4: {  	s2 =	sand.u32 $0xFFFFFFE0, s31  }
0xc5: {  	s2 =	sadd.s32 $0x0, s2;
	[tilespmem:s1+$0x3E10] =	vst v3  }
0xc6: {  	v3 =	vld [tilespmem:s2+$0x1900];
	_ =	sdelay $0x2  }
0xc7: {  	s0 =	sshll.u32 s30, $0x5  }
0xc8: {  	s0 =	sand.u32 $0x1FFFE0, s0  }
0xc9: {  	(v2sf) =	vpush v2, $0x8;
	[tilespmem:s0+$0x3E00] =	vst v3  }
0xca: {  	v3 =	vld [tilespmem:s2+$0x1910];
	_ =	sdelay $0x1  }
0xcb: {  	s3 =	spop (v2sf)  }
0xcc: {  	s4 =	sshra.s32 s3, $0xB  }
0xcd: {  	s2 =	sand.u32 $0xFFFFFFE0, s4  }
0xce: {  	s5 =	sadd.s32 $0x0, s2;
	[tilespmem:s0+$0x3E10] =	vst v3  }
0xcf: {  	v3 =	vld [tilespmem:s5+$0x1980];
	_ =	sdelay $0x2  }
0xd0: {  	s1 =	sshll.u32 s3, $0x5  }
0xd1: {  	s1 =	sand.u32 $0x1FFFE0, s1  }
0xd2: {  	(v2sf) =	vpush v2, $0x9;
	[tilespmem:s1+$0x3E00] =	vst v3  }
0xd3: {  	v3 =	vld [tilespmem:s5+$0x1990];
	_ =	sdelay $0x1  }
0xd4: {  	s6 =	spop (v2sf)  }
0xd5: {  	s7 =	sshra.s32 s6, $0xB  }
0xd6: {  	s2 =	sand.u32 $0xFFFFFFE0, s7  }
0xd7: {  	s8 =	sadd.s32 $0x0, s2;
	[tilespmem:s1+$0x3E10] =	vst v3  }
0xd8: {  	v3 =	vld [tilespmem:s8+$0x1A00];
	_ =	sdelay $0x2  }
0xd9: {  	s0 =	sshll.u32 s6, $0x5  }
0xda: {  	s0 =	sand.u32 $0x1FFFE0, s0  }
0xdb: {  	(v2sf) =	vpush v2, $0xA;
	[tilespmem:s0+$0x3E00] =	vst v3  }
0xdc: {  	v3 =	vld [tilespmem:s8+$0x1A10];
	_ =	sdelay $0x1  }
0xdd: {  	s9 =	spop (v2sf)  }
0xde: {  	s10 =	sshra.s32 s9, $0xB  }
0xdf: {  	s2 =	sand.u32 $0xFFFFFFE0, s10  }
0xe0: {  	s11 =	sadd.s32 $0x0, s2;
	[tilespmem:s0+$0x3E10] =	vst v3  }
0xe1: {  	v3 =	vld [tilespmem:s11+$0x1A80];
	_ =	sdelay $0x2  }
0xe2: {  	s1 =	sshll.u32 s9, $0x5  }
0xe3: {  	s1 =	sand.u32 $0x1FFFE0, s1  }
0xe4: {  	(v2sf) =	vpush v2, $0xB;
	[tilespmem:s1+$0x3E00] =	vst v3  }
0xe5: {  	v3 =	vld [tilespmem:s11+$0x1A90];
	_ =	sdelay $0x1  }
0xe6: {  	s12 =	spop (v2sf)  }
0xe7: {  	s13 =	sshra.s32 s12, $0xB  }
0xe8: {  	s2 =	sand.u32 $0xFFFFFFE0, s13  }
0xe9: {  	s14 =	sadd.s32 $0x0, s2;
	[tilespmem:s1+$0x3E10] =	vst v3  }
0xea: {  	v3 =	vld [tilespmem:s14+$0x1B00];
	_ =	sdelay $0x2  }
0xeb: {  	s0 =	sshll.u32 s12, $0x5  }
0xec: {  	s0 =	sand.u32 $0x1FFFE0, s0  }
0xed: {  	(v2sf) =	vpush v2, $0xC;
	[tilespmem:s0+$0x3E00] =	vst v3  }
0xee: {  	v3 =	vld [tilespmem:s14+$0x1B10];
	_ =	sdelay $0x1  }
0xef: {  	s15 =	spop (v2sf)  }
0xf0: {  	s16 =	sshra.s32 s15, $0xB  }
0xf1: {  	s2 =	sand.u32 $0xFFFFFFE0, s16  }
0xf2: {  	s17 =	sadd.s32 $0x0, s2;
	[tilespmem:s0+$0x3E10] =	vst v3  }
0xf3: {  	v3 =	vld [tilespmem:s17+$0x1B80];
	_ =	sdelay $0x2  }
0xf4: {  	s1 =	sshll.u32 s15, $0x5  }
0xf5: {  	s1 =	sand.u32 $0x1FFFE0, s1  }
0xf6: {  	(v2sf) =	vpush v2, $0xD;
	[tilespmem:s1+$0x3E00] =	vst v3  }
0xf7: {  	v3 =	vld [tilespmem:s17+$0x1B90];
	_ =	sdelay $0x1  }
0xf8: {  	s18 =	spop (v2sf)  }
0xf9: {  	s19 =	sshra.s32 s18, $0xB  }
0xfa: {  	s2 =	sand.u32 $0xFFFFFFE0, s19  }
0xfb: {  	s20 =	sadd.s32 $0x0, s2;
	[tilespmem:s1+$0x3E10] =	vst v3  }
0xfc: {  	v3 =	vld [tilespmem:s20+$0x1C00];
	_ =	sdelay $0x2  }
0xfd: {  	s0 =	sshll.u32 s18, $0x5  }
0xfe: {  	s0 =	sand.u32 $0x1FFFE0, s0  }
0xff: {  	(v2sf) =	vpush v2, $0xE;
	[tilespmem:s0+$0x3E00] =	vst v3  }
0x100: {  	v3 =	vld [tilespmem:s20+$0x1C10];
	_ =	sdelay $0x1  }
0x101: {  	s21 =	spop (v2sf)  }
0x102: {  	s22 =	sshra.s32 s21, $0xB  }
0x103: {  	s2 =	sand.u32 $0xFFFFFFE0, s22  }
0x104: {  	s23 =	sadd.s32 $0x0, s2;
	[tilespmem:s0+$0x3E10] =	vst v3  }
0x105: {  	v3 =	vld [tilespmem:s23+$0x1C80];
	_ =	sdelay $0x2  }
0x106: {  	s1 =	sshll.u32 s21, $0x5  }
0x107: {  	s1 =	sand.u32 $0x1FFFE0, s1  }
0x108: {  	(v2sf) =	vpush v2, $0xF;
	[tilespmem:s1+$0x3E00] =	vst v3  }
0x109: {  	v2 =	vld [tilespmem:s23+$0x1C90];
	_ =	sdelay $0x1  }
0x10a: {  	s24 =	spop (v2sf)  }
0x10b: {  	s25 =	sshra.s32 s24, $0xB  }
0x10c: {  	s2 =	sand.u32 $0xFFFFFFE0, s25  }
0x10d: {  	s26 =	sadd.s32 $0x0, s2;
	[tilespmem:s1+$0x3E10] =	vst v2  }
0x10e: {  	v2 =	vld [tilespmem:s26+$0x1D00];
	_ =	sdelay $0x2  }
0x10f: {  	s0 =	sshll.u32 s24, $0x5  }
0x110: {  	s0 =	sand.u32 $0x1FFFE0, s0  }
0x111: {  	[tilespmem:s0+$0x3E00] =	vst v2  }
0x112: {  	v2 =	vld [tilespmem:s26+$0x1D10];
	_ =	sdelay $0x1  }
0x113: {  	s29 =	spop (v2sf)  }
0x114: {  	s30 =	sshra.s32 s29, $0xB  }
0x115: {  	s2 =	sand.u32 $0xFFFFFFE0, s30  }
0x116: {  	s2 =	sadd.s32 $0x0, s2;
	[tilespmem:s0+$0x3E10] =	vst v2  }
0x117: {  	v2 =	vld [tilespmem:s2+$0x1D80];
	_ =	sdelay $0x2  }
0x118: {  	s31 =	sshll.u32 s29, $0x5  }
0x119: {  	s0 =	sand.u32 $0x1FFFE0, s31  }
0x11a: {  	[tilespmem:s0+$0x3E00] =	vst v2  }
0x11b: {  	[dreg:$0xc] =	wrdreg s28;
	s19 =	simm.s32 $0x2000;
	v2 =	vld [tilespmem:s2+$0x1D90]  }
.LBB2_7:
0x11c: {  	_ =	sdelay $0x3  }
0x11d: {  	s28 =	sadd.s32 $0x10, s28;
	[tilespmem:s0+$0x3E10] =	vst v2  }
0x11e: {  	v2 =	vld [tilespmem:s28+$0x0];
	_ =	sdelay $0x4  }
0x11f: {  	(v2sf) =	vpush v2, $0x0;
	_ =	sdelay $0x2  }
0x120: {  	(v2sf) =	vpush v2, $0x1  }
0x121: {  	(v2sf) =	vpush v2, $0x2;
	_ =	sdelay $0x3  }
0x122: {  	(v2sf) =	vpush v2, $0x3  }
0x123: {  	(v2sf) =	vpush v2, $0x4  }
0x124: {  	(v2sf) =	vpush v2, $0x5;
	_ =	sdelay $0x1  }
0x125: {  	(v2sf) =	vpush v2, $0x6  }
0x126: {  	(v2sf) =	vpush v2, $0x7;
	_ =	sdelay $0x1  }
0x127: {  	(v2sf) =	vpush v2, $0x8;
	s5 =	spop (v2sf)  }
0x128: {  	s4 =	smov.u32 s19;
	(v2sf) =	vpush v2, $0x9;
	s1 =	sshra.s32 s5, $0xB  }
0x129: {  	s21 =	sshra.s32 s4, $0x2;
	(v2sf) =	vpush v2, $0xA;
	s1 =	sand.u32 $0xFFFFFFE0, s1  }
0x12a: {  	s2 =	spop (v2sf);
	(v2sf) =	vpush v2, $0xB;
	s1 =	sadd.s32 s21, s1  }
0x12b: {  	s6 =	spop (v2sf);
	(v2sf) =	vpush v2, $0xC;
	v3 =	vld [tilespmem:s1+$0x1600];
	_ =	sdelay $0x2  }
0x12c: {  	s0 =	sshll.u32 s5, $0x5  }
0x12d: {  	s0 =	sand.u32 $0x1FFFE0, s0;
	s8 =	spop (v2sf);
	(v2sf) =	vpush v2, $0xD  }
0x12e: {  	s9 =	spop (v2sf);
	(v2sf) =	vpush v2, $0xE;
	[tilespmem:s0+$0x3E00] =	vst v3  }
0x12f: {  	s12 =	spop (v2sf);
	(v2sf) =	vpush v2, $0xF;
	v2 =	vld [tilespmem:s1+$0x1610];
	_ =	sdelay $0x1  }
0x130: {  	s14 =	spop (v2sf)  }
0x131: {  	s3 =	sshra.s32 s2, $0xB;
	s7 =	sshra.s32 s6, $0xB;
	s23 =	spop (v2sf)  }
0x132: {  	s4 =	sand.u32 $0xFFFFFFE0, s3;
	s18 =	sand.u32 $0xFFFFFFE0, s7;
	s24 =	sshra.s32 s23, $0xB  }
0x133: {  	s7 =	sshll.u32 s23, $0x5;
	s25 =	spop (v2sf);
	s23 =	sadd.s32 s21, s4;
	[tilespmem:s0+$0x3E10] =	vst v2  }
0x134: {  	s22 =	sshll.u32 s2, $0x5;
	s5 =	sshra.s32 s8, $0xB;
	s26 =	spop (v2sf);
	v2 =	vld [tilespmem:s23+$0x1680]  }
0x135: {  	s17 =	sshll.u32 s6, $0x5;
	s16 =	sand.u32 $0xFFFFFFE0, s5;
	s29 =	spop (v2sf)  }
0x136: {  	s6 =	sshra.s32 s25, $0xB;
	s5 =	sshll.u32 s25, $0x5;
	s31 =	spop (v2sf)  }
0x137: {  	s30 =	sshra.s32 s29, $0xB;
	s1 =	sshll.u32 s29, $0x5;
	s0 =	spop (v2sf)  }
0x138: {  	s25 =	sshra.s32 s0, $0xB;
	s29 =	sshll.u32 s0, $0x5;
	s0 =	sand.u32 $0x1FFFE0, s22  }
0x139: {  	[tilespmem:s0+$0x3E00] =	vst v2  }
0x13a: {  	v2 =	vld [tilespmem:s23+$0x1690];
	_ =	sdelay $0x4  }
0x13b: {  	s18 =	sadd.s32 s21, s18;
	[tilespmem:s0+$0x3E10] =	vst v2  }
0x13c: {  	v2 =	vld [tilespmem:s18+$0x1700];
	_ =	sdelay $0x3  }
0x13d: {  	s17 =	sand.u32 $0x1FFFE0, s17  }
0x13e: {  	[tilespmem:s17+$0x3E00] =	vst v2  }
0x13f: {  	v2 =	vld [tilespmem:s18+$0x1710];
	_ =	sdelay $0x4  }
0x140: {  	s18 =	sadd.s32 s21, s16;
	[tilespmem:s17+$0x3E10] =	vst v2  }
0x141: {  	v2 =	vld [tilespmem:s18+$0x1780];
	_ =	sdelay $0x2  }
0x142: {  	s3 =	sshll.u32 s8, $0x5  }
0x143: {  	s3 =	sand.u32 $0x1FFFE0, s3  }
0x144: {  	[tilespmem:s3+$0x3E00] =	vst v2  }
0x145: {  	v2 =	vld [tilespmem:s18+$0x1790];
	_ =	sdelay $0x2  }
0x146: {  	s10 =	sshra.s32 s9, $0xB  }
0x147: {  	s11 =	sshll.u32 s9, $0x5;
	s9 =	sand.u32 $0xFFFFFFE0, s10  }
0x148: {  	[tilespmem:s3+$0x3E10] =	vst v2;
	s3 =	sadd.s32 s21, s9  }
0x149: {  	v2 =	vld [tilespmem:s3+$0x1800];
	_ =	sdelay $0x3  }
0x14a: {  	s9 =	sand.u32 $0x1FFFE0, s11  }
0x14b: {  	[tilespmem:s9+$0x3E00] =	vst v2  }
0x14c: {  	v2 =	vld [tilespmem:s3+$0x1810];
	_ =	sdelay $0x2  }
0x14d: {  	s13 =	sshra.s32 s12, $0xB  }
0x14e: {  	s10 =	sand.u32 $0xFFFFFFE0, s13  }
0x14f: {  	s11 =	sadd.s32 s21, s10;
	[tilespmem:s9+$0x3E10] =	vst v2  }
0x150: {  	v2 =	vld [tilespmem:s11+$0x1880];
	_ =	sdelay $0x2  }
0x151: {  	s15 =	sshll.u32 s12, $0x5  }
0x152: {  	s16 =	sand.u32 $0x1FFFE0, s15  }
0x153: {  	[tilespmem:s16+$0x3E00] =	vst v2  }
0x154: {  	v2 =	vld [tilespmem:s11+$0x1890];
	_ =	sdelay $0x2  }
0x155: {  	s20 =	sshra.s32 s14, $0xB  }
0x156: {  	s8 =	sshll.u32 s14, $0x5;
	s14 =	sand.u32 $0xFFFFFFE0, s20  }
0x157: {  	s17 =	sadd.s32 s21, s14;
	[tilespmem:s16+$0x3E10] =	vst v2  }
0x158: {  	v2 =	vld [tilespmem:s17+$0x1900];
	_ =	sdelay $0x3  }
0x159: {  	s18 =	sand.u32 $0x1FFFE0, s8  }
0x15a: {  	[tilespmem:s18+$0x3E00] =	vst v2  }
0x15b: {  	v2 =	vld [tilespmem:s17+$0x1910];
	_ =	sdelay $0x3  }
0x15c: {  	s2 =	sand.u32 $0xFFFFFFE0, s24  }
0x15d: {  	s3 =	sadd.s32 s21, s2;
	[tilespmem:s18+$0x3E10] =	vst v2  }
0x15e: {  	v2 =	vld [tilespmem:s3+$0x1980];
	_ =	sdelay $0x3  }
0x15f: {  	s8 =	sand.u32 $0x1FFFE0, s7  }
0x160: {  	[tilespmem:s8+$0x3E00] =	vst v2  }
0x161: {  	v2 =	vld [tilespmem:s3+$0x1990];
	_ =	sdelay $0x3  }
0x162: {  	s6 =	sand.u32 $0xFFFFFFE0, s6  }
0x163: {  	s9 =	sadd.s32 s21, s6;
	[tilespmem:s8+$0x3E10] =	vst v2  }
0x164: {  	v2 =	vld [tilespmem:s9+$0x1A00];
	_ =	sdelay $0x3  }
0x165: {  	s10 =	sand.u32 $0x1FFFE0, s5  }
0x166: {  	[tilespmem:s10+$0x3E00] =	vst v2  }
0x167: {  	v2 =	vld [tilespmem:s9+$0x1A10];
	_ =	sdelay $0x2  }
0x168: {  	s13 =	sshra.s32 s26, $0xB  }
0x169: {  	s4 =	sand.u32 $0xFFFFFFE0, s13  }
0x16a: {  	s11 =	sadd.s32 s21, s4;
	[tilespmem:s10+$0x3E10] =	vst v2  }
0x16b: {  	v2 =	vld [tilespmem:s11+$0x1A80];
	_ =	sdelay $0x2  }
0x16c: {  	s12 =	sshll.u32 s26, $0x5  }
0x16d: {  	s12 =	sand.u32 $0x1FFFE0, s12  }
0x16e: {  	[tilespmem:s12+$0x3E00] =	vst v2  }
0x16f: {  	v2 =	vld [tilespmem:s11+$0x1A90];
	_ =	sdelay $0x3  }
0x170: {  	s13 =	sand.u32 $0xFFFFFFE0, s30  }
0x171: {  	s14 =	sadd.s32 s21, s13;
	[tilespmem:s12+$0x3E10] =	vst v2  }
0x172: {  	v2 =	vld [tilespmem:s14+$0x1B00];
	_ =	sdelay $0x3  }
0x173: {  	s1 =	sand.u32 $0x1FFFE0, s1  }
0x174: {  	[tilespmem:s1+$0x3E00] =	vst v2  }
0x175: {  	v2 =	vld [tilespmem:s14+$0x1B10];
	_ =	sdelay $0x2  }
0x176: {  	s24 =	sshra.s32 s31, $0xB  }
0x177: {  	s26 =	sand.u32 $0xFFFFFFE0, s24  }
0x178: {  	s15 =	sadd.s32 s21, s26;
	[tilespmem:s1+$0x3E10] =	vst v2  }
0x179: {  	v2 =	vld [tilespmem:s15+$0x1B80];
	_ =	sdelay $0x2  }
0x17a: {  	s31 =	sshll.u32 s31, $0x5  }
0x17b: {  	s16 =	sand.u32 $0x1FFFE0, s31  }
0x17c: {  	[tilespmem:s16+$0x3E00] =	vst v2  }
0x17d: {  	v2 =	vld [tilespmem:s15+$0x1B90];
	_ =	sdelay $0x3  }
0x17e: {  	s30 =	sand.u32 $0xFFFFFFE0, s25  }
0x17f: {  	s17 =	sadd.s32 s21, s30;
	[tilespmem:s16+$0x3E10] =	vst v2  }
0x180: {  	v2 =	vld [tilespmem:s17+$0x1C00];
	_ =	sdelay $0x3  }
0x181: {  	s18 =	sand.u32 $0x1FFFE0, s29  }
0x182: {  	[tilespmem:s18+$0x3E00] =	vst v2  }
0x183: {  	v2 =	vld [tilespmem:s17+$0x1C10];
	_ =	sdelay $0x1  }
0x184: {  	s20 =	spop (v2sf)  }
0x185: {  	s22 =	sshra.s32 s20, $0xB  }
0x186: {  	s22 =	sand.u32 $0xFFFFFFE0, s22  }
0x187: {  	s22 =	sadd.s32 s21, s22;
	[tilespmem:s18+$0x3E10] =	vst v2  }
0x188: {  	v2 =	vld [tilespmem:s22+$0x1C80]  }
0x189: {  	s20 =	sshll.u32 s20, $0x5  }
0x18a: {  	[dreg:$0x3] =	wrdreg s20  }
0x18b: {  	s26 =	rddreg [dreg:$0x3]  }
0x18c: {  	s1 =	sand.u32 $0x1FFFE0, s26  }
0x18d: {  	[tilespmem:s1+$0x3E00] =	vst v2  }
0x18e: {  	v2 =	vld [tilespmem:s22+$0x1C90];
	_ =	sdelay $0x1  }
0x18f: {  	s20 =	spop (v2sf)  }
0x190: {  	s25 =	sshra.s32 s20, $0xB  }
0x191: {  	s25 =	sand.u32 $0xFFFFFFE0, s25  }
0x192: {  	s29 =	sadd.s32 s21, s25;
	[tilespmem:s1+$0x3E10] =	vst v2  }
0x193: {  	v2 =	vld [tilespmem:s29+$0x1D00];
	_ =	sdelay $0x2  }
0x194: {  	s24 =	sshll.u32 s20, $0x5  }
0x195: {  	s30 =	sand.u32 $0x1FFFE0, s24  }
0x196: {  	[tilespmem:s30+$0x3E00] =	vst v2  }
0x197: {  	v2 =	vld [tilespmem:s29+$0x1D10];
	_ =	sdelay $0x1  }
0x198: {  	s20 =	spop (v2sf)  }
0x199: {  	s23 =	sshra.s32 s20, $0xB  }
0x19a: {  	s23 =	sand.u32 $0xFFFFFFE0, s23  }
0x19b: {  	s31 =	sadd.s32 s21, s23;
	[tilespmem:s30+$0x3E10] =	vst v2  }
0x19c: {  	v2 =	vld [tilespmem:s31+$0x1D80]  }
0x19d: {  	p0 =	sne.s32 s19, $0x8000  }
.Ltmp5:
0x19e: {  	_ = 	snop;
	(pc) =	sbr.rel @p0 .LBB2_7-.Ltmp5, $4  }
0x19f: {  	s20 =	sshll.u32 s20, $0x5  }
0x1a0: {  	s0 =	sand.u32 $0x1FFFE0, s20  }
0x1a1: {  	[tilespmem:s0+$0x3E00] =	vst v2  }
0x1a2: {  	s19 =	sadd.s32 $0x2000, s19;
	v2 =	vld [tilespmem:s31+$0x1D90]  }
0x1a3: {  	s2 =	rddreg [dreg:$0xb]  }
0x1a4: {  	s1 =	rddreg [dreg:$0xa];
	s2 =	sadd.s32 $0x1, s2  }
0x1a5: {  	p0 =	sne.s32 s2, s1  }
.Ltmp6:
0x1a6: {  	_ = 	snop;
	(pc) =	sbr.rel @p0 .LBB2_6-.Ltmp6, $4  }
.Ltmp7:
0x1a7: {  	_ = 	snop;
	(pc) =	sbr.rel @!p0 .LBB2_9-.Ltmp7, $4  }
0x1a8: {  	_ = 	snop  }
0x1a9: {  	s28 =	rddreg [dreg:$0xc]  }
0x1aa: {  	s28 =	sadd.s32 $0x50, s28;
	[tilespmem:s0+$0x3E10] =	vst v2  }
0x1ab: {  	_ = 	snop  }
.LBB2_10:
0x1ac: {  	_ =	sfence.sel $0x180000  }
0x1ad: {  	[bflag:$0x0] =	sbarrier.arrive $0xFFFF  }
0x1ae: {  	_ =	strace $0x90000047  }
0x1af: {  	s0 =	stileid.u32;
	[bflag:$0x2] =	sbarrier.arrive $0xFFFF  }
0x1b0: {  	p0 =	sne.s32 s0, $0x0;
	s0 =	rddreg [dreg:$0x2]  }
0x1b1: {  	s0 =	sadd.s32 @!p0 $0x100000, s0  }
0x1b2: {  	[sflag:s0] =	ssyncadd.tile.s32 @!p0 $0x1;
	_ =	shalt  }
.Lfunc_end2:
_tile_overlayer_lowered:
.L_overlay_start_2:
0x1b3: {  	(tag) =	ssettag $0x2  }
0x1b4: {  	s0 =	rddreg [dreg:$0x0];
	s2 =	stileid.u32  }
0x1b5: {  	s1 =	rddreg [dreg:$0x1];
	p0 =	sne.s32 s2, $0x0  }
0x1b6: {  	s3 =	rddreg [dreg:$0x2];
	[bflag:$0x3] =	sbarrier.arrive $0xFFFF;
	s2 =	simm.s32 @!p0 $0x1C03  }
0x1b7: {  	[timem:s3], [sflag:s2] =	dma.local @!p0 [hbm:s0], s1  }
0x1b8: {  	s0 =	simm.s32 @!p0 $0x3  }
0x1b9: {  	_ =	swait.ge @!p0 [sflag:s0], s1  }
0x1ba: {  	s1 =	ssub.s32 @!p0 $0x0, s1;
	[sflag:s0] =	ssyncset.done @!p0 $0x0  }
0x1bb: {  	[sflag:s0] =	ssyncadd.s32 @!p0 s1  }
0x1bc: {  	[bflag:$0x3] =	sbarrier.arrive $0xFFFF  }
0x1bd: {  	_ =	shalt  }

</sc_bundles>
